<compile_context>
chip_gen: v7x
topology: tpu7x:2x2x1
jax: 0.10.2.dev20260603
libtpu: 0.0.44.dev20260713+nightly
codegen_flags: <defaults>
</compile_context>

<pallas_src>
import jax
import jax.numpy as jnp
from jax import lax
from jax.experimental import pallas as pl
from jax.experimental.pallas import tpu as pltpu
from jax.experimental.pallas import tpu_sc as plsc

N_NODES = 10000
N_PAD = 10240
N_EDGES = 320000
D = 128
LATENT = 64

NC = 2
NS = 16
NW = NC * NS
L = 16
EPW = N_EDGES // NW
B = 80
NBLK = EPW // B
DROWS = N_PAD // D
RPT = N_PAD // NS

_mesh = plsc.VectorSubcoreMesh(
    core_axis_name="c", subcore_axis_name="s", num_cores=NC, num_subcores=NS
)
_sc_params = pltpu.CompilerParams(needs_layout_passes=False)


def _zero_rows(ref, nrows):
  zero16 = jnp.zeros((L,), jnp.float32)

  def body(r, _):
    for c in range(D // L):
      ref[r, pl.ds(c * L, L)] = zero16
    return 0

  lax.fori_loop(0, nrows, body, 0)


_NPT = N_PAD // NS


def _deg_body(eflat_hbm, out0_hbm, out1_hbm, dst_stage, deg_local, red, acc,
              slots):
  cid = lax.axis_index("c")
  sid = lax.axis_index("s")
  wid = sid * NC + cid

  zero16 = jnp.zeros((L,), jnp.float32)

  def zloc(i, _):
    deg_local[pl.ds(i * L, L)] = zero16
    return 0

  lax.fori_loop(0, N_PAD // L, zloc, 0)

  pltpu.sync_copy(eflat_hbm.at[pl.ds(N_EDGES + wid * EPW, EPW)], dst_stage)
  ones16 = jnp.ones((L,), jnp.float32)

  def hist(i, _):
    d = dst_stage[pl.ds(i * L, L)]
    plsc.addupdate_scatter(deg_local, [d], ones16)
    return 0

  lax.fori_loop(0, EPW // L, hist, 0)

  pltpu.sync_copy(deg_local, slots.at[sid])
  plsc.subcore_barrier()
  for k in range(NS):
    pltpu.sync_copy(slots.at[k, pl.ds(sid * _NPT, _NPT)], red.at[k])

  def rbody(j, _):
    s = red[0, pl.ds(j * L, L)]
    for k in range(1, NS):
      s = s + red[k, pl.ds(j * L, L)]
    acc[pl.ds(j * L, L)] = s
    return 0

  lax.fori_loop(0, _NPT // L, rbody, 0)

  @pl.when(cid == 0)
  def _():
    pltpu.sync_copy(acc, out0_hbm.at[pl.ds(sid * _NPT, _NPT)])

  @pl.when(cid == 1)
  def _():
    pltpu.sync_copy(acc, out1_hbm.at[pl.ds(sid * _NPT, _NPT)])


_deg_call = pl.kernel(
    _deg_body,
    out_type=(jax.ShapeDtypeStruct((N_PAD,), jnp.float32),
              jax.ShapeDtypeStruct((N_PAD,), jnp.float32)),
    mesh=_mesh,
    scratch_types=[
        pltpu.VMEM((EPW,), jnp.int32),
        pltpu.VMEM((N_PAD,), jnp.float32),
        pltpu.VMEM((NS, _NPT), jnp.float32),
        pltpu.VMEM((_NPT,), jnp.float32),
        pltpu.VMEM_SHARED((NS, N_PAD), jnp.float32),
    ],
    compiler_params=_sc_params,
)


def _spmm_body(y_hbm, eflat_hbm, out_hbm, src_all, dst_all, rows0,
               rows1, zbuf, sem0, sem1, semz, accum):
  cid = lax.axis_index("c")
  sid = lax.axis_index("s")
  wid = sid * NC + cid

  ebase = wid * EPW
  stage_s = pltpu.make_async_copy(eflat_hbm.at[pl.ds(ebase, EPW)], src_all,
                                  sem0)
  stage_d = pltpu.make_async_copy(eflat_hbm.at[pl.ds(N_EDGES + ebase, EPW)],
                                  dst_all, sem1)
  stage_s.start()
  stage_d.start()

  _zero_rows(zbuf, 64)
  zcopies = [
      pltpu.make_async_copy(zbuf, accum.at[pl.ds(sid * RPT + k * 64, 64)],
                            semz) for k in range(RPT // 64)
  ]
  for zc in zcopies:
    zc.start()
  for zc in zcopies:
    zc.wait()
  stage_s.wait()
  stage_d.wait()
  plsc.subcore_barrier()

  def gather(j, rows, sem):
    return pltpu.make_async_copy(
        y_hbm.at[src_all.at[pl.ds(j * B, B)]], rows, sem)

  def scatter(j, rows):
    pltpu.sync_copy(rows, accum.at[dst_all.at[pl.ds(j * B, B)]], add=True)

  gather(0, rows0, sem0).start()

  def pair(i, _):
    j = i * 2
    gather(j + 1, rows1, sem1).start()
    gather(j, rows0, sem0).wait()
    scatter(j, rows0)
    gather(j + 2, rows0, sem0).start()
    gather(j + 1, rows1, sem1).wait()
    scatter(j + 1, rows1)
    return 0

  lax.fori_loop(0, (NBLK - 1) // 2, pair, 0)
  gather(NBLK - 1, rows0, sem0).wait()
  scatter(NBLK - 1, rows0)

  plsc.subcore_barrier()
  pltpu.sync_copy(accum.at[pl.ds(sid * RPT, RPT)],
                  out_hbm.at[cid, pl.ds(sid * RPT, RPT)])


_spmm_call = pl.kernel(
    _spmm_body,
    out_type=jax.ShapeDtypeStruct((NC, N_PAD, D), jnp.float32),
    mesh=_mesh,
    scratch_types=[
        pltpu.VMEM((EPW,), jnp.int32),
        pltpu.VMEM((EPW,), jnp.int32),
        pltpu.VMEM((B, D), jnp.float32),
        pltpu.VMEM((B, D), jnp.float32),
        pltpu.VMEM((64, D), jnp.float32),
        pltpu.SemaphoreType.DMA,
        pltpu.SemaphoreType.DMA,
        pltpu.SemaphoreType.DMA,
        pltpu.VMEM_SHARED((N_PAD, D), jnp.float32),
    ],
    compiler_params=_sc_params,
)



_RB = 1024
_GRID = N_PAD // _RB


def _lin1_body(x_ref, w_ref, d0_ref, d1_ref, y_ref, dinv_ref):
  dinv = lax.rsqrt(d0_ref[...] + d1_ref[...] + 1.0)
  h = jnp.dot(x_ref[...], w_ref[...], preferred_element_type=jnp.float32)
  y_ref[...] = dinv * h
  dinv_ref[...] = dinv


_lin1 = pl.pallas_call(
    _lin1_body,
    grid=(_GRID,),
    in_specs=[
        pl.BlockSpec((_RB, D), lambda i: (i, 0)),
        pl.BlockSpec((D, D), lambda i: (0, 0)),
        pl.BlockSpec((_RB, 1), lambda i: (i, 0)),
        pl.BlockSpec((_RB, 1), lambda i: (i, 0)),
    ],
    out_specs=[
        pl.BlockSpec((_RB, D), lambda i: (i, 0)),
        pl.BlockSpec((_RB, 1), lambda i: (i, 0)),
    ],
    out_shape=[
        jax.ShapeDtypeStruct((N_PAD, D), jnp.float32),
        jax.ShapeDtypeStruct((N_PAD, 1), jnp.float32),
    ],
)


def _lin2_body(z_ref, y1_ref, dinv_ref, b1_ref, wmu_ref, wlv_ref,
               y2_ref):
  dinv = dinv_ref[...]
  h = dinv * (z_ref[0] + z_ref[1] + y1_ref[...]) + b1_ref[...]
  h = jnp.maximum(h, 0.0)
  y2_ref[:, :LATENT] = dinv * jnp.dot(h, wmu_ref[...],
                                      preferred_element_type=jnp.float32)
  y2_ref[:, LATENT:] = dinv * jnp.dot(h, wlv_ref[...],
                                      preferred_element_type=jnp.float32)


_lin2 = pl.pallas_call(
    _lin2_body,
    grid=(_GRID,),
    in_specs=[
        pl.BlockSpec((NC, _RB, D), lambda i: (0, i, 0)),
        pl.BlockSpec((_RB, D), lambda i: (i, 0)),
        pl.BlockSpec((_RB, 1), lambda i: (i, 0)),
        pl.BlockSpec((1, D), lambda i: (0, 0)),
        pl.BlockSpec((D, LATENT), lambda i: (0, 0)),
        pl.BlockSpec((D, LATENT), lambda i: (0, 0)),
    ],
    out_specs=pl.BlockSpec((_RB, D), lambda i: (i, 0)),
    out_shape=jax.ShapeDtypeStruct((N_PAD, D), jnp.float32),
)


def _lin3_body(z_ref, y2_ref, dinv_ref, bmu_ref, blv_ref, mu_ref,
               lv_ref):
  o = dinv_ref[...] * (z_ref[0] + z_ref[1] + y2_ref[...])
  mu_ref[...] = o[:, :LATENT] + bmu_ref[...]
  lv_ref[...] = o[:, LATENT:] + blv_ref[...]


_lin3 = pl.pallas_call(
    _lin3_body,
    grid=(_GRID,),
    in_specs=[
        pl.BlockSpec((NC, _RB, D), lambda i: (0, i, 0)),
        pl.BlockSpec((_RB, D), lambda i: (i, 0)),
        pl.BlockSpec((_RB, 1), lambda i: (i, 0)),
        pl.BlockSpec((1, LATENT), lambda i: (0, 0)),
        pl.BlockSpec((1, LATENT), lambda i: (0, 0)),
    ],
    out_specs=[
        pl.BlockSpec((_RB, LATENT), lambda i: (i, 0)),
        pl.BlockSpec((_RB, LATENT), lambda i: (i, 0)),
    ],
    out_shape=[
        jax.ShapeDtypeStruct((N_NODES, LATENT), jnp.float32),
        jax.ShapeDtypeStruct((N_NODES, LATENT), jnp.float32),
    ],
)


def kernel(x, edge_index, W1, b1, W_mu, b_mu, W_logvar, b_logvar):
  eflat = edge_index.reshape(2 * N_EDGES)

  dg0, dg1 = _deg_call(eflat)
  d0 = dg0.reshape(N_PAD, 1)
  d1 = dg1.reshape(N_PAD, 1)

  y1, dinv = _lin1(x, W1, d0, d1)
  z1 = _spmm_call(y1, eflat)
  y2 = _lin2(z1, y1, dinv, b1.reshape(1, D), W_mu, W_logvar)
  z2 = _spmm_call(y2, eflat)
  mu, lv = _lin3(z2, y2, dinv, b_mu.reshape(1, LATENT),
                 b_logvar.reshape(1, LATENT))
  return mu, lv

# --- scband reference (transcript-rebuilt; emitter-appended) ---
"""Pipeline reference for scband-vencoder-18056042512862 (READ-ONLY COPY).

The authoritative reference and input builder live on the scoring server;
editing this copy changes nothing except your own understanding.
"""

import jax, jax.numpy as jnp
import numpy as np

N_NODES = 10000
N_EDGES = 320000
D_FEAT = 128
NHID = 128
LATENT = 64


def gcn_conv(x, src, dst, W, b):
    n = x.shape[0]
    loop = jnp.arange(n, dtype=src.dtype)
    s = jnp.concatenate([src, loop])
    d = jnp.concatenate([dst, loop])
    deg = jnp.zeros((n,), dtype=x.dtype).at[d].add(1.0)
    dinv = jnp.where(deg > 0, deg ** -0.5, 0.0)
    norm = dinv[s] * dinv[d]
    h = x @ W
    msg = h[s] * norm[:, None]
    out = jax.ops.segment_sum(msg, d, num_segments=n)
    return out + b


def setup_inputs(seed: int = 0):
    key = jax.random.key(seed)
    ks = jax.random.split(key, 8)
    x = jax.random.normal(ks[0], (N_NODES, D_FEAT), dtype=jnp.float32)
    edge_index = jax.random.randint(ks[1], (2, N_EDGES), 0, N_NODES, dtype=jnp.int32)
    W1 = jax.random.normal(ks[2], (D_FEAT, NHID), dtype=jnp.float32) * (1.0 / np.sqrt(D_FEAT))
    b1 = jnp.zeros((NHID,), dtype=jnp.float32)
    W_mu = jax.random.normal(ks[3], (NHID, LATENT), dtype=jnp.float32) * (1.0 / np.sqrt(NHID))
    b_mu = jnp.zeros((LATENT,), dtype=jnp.float32)
    W_logvar = jax.random.normal(ks[4], (NHID, LATENT), dtype=jnp.float32) * (1.0 / np.sqrt(NHID))
    b_logvar = jnp.zeros((LATENT,), dtype=jnp.float32)
    return {"x": x, "edge_index": edge_index, "W1": W1, "b1": b1, "W_mu": W_mu, "b_mu": b_mu, "W_logvar": W_logvar, "b_logvar": b_logvar}


def reference(x, edge_index, W1, b1, W_mu, b_mu, W_logvar, b_logvar):
    # eval mode: dropout is identity
    src, dst = edge_index[0], edge_index[1]
    h = jax.nn.relu(gcn_conv(x, src, dst, W1, b1))
    mu = gcn_conv(h, src, dst, W_mu, b_mu)
    logvar = gcn_conv(h, src, dst, W_logvar, b_logvar)
    return (mu, logvar)

if __name__ == "__main__":
    import jax
    _d = setup_inputs()
    print(jax.jit(kernel)(*tuple(_d.values())))

</pallas_src>

<mosaic_0001>
#map = affine_map<(d0, d1) -> (0)>
module attributes {stable_mosaic.version = 14 : i64} {
  func.func @_deg_body(%arg0: i32, %arg1: i32, %arg2: memref<640000xi32, #tpu.memory_space<hbm>>, %arg3: memref<10240xf32, #tpu.memory_space<hbm>>, %arg4: memref<10240xf32, #tpu.memory_space<hbm>>, %arg5: memref<10000xi32, #tpu.memory_space<vmem>>, %arg6: memref<10240xf32, #tpu.memory_space<vmem>>, %arg7: memref<16x640xf32, #tpu.memory_space<vmem>>, %arg8: memref<640xf32, #tpu.memory_space<vmem>>, %arg9: memref<16x10240xf32, #tpu.memory_space<vmem_shared>>) attributes {dimension_semantics = [#tpu.dimension_semantics<core_parallel>, #tpu.dimension_semantics<subcore_parallel>], iteration_bounds = array<i64: 2, 16>, scalar_prefetch = 0 : i64, scratch_operands = 5 : i64, tpu.core_type = #tpu.core_type<sc_vector_subcore>, window_params = [{transform_indices = #map}, {transform_indices = #map}, {transform_indices = #map}]} {
    %mul3A = arith.constant 2 : i32
    %mul3A_0 = arith.muli %arg1, %mul3A : i32
    %add3A = arith.addi %mul3A_0, %arg0 : i32
    %broadcast_in_dim3A = arith.constant 0.000000e+00 : f32
    %broadcast_in_dim3A_1 = vector.broadcast %broadcast_in_dim3A : f32 to vector<16xf32>
    %scan3A = arith.constant 0 : i32
    %scan3A_2 = arith.constant 0 : i32
    %scan3A_3 = arith.constant 640 : i32
    %scan3A_4 = arith.addi %scan3A_2, %scan3A_3 : i32
    %scan3A_5 = arith.constant 1 : i32
    %scan3A_6 = scf.for %scan3A_98 = %scan3A_2 to %scan3A_4 step %scan3A_5 iter_args(%scan3A_99 = %scan3A) -> (i32)  : i32 {
      %mul3A_100 = arith.constant 16 : i32
      %mul3A_101 = arith.muli %scan3A_98, %mul3A_100 : i32
      %swap3A = arith.index_cast %mul3A_101 : i32 to index
      %swap3A_102 = tpu.vector_load %arg6[%swap3A] {strides = array<i32>} : memref<10240xf32, #tpu.memory_space<vmem>>, vector<16xf32>,
      tpu.vector_store %arg6[%swap3A], %broadcast_in_dim3A_1 {strides = array<i32>} : memref<10240xf32, #tpu.memory_space<vmem>>, vector<16xf32>,
      %scan3A_103 = arith.constant 0 : i32
      scf.yield %scan3A_103 : i32
    }
    %scan3A_7 = arith.constant 640 : i32
    %mul3A_8 = arith.constant 10000 : i32
    %mul3A_9 = arith.muli %add3A, %mul3A_8 : i32
    %add3A_10 = arith.constant 320000 : i32
    %add3A_11 = arith.addi %add3A_10, %mul3A_9 : i32
    "tpu.region"() ({
      %run_scoped3A_98 = tpu.sem_alloc : memref<!tpu.dma_semaphore, #tpu.memory_space<semaphore_mem>>
      %dma_start3A = tpu.memref_slice %arg2[%add3A_11] : memref<640000xi32, #tpu.memory_space<hbm>> -> memref<10000xi32, #tpu.memory_space<hbm>>
      %dma_start3A_99 = tpu.memref_slice %arg2[%add3A_11] : memref<640000xi32, #tpu.memory_space<hbm>> -> memref<10000xi32, #tpu.memory_space<hbm>>
      tpu.enqueue_dma source(%dma_start3A_99 : memref<10000xi32, #tpu.memory_space<hbm>>) target(%arg5 : memref<10000xi32, #tpu.memory_space<vmem>>) target_semaphore(%run_scoped3A_98 : memref<!tpu.dma_semaphore, #tpu.memory_space<semaphore_mem>>)
      %dma_wait3A = tpu.memref_slice %arg2[%add3A_11] : memref<640000xi32, #tpu.memory_space<hbm>> -> memref<10000xi32, #tpu.memory_space<hbm>>
      %dma_wait3A_100 = tpu.memref_slice %arg2[%add3A_11] : memref<640000xi32, #tpu.memory_space<hbm>> -> memref<10000xi32, #tpu.memory_space<hbm>>
      tpu.wait_dma2 semaphore(%run_scoped3A_98 : memref<!tpu.dma_semaphore, #tpu.memory_space<semaphore_mem>>) src(%dma_wait3A_100 : memref<10000xi32, #tpu.memory_space<hbm>>) dst(%arg5 : memref<10000xi32, #tpu.memory_space<vmem>>)
      tpu.yield
    }) : () -> ()
    %broadcast_in_dim3A_12 = arith.constant 1.000000e+00 : f32
    %broadcast_in_dim3A_13 = vector.broadcast %broadcast_in_dim3A_12 : f32 to vector<16xf32>
    %scan3A_14 = arith.constant 0 : i32
    %scan3A_15 = arith.constant 0 : i32
    %scan3A_16 = arith.constant 625 : i32
    %scan3A_17 = arith.addi %scan3A_15, %scan3A_16 : i32
    %scan3A_18 = arith.constant 1 : i32
    %scan3A_19 = scf.for %scan3A_98 = %scan3A_15 to %scan3A_17 step %scan3A_18 iter_args(%scan3A_99 = %scan3A_14) -> (i32)  : i32 {
      %mul3A_100 = arith.constant 16 : i32
      %mul3A_101 = arith.muli %scan3A_98, %mul3A_100 : i32
      %get3A = arith.index_cast %mul3A_101 : i32 to index
      %get3A_102 = tpu.vector_load %arg5[%get3A] {strides = array<i32>} : memref<10000xi32, #tpu.memory_space<vmem>>, vector<16xi32>,
      tpu.vector_store_idx %arg6[%get3A_102], %broadcast_in_dim3A_13 {add = true} : memref<10240xf32, #tpu.memory_space<vmem>>[vector<16xi32>], vector<16xf32>,
      %scan3A_103 = arith.constant 0 : i32
      scf.yield %scan3A_103 : i32
    }
    %scan3A_20 = arith.constant 625 : i32
    "tpu.region"() ({
      %run_scoped3A_98 = tpu.sem_alloc : memref<!tpu.dma_semaphore, #tpu.memory_space<semaphore_mem>>
      %dma_start3A = arith.constant 0 : i32
      %dma_start3A_99 = tpu.memref_slice %arg9[%arg1, %dma_start3A] : memref<16x10240xf32, #tpu.memory_space<vmem_shared>> -> memref<1x10240xf32, #tpu.memory_space<vmem_shared>>
      %dma_start3A_100 = tpu.memref_squeeze %dma_start3A_99 : memref<1x10240xf32, #tpu.memory_space<vmem_shared>> -> memref<10240xf32, #tpu.memory_space<vmem_shared>>
      %dma_start3A_101 = arith.constant 0 : i32
      %dma_start3A_102 = tpu.memref_slice %arg9[%arg1, %dma_start3A_101] : memref<16x10240xf32, #tpu.memory_space<vmem_shared>> -> memref<1x10240xf32, #tpu.memory_space<vmem_shared>>
      %dma_start3A_103 = tpu.memref_squeeze %dma_start3A_102 : memref<1x10240xf32, #tpu.memory_space<vmem_shared>> -> memref<10240xf32, #tpu.memory_space<vmem_shared>>
      tpu.enqueue_dma source(%arg6 : memref<10240xf32, #tpu.memory_space<vmem>>) target(%dma_start3A_103 : memref<10240xf32, #tpu.memory_space<vmem_shared>>) target_semaphore(%run_scoped3A_98 : memref<!tpu.dma_semaphore, #tpu.memory_space<semaphore_mem>>)
      %dma_wait3A = arith.constant 0 : i32
      %dma_wait3A_104 = tpu.memref_slice %arg9[%arg1, %dma_wait3A] : memref<16x10240xf32, #tpu.memory_space<vmem_shared>> -> memref<1x10240xf32, #tpu.memory_space<vmem_shared>>
      %dma_wait3A_105 = tpu.memref_squeeze %dma_wait3A_104 : memref<1x10240xf32, #tpu.memory_space<vmem_shared>> -> memref<10240xf32, #tpu.memory_space<vmem_shared>>
      %dma_wait3A_106 = arith.constant 0 : i32
      %dma_wait3A_107 = tpu.memref_slice %arg9[%arg1, %dma_wait3A_106] : memref<16x10240xf32, #tpu.memory_space<vmem_shared>> -> memref<1x10240xf32, #tpu.memory_space<vmem_shared>>
      %dma_wait3A_108 = tpu.memref_squeeze %dma_wait3A_107 : memref<1x10240xf32, #tpu.memory_space<vmem_shared>> -> memref<10240xf32, #tpu.memory_space<vmem_shared>>
      tpu.wait_dma2 semaphore(%run_scoped3A_98 : memref<!tpu.dma_semaphore, #tpu.memory_space<semaphore_mem>>) src(%arg6 : memref<10240xf32, #tpu.memory_space<vmem>>) dst(%dma_wait3A_108 : memref<10240xf32, #tpu.memory_space<vmem_shared>>)
      tpu.yield
    }) : () -> ()
    %barrier3A = arith.constant 0 : index
    tpu.barrier barrier_id(%barrier3A)
    %mul3A_21 = arith.constant 640 : i32
    %mul3A_22 = arith.muli %arg1, %mul3A_21 : i32
    %run_scoped3A = arith.constant 0 : i32
    %run_scoped3A_23 = arith.constant 0 : i32
    "tpu.region"() ({
      %run_scoped3A_98 = tpu.sem_alloc : memref<!tpu.dma_semaphore, #tpu.memory_space<semaphore_mem>>
      %dma_start3A = arith.constant 0 : i32
      %dma_start3A_99 = tpu.memref_slice %arg7[%run_scoped3A_23, %dma_start3A] : memref<16x640xf32, #tpu.memory_space<vmem>> -> memref<1x640xf32, #tpu.memory_space<vmem>>
      %dma_start3A_100 = tpu.memref_squeeze %dma_start3A_99 : memref<1x640xf32, #tpu.memory_space<vmem>> -> memref<640xf32, #tpu.memory_space<vmem>>
      %dma_start3A_101 = tpu.memref_slice %arg9[%run_scoped3A, %mul3A_22] : memref<16x10240xf32, #tpu.memory_space<vmem_shared>> -> memref<1x640xf32, #tpu.memory_space<vmem_shared>>
      %dma_start3A_102 = tpu.memref_squeeze %dma_start3A_101 : memref<1x640xf32, #tpu.memory_space<vmem_shared>> -> memref<640xf32, #tpu.memory_space<vmem_shared>>
      %dma_start3A_103 = arith.constant 0 : i32
      %dma_start3A_104 = tpu.memref_slice %arg7[%run_scoped3A_23, %dma_start3A_103] : memref<16x640xf32, #tpu.memory_space<vmem>> -> memref<1x640xf32, #tpu.memory_space<vmem>>
      %dma_start3A_105 = tpu.memref_squeeze %dma_start3A_104 : memref<1x640xf32, #tpu.memory_space<vmem>> -> memref<640xf32, #tpu.memory_space<vmem>>
      %dma_start3A_106 = tpu.memref_slice %arg9[%run_scoped3A, %mul3A_22] : memref<16x10240xf32, #tpu.memory_space<vmem_shared>> -> memref<1x640xf32, #tpu.memory_space<vmem_shared>>
      %dma_start3A_107 = tpu.memref_squeeze %dma_start3A_106 : memref<1x640xf32, #tpu.memory_space<vmem_shared>> -> memref<640xf32, #tpu.memory_space<vmem_shared>>
      tpu.enqueue_dma source(%dma_start3A_107 : memref<640xf32, #tpu.memory_space<vmem_shared>>) target(%dma_start3A_105 : memref<640xf32, #tpu.memory_space<vmem>>) target_semaphore(%run_scoped3A_98 : memref<!tpu.dma_semaphore, #tpu.memory_space<semaphore_mem>>)
      %dma_wait3A = arith.constant 0 : i32
      %dma_wait3A_108 = tpu.memref_slice %arg7[%run_scoped3A_23, %dma_wait3A] : memref<16x640xf32, #tpu.memory_space<vmem>> -> memref<1x640xf32, #tpu.memory_space<vmem>>
      %dma_wait3A_109 = tpu.memref_squeeze %dma_wait3A_108 : memref<1x640xf32, #tpu.memory_space<vmem>> -> memref<640xf32, #tpu.memory_space<vmem>>
      %dma_wait3A_110 = tpu.memref_slice %arg9[%run_scoped3A, %mul3A_22] : memref<16x10240xf32, #tpu.memory_space<vmem_shared>> -> memref<1x640xf32, #tpu.memory_space<vmem_shared>>
      %dma_wait3A_111 = tpu.memref_squeeze %dma_wait3A_110 : memref<1x640xf32, #tpu.memory_space<vmem_shared>> -> memref<640xf32, #tpu.memory_space<vmem_shared>>
      %dma_wait3A_112 = arith.constant 0 : i32
      %dma_wait3A_113 = tpu.memref_slice %arg7[%run_scoped3A_23, %dma_wait3A_112] : memref<16x640xf32, #tpu.memory_space<vmem>> -> memref<1x640xf32, #tpu.memory_space<vmem>>
      %dma_wait3A_114 = tpu.memref_squeeze %dma_wait3A_113 : memref<1x640xf32, #tpu.memory_space<vmem>> -> memref<640xf32, #tpu.memory_space<vmem>>
      %dma_wait3A_115 = tpu.memref_slice %arg9[%run_scoped3A, %mul3A_22] : memref<16x10240xf32, #tpu.memory_space<vmem_shared>> -> memref<1x640xf32, #tpu.memory_space<vmem_shared>>
      %dma_wait3A_116 = tpu.memref_squeeze %dma_wait3A_115 : memref<1x640xf32, #tpu.memory_space<vmem_shared>> -> memref<640xf32, #tpu.memory_space<vmem_shared>>
      tpu.wait_dma2 semaphore(%run_scoped3A_98 : memref<!tpu.dma_semaphore, #tpu.memory_space<semaphore_mem>>) src(%dma_wait3A_116 : memref<640xf32, #tpu.memory_space<vmem_shared>>) dst(%dma_wait3A_114 : memref<640xf32, #tpu.memory_space<vmem>>)
      tpu.yield
    }) : () -> ()
    %mul3A_24 = arith.constant 640 : i32
    %mul3A_25 = arith.muli %arg1, %mul3A_24 : i32
    %run_scoped3A_26 = arith.constant 1 : i32
    %run_scoped3A_27 = arith.constant 1 : i32
    "tpu.region"() ({
      %run_scoped3A_98 = tpu.sem_alloc : memref<!tpu.dma_semaphore, #tpu.memory_space<semaphore_mem>>
      %dma_start3A = arith.constant 0 : i32
      %dma_start3A_99 = tpu.memref_slice %arg7[%run_scoped3A_27, %dma_start3A] : memref<16x640xf32, #tpu.memory_space<vmem>> -> memref<1x640xf32, #tpu.memory_space<vmem>>
      %dma_start3A_100 = tpu.memref_squeeze %dma_start3A_99 : memref<1x640xf32, #tpu.memory_space<vmem>> -> memref<640xf32, #tpu.memory_space<vmem>>
      %dma_start3A_101 = tpu.memref_slice %arg9[%run_scoped3A_26, %mul3A_25] : memref<16x10240xf32, #tpu.memory_space<vmem_shared>> -> memref<1x640xf32, #tpu.memory_space<vmem_shared>>
      %dma_start3A_102 = tpu.memref_squeeze %dma_start3A_101 : memref<1x640xf32, #tpu.memory_space<vmem_shared>> -> memref<640xf32, #tpu.memory_space<vmem_shared>>
      %dma_start3A_103 = arith.constant 0 : i32
      %dma_start3A_104 = tpu.memref_slice %arg7[%run_scoped3A_27, %dma_start3A_103] : memref<16x640xf32, #tpu.memory_space<vmem>> -> memref<1x640xf32, #tpu.memory_space<vmem>>
      %dma_start3A_105 = tpu.memref_squeeze %dma_start3A_104 : memref<1x640xf32, #tpu.memory_space<vmem>> -> memref<640xf32, #tpu.memory_space<vmem>>
      %dma_start3A_106 = tpu.memref_slice %arg9[%run_scoped3A_26, %mul3A_25] : memref<16x10240xf32, #tpu.memory_space<vmem_shared>> -> memref<1x640xf32, #tpu.memory_space<vmem_shared>>
      %dma_start3A_107 = tpu.memref_squeeze %dma_start3A_106 : memref<1x640xf32, #tpu.memory_space<vmem_shared>> -> memref<640xf32, #tpu.memory_space<vmem_shared>>
      tpu.enqueue_dma source(%dma_start3A_107 : memref<640xf32, #tpu.memory_space<vmem_shared>>) target(%dma_start3A_105 : memref<640xf32, #tpu.memory_space<vmem>>) target_semaphore(%run_scoped3A_98 : memref<!tpu.dma_semaphore, #tpu.memory_space<semaphore_mem>>)
      %dma_wait3A = arith.constant 0 : i32
      %dma_wait3A_108 = tpu.memref_slice %arg7[%run_scoped3A_27, %dma_wait3A] : memref<16x640xf32, #tpu.memory_space<vmem>> -> memref<1x640xf32, #tpu.memory_space<vmem>>
      %dma_wait3A_109 = tpu.memref_squeeze %dma_wait3A_108 : memref<1x640xf32, #tpu.memory_space<vmem>> -> memref<640xf32, #tpu.memory_space<vmem>>
      %dma_wait3A_110 = tpu.memref_slice %arg9[%run_scoped3A_26, %mul3A_25] : memref<16x10240xf32, #tpu.memory_space<vmem_shared>> -> memref<1x640xf32, #tpu.memory_space<vmem_shared>>
      %dma_wait3A_111 = tpu.memref_squeeze %dma_wait3A_110 : memref<1x640xf32, #tpu.memory_space<vmem_shared>> -> memref<640xf32, #tpu.memory_space<vmem_shared>>
      %dma_wait3A_112 = arith.constant 0 : i32
      %dma_wait3A_113 = tpu.memref_slice %arg7[%run_scoped3A_27, %dma_wait3A_112] : memref<16x640xf32, #tpu.memory_space<vmem>> -> memref<1x640xf32, #tpu.memory_space<vmem>>
      %dma_wait3A_114 = tpu.memref_squeeze %dma_wait3A_113 : memref<1x640xf32, #tpu.memory_space<vmem>> -> memref<640xf32, #tpu.memory_space<vmem>>
      %dma_wait3A_115 = tpu.memref_slice %arg9[%run_scoped3A_26, %mul3A_25] : memref<16x10240xf32, #tpu.memory_space<vmem_shared>> -> memref<1x640xf32, #tpu.memory_space<vmem_shared>>
      %dma_wait3A_116 = tpu.memref_squeeze %dma_wait3A_115 : memref<1x640xf32, #tpu.memory_space<vmem_shared>> -> memref<640xf32, #tpu.memory_space<vmem_shared>>
      tpu.wait_dma2 semaphore(%run_scoped3A_98 : memref<!tpu.dma_semaphore, #tpu.memory_space<semaphore_mem>>) src(%dma_wait3A_116 : memref<640xf32, #tpu.memory_space<vmem_shared>>) dst(%dma_wait3A_114 : memref<640xf32, #tpu.memory_space<vmem>>)
      tpu.yield
    }) : () -> ()
    %mul3A_28 = arith.constant 640 : i32
    %mul3A_29 = arith.muli %arg1, %mul3A_28 : i32
    %run_scoped3A_30 = arith.constant 2 : i32
    %run_scoped3A_31 = arith.constant 2 : i32
    "tpu.region"() ({
      %run_scoped3A_98 = tpu.sem_alloc : memref<!tpu.dma_semaphore, #tpu.memory_space<semaphore_mem>>
      %dma_start3A = arith.constant 0 : i32
      %dma_start3A_99 = tpu.memref_slice %arg7[%run_scoped3A_31, %dma_start3A] : memref<16x640xf32, #tpu.memory_space<vmem>> -> memref<1x640xf32, #tpu.memory_space<vmem>>
      %dma_start3A_100 = tpu.memref_squeeze %dma_start3A_99 : memref<1x640xf32, #tpu.memory_space<vmem>> -> memref<640xf32, #tpu.memory_space<vmem>>
      %dma_start3A_101 = tpu.memref_slice %arg9[%run_scoped3A_30, %mul3A_29] : memref<16x10240xf32, #tpu.memory_space<vmem_shared>> -> memref<1x640xf32, #tpu.memory_space<vmem_shared>>
      %dma_start3A_102 = tpu.memref_squeeze %dma_start3A_101 : memref<1x640xf32, #tpu.memory_space<vmem_shared>> -> memref<640xf32, #tpu.memory_space<vmem_shared>>
      %dma_start3A_103 = arith.constant 0 : i32
      %dma_start3A_104 = tpu.memref_slice %arg7[%run_scoped3A_31, %dma_start3A_103] : memref<16x640xf32, #tpu.memory_space<vmem>> -> memref<1x640xf32, #tpu.memory_space<vmem>>
      %dma_start3A_105 = tpu.memref_squeeze %dma_start3A_104 : memref<1x640xf32, #tpu.memory_space<vmem>> -> memref<640xf32, #tpu.memory_space<vmem>>
      %dma_start3A_106 = tpu.memref_slice %arg9[%run_scoped3A_30, %mul3A_29] : memref<16x10240xf32, #tpu.memory_space<vmem_shared>> -> memref<1x640xf32, #tpu.memory_space<vmem_shared>>
      %dma_start3A_107 = tpu.memref_squeeze %dma_start3A_106 : memref<1x640xf32, #tpu.memory_space<vmem_shared>> -> memref<640xf32, #tpu.memory_space<vmem_shared>>
      tpu.enqueue_dma source(%dma_start3A_107 : memref<640xf32, #tpu.memory_space<vmem_shared>>) target(%dma_start3A_105 : memref<640xf32, #tpu.memory_space<vmem>>) target_semaphore(%run_scoped3A_98 : memref<!tpu.dma_semaphore, #tpu.memory_space<semaphore_mem>>)
      %dma_wait3A = arith.constant 0 : i32
      %dma_wait3A_108 = tpu.memref_slice %arg7[%run_scoped3A_31, %dma_wait3A] : memref<16x640xf32, #tpu.memory_space<vmem>> -> memref<1x640xf32, #tpu.memory_space<vmem>>
      %dma_wait3A_109 = tpu.memref_squeeze %dma_wait3A_108 : memref<1x640xf32, #tpu.memory_space<vmem>> -> memref<640xf32, #tpu.memory_space<vmem>>
      %dma_wait3A_110 = tpu.memref_slice %arg9[%run_scoped3A_30, %mul3A_29] : memref<16x10240xf32, #tpu.memory_space<vmem_shared>> -> memref<1x640xf32, #tpu.memory_space<vmem_shared>>
      %dma_wait3A_111 = tpu.memref_squeeze %dma_wait3A_110 : memref<1x640xf32, #tpu.memory_space<vmem_shared>> -> memref<640xf32, #tpu.memory_space<vmem_shared>>
      %dma_wait3A_112 = arith.constant 0 : i32
      %dma_wait3A_113 = tpu.memref_slice %arg7[%run_scoped3A_31, %dma_wait3A_112] : memref<16x640xf32, #tpu.memory_space<vmem>> -> memref<1x640xf32, #tpu.memory_space<vmem>>
      %dma_wait3A_114 = tpu.memref_squeeze %dma_wait3A_113 : memref<1x640xf32, #tpu.memory_space<vmem>> -> memref<640xf32, #tpu.memory_space<vmem>>
      %dma_wait3A_115 = tpu.memref_slice %arg9[%run_scoped3A_30, %mul3A_29] : memref<16x10240xf32, #tpu.memory_space<vmem_shared>> -> memref<1x640xf32, #tpu.memory_space<vmem_shared>>
      %dma_wait3A_116 = tpu.memref_squeeze %dma_wait3A_115 : memref<1x640xf32, #tpu.memory_space<vmem_shared>> -> memref<640xf32, #tpu.memory_space<vmem_shared>>
      tpu.wait_dma2 semaphore(%run_scoped3A_98 : memref<!tpu.dma_semaphore, #tpu.memory_space<semaphore_mem>>) src(%dma_wait3A_116 : memref<640xf32, #tpu.memory_space<vmem_shared>>) dst(%dma_wait3A_114 : memref<640xf32, #tpu.memory_space<vmem>>)
      tpu.yield
    }) : () -> ()
    %mul3A_32 = arith.constant 640 : i32
    %mul3A_33 = arith.muli %arg1, %mul3A_32 : i32
    %run_scoped3A_34 = arith.constant 3 : i32
    %run_scoped3A_35 = arith.constant 3 : i32
    "tpu.region"() ({
      %run_scoped3A_98 = tpu.sem_alloc : memref<!tpu.dma_semaphore, #tpu.memory_space<semaphore_mem>>
      %dma_start3A = arith.constant 0 : i32
      %dma_start3A_99 = tpu.memref_slice %arg7[%run_scoped3A_35, %dma_start3A] : memref<16x640xf32, #tpu.memory_space<vmem>> -> memref<1x640xf32, #tpu.memory_space<vmem>>
      %dma_start3A_100 = tpu.memref_squeeze %dma_start3A_99 : memref<1x640xf32, #tpu.memory_space<vmem>> -> memref<640xf32, #tpu.memory_space<vmem>>
      %dma_start3A_101 = tpu.memref_slice %arg9[%run_scoped3A_34, %mul3A_33] : memref<16x10240xf32, #tpu.memory_space<vmem_shared>> -> memref<1x640xf32, #tpu.memory_space<vmem_shared>>
      %dma_start3A_102 = tpu.memref_squeeze %dma_start3A_101 : memref<1x640xf32, #tpu.memory_space<vmem_shared>> -> memref<640xf32, #tpu.memory_space<vmem_shared>>
      %dma_start3A_103 = arith.constant 0 : i32
      %dma_start3A_104 = tpu.memref_slice %arg7[%run_scoped3A_35, %dma_start3A_103] : memref<16x640xf32, #tpu.memory_space<vmem>> -> memref<1x640xf32, #tpu.memory_space<vmem>>
      %dma_start3A_105 = tpu.memref_squeeze %dma_start3A_104 : memref<1x640xf32, #tpu.memory_space<vmem>> -> memref<640xf32, #tpu.memory_space<vmem>>
      %dma_start3A_106 = tpu.memref_slice %arg9[%run_scoped3A_34, %mul3A_33] : memref<16x10240xf32, #tpu.memory_space<vmem_shared>> -> memref<1x640xf32, #tpu.memory_space<vmem_shared>>
      %dma_start3A_107 = tpu.memref_squeeze %dma_start3A_106 : memref<1x640xf32, #tpu.memory_space<vmem_shared>> -> memref<640xf32, #tpu.memory_space<vmem_shared>>
      tpu.enqueue_dma source(%dma_start3A_107 : memref<640xf32, #tpu.memory_space<vmem_shared>>) target(%dma_start3A_105 : memref<640xf32, #tpu.memory_space<vmem>>) target_semaphore(%run_scoped3A_98 : memref<!tpu.dma_semaphore, #tpu.memory_space<semaphore_mem>>)
      %dma_wait3A = arith.constant 0 : i32
      %dma_wait3A_108 = tpu.memref_slice %arg7[%run_scoped3A_35, %dma_wait3A] : memref<16x640xf32, #tpu.memory_space<vmem>> -> memref<1x640xf32, #tpu.memory_space<vmem>>
      %dma_wait3A_109 = tpu.memref_squeeze %dma_wait3A_108 : memref<1x640xf32, #tpu.memory_space<vmem>> -> memref<640xf32, #tpu.memory_space<vmem>>
      %dma_wait3A_110 = tpu.memref_slice %arg9[%run_scoped3A_34, %mul3A_33] : memref<16x10240xf32, #tpu.memory_space<vmem_shared>> -> memref<1x640xf32, #tpu.memory_space<vmem_shared>>
      %dma_wait3A_111 = tpu.memref_squeeze %dma_wait3A_110 : memref<1x640xf32, #tpu.memory_space<vmem_shared>> -> memref<640xf32, #tpu.memory_space<vmem_shared>>
      %dma_wait3A_112 = arith.constant 0 : i32
      %dma_wait3A_113 = tpu.memref_slice %arg7[%run_scoped3A_35, %dma_wait3A_112] : memref<16x640xf32, #tpu.memory_space<vmem>> -> memref<1x640xf32, #tpu.memory_space<vmem>>
      %dma_wait3A_114 = tpu.memref_squeeze %dma_wait3A_113 : memref<1x640xf32, #tpu.memory_space<vmem>> -> memref<640xf32, #tpu.memory_space<vmem>>
      %dma_wait3A_115 = tpu.memref_slice %arg9[%run_scoped3A_34, %mul3A_33] : memref<16x10240xf32, #tpu.memory_space<vmem_shared>> -> memref<1x640xf32, #tpu.memory_space<vmem_shared>>
      %dma_wait3A_116 = tpu.memref_squeeze %dma_wait3A_115 : memref<1x640xf32, #tpu.memory_space<vmem_shared>> -> memref<640xf32, #tpu.memory_space<vmem_shared>>
      tpu.wait_dma2 semaphore(%run_scoped3A_98 : memref<!tpu.dma_semaphore, #tpu.memory_space<semaphore_mem>>) src(%dma_wait3A_116 : memref<640xf32, #tpu.memory_space<vmem_shared>>) dst(%dma_wait3A_114 : memref<640xf32, #tpu.memory_space<vmem>>)
      tpu.yield
    }) : () -> ()
    %mul3A_36 = arith.constant 640 : i32
    %mul3A_37 = arith.muli %arg1, %mul3A_36 : i32
    %run_scoped3A_38 = arith.constant 4 : i32
    %run_scoped3A_39 = arith.constant 4 : i32
    "tpu.region"() ({
      %run_scoped3A_98 = tpu.sem_alloc : memref<!tpu.dma_semaphore, #tpu.memory_space<semaphore_mem>>
      %dma_start3A = arith.constant 0 : i32
      %dma_start3A_99 = tpu.memref_slice %arg7[%run_scoped3A_39, %dma_start3A] : memref<16x640xf32, #tpu.memory_space<vmem>> -> memref<1x640xf32, #tpu.memory_space<vmem>>
      %dma_start3A_100 = tpu.memref_squeeze %dma_start3A_99 : memref<1x640xf32, #tpu.memory_space<vmem>> -> memref<640xf32, #tpu.memory_space<vmem>>
      %dma_start3A_101 = tpu.memref_slice %arg9[%run_scoped3A_38, %mul3A_37] : memref<16x10240xf32, #tpu.memory_space<vmem_shared>> -> memref<1x640xf32, #tpu.memory_space<vmem_shared>>
      %dma_start3A_102 = tpu.memref_squeeze %dma_start3A_101 : memref<1x640xf32, #tpu.memory_space<vmem_shared>> -> memref<640xf32, #tpu.memory_space<vmem_shared>>
      %dma_start3A_103 = arith.constant 0 : i32
      %dma_start3A_104 = tpu.memref_slice %arg7[%run_scoped3A_39, %dma_start3A_103] : memref<16x640xf32, #tpu.memory_space<vmem>> -> memref<1x640xf32, #tpu.memory_space<vmem>>
      %dma_start3A_105 = tpu.memref_squeeze %dma_start3A_104 : memref<1x640xf32, #tpu.memory_space<vmem>> -> memref<640xf32, #tpu.memory_space<vmem>>
      %dma_start3A_106 = tpu.memref_slice %arg9[%run_scoped3A_38, %mul3A_37] : memref<16x10240xf32, #tpu.memory_space<vmem_shared>> -> memref<1x640xf32, #tpu.memory_space<vmem_shared>>
      %dma_start3A_107 = tpu.memref_squeeze %dma_start3A_106 : memref<1x640xf32, #tpu.memory_space<vmem_shared>> -> memref<640xf32, #tpu.memory_space<vmem_shared>>
      tpu.enqueue_dma source(%dma_start3A_107 : memref<640xf32, #tpu.memory_space<vmem_shared>>) target(%dma_start3A_105 : memref<640xf32, #tpu.memory_space<vmem>>) target_semaphore(%run_scoped3A_98 : memref<!tpu.dma_semaphore, #tpu.memory_space<semaphore_mem>>)
      %dma_wait3A = arith.constant 0 : i32
      %dma_wait3A_108 = tpu.memref_slice %arg7[%run_scoped3A_39, %dma_wait3A] : memref<16x640xf32, #tpu.memory_space<vmem>> -> memref<1x640xf32, #tpu.memory_space<vmem>>
      %dma_wait3A_109 = tpu.memref_squeeze %dma_wait3A_108 : memref<1x640xf32, #tpu.memory_space<vmem>> -> memref<640xf32, #tpu.memory_space<vmem>>
      %dma_wait3A_110 = tpu.memref_slice %arg9[%run_scoped3A_38, %mul3A_37] : memref<16x10240xf32, #tpu.memory_space<vmem_shared>> -> memref<1x640xf32, #tpu.memory_space<vmem_shared>>
      %dma_wait3A_111 = tpu.memref_squeeze %dma_wait3A_110 : memref<1x640xf32, #tpu.memory_space<vmem_shared>> -> memref<640xf32, #tpu.memory_space<vmem_shared>>
      %dma_wait3A_112 = arith.constant 0 : i32
      %dma_wait3A_113 = tpu.memref_slice %arg7[%run_scoped3A_39, %dma_wait3A_112] : memref<16x640xf32, #tpu.memory_space<vmem>> -> memref<1x640xf32, #tpu.memory_space<vmem>>
      %dma_wait3A_114 = tpu.memref_squeeze %dma_wait3A_113 : memref<1x640xf32, #tpu.memory_space<vmem>> -> memref<640xf32, #tpu.memory_space<vmem>>
      %dma_wait3A_115 = tpu.memref_slice %arg9[%run_scoped3A_38, %mul3A_37] : memref<16x10240xf32, #tpu.memory_space<vmem_shared>> -> memref<1x640xf32, #tpu.memory_space<vmem_shared>>
      %dma_wait3A_116 = tpu.memref_squeeze %dma_wait3A_115 : memref<1x640xf32, #tpu.memory_space<vmem_shared>> -> memref<640xf32, #tpu.memory_space<vmem_shared>>
      tpu.wait_dma2 semaphore(%run_scoped3A_98 : memref<!tpu.dma_semaphore, #tpu.memory_space<semaphore_mem>>) src(%dma_wait3A_116 : memref<640xf32, #tpu.memory_space<vmem_shared>>) dst(%dma_wait3A_114 : memref<640xf32, #tpu.memory_space<vmem>>)
      tpu.yield
    }) : () -> ()
    %mul3A_40 = arith.constant 640 : i32
    %mul3A_41 = arith.muli %arg1, %mul3A_40 : i32
    %run_scoped3A_42 = arith.constant 5 : i32
    %run_scoped3A_43 = arith.constant 5 : i32
    "tpu.region"() ({
      %run_scoped3A_98 = tpu.sem_alloc : memref<!tpu.dma_semaphore, #tpu.memory_space<semaphore_mem>>
      %dma_start3A = arith.constant 0 : i32
      %dma_start3A_99 = tpu.memref_slice %arg7[%run_scoped3A_43, %dma_start3A] : memref<16x640xf32, #tpu.memory_space<vmem>> -> memref<1x640xf32, #tpu.memory_space<vmem>>
      %dma_start3A_100 = tpu.memref_squeeze %dma_start3A_99 : memref<1x640xf32, #tpu.memory_space<vmem>> -> memref<640xf32, #tpu.memory_space<vmem>>
      %dma_start3A_101 = tpu.memref_slice %arg9[%run_scoped3A_42, %mul3A_41] : memref<16x10240xf32, #tpu.memory_space<vmem_shared>> -> memref<1x640xf32, #tpu.memory_space<vmem_shared>>
      %dma_start3A_102 = tpu.memref_squeeze %dma_start3A_101 : memref<1x640xf32, #tpu.memory_space<vmem_shared>> -> memref<640xf32, #tpu.memory_space<vmem_shared>>
      %dma_start3A_103 = arith.constant 0 : i32
      %dma_start3A_104 = tpu.memref_slice %arg7[%run_scoped3A_43, %dma_start3A_103] : memref<16x640xf32, #tpu.memory_space<vmem>> -> memref<1x640xf32, #tpu.memory_space<vmem>>
      %dma_start3A_105 = tpu.memref_squeeze %dma_start3A_104 : memref<1x640xf32, #tpu.memory_space<vmem>> -> memref<640xf32, #tpu.memory_space<vmem>>
      %dma_start3A_106 = tpu.memref_slice %arg9[%run_scoped3A_42, %mul3A_41] : memref<16x10240xf32, #tpu.memory_space<vmem_shared>> -> memref<1x640xf32, #tpu.memory_space<vmem_shared>>
      %dma_start3A_107 = tpu.memref_squeeze %dma_start3A_106 : memref<1x640xf32, #tpu.memory_space<vmem_shared>> -> memref<640xf32, #tpu.memory_space<vmem_shared>>
      tpu.enqueue_dma source(%dma_start3A_107 : memref<640xf32, #tpu.memory_space<vmem_shared>>) target(%dma_start3A_105 : memref<640xf32, #tpu.memory_space<vmem>>) target_semaphore(%run_scoped3A_98 : memref<!tpu.dma_semaphore, #tpu.memory_space<semaphore_mem>>)
      %dma_wait3A = arith.constant 0 : i32
      %dma_wait3A_108 = tpu.memref_slice %arg7[%run_scoped3A_43, %dma_wait3A] : memref<16x640xf32, #tpu.memory_space<vmem>> -> memref<1x640xf32, #tpu.memory_space<vmem>>
      %dma_wait3A_109 = tpu.memref_squeeze %dma_wait3A_108 : memref<1x640xf32, #tpu.memory_space<vmem>> -> memref<640xf32, #tpu.memory_space<vmem>>
      %dma_wait3A_110 = tpu.memref_slice %arg9[%run_scoped3A_42, %mul3A_41] : memref<16x10240xf32, #tpu.memory_space<vmem_shared>> -> memref<1x640xf32, #tpu.memory_space<vmem_shared>>
      %dma_wait3A_111 = tpu.memref_squeeze %dma_wait3A_110 : memref<1x640xf32, #tpu.memory_space<vmem_shared>> -> memref<640xf32, #tpu.memory_space<vmem_shared>>
      %dma_wait3A_112 = arith.constant 0 : i32
      %dma_wait3A_113 = tpu.memref_slice %arg7[%run_scoped3A_43, %dma_wait3A_112] : memref<16x640xf32, #tpu.memory_space<vmem>> -> memref<1x640xf32, #tpu.memory_space<vmem>>
      %dma_wait3A_114 = tpu.memref_squeeze %dma_wait3A_113 : memref<1x640xf32, #tpu.memory_space<vmem>> -> memref<640xf32, #tpu.memory_space<vmem>>
      %dma_wait3A_115 = tpu.memref_slice %arg9[%run_scoped3A_42, %mul3A_41] : memref<16x10240xf32, #tpu.memory_space<vmem_shared>> -> memref<1x640xf32, #tpu.memory_space<vmem_shared>>
      %dma_wait3A_116 = tpu.memref_squeeze %dma_wait3A_115 : memref<1x640xf32, #tpu.memory_space<vmem_shared>> -> memref<640xf32, #tpu.memory_space<vmem_shared>>
      tpu.wait_dma2 semaphore(%run_scoped3A_98 : memref<!tpu.dma_semaphore, #tpu.memory_space<semaphore_mem>>) src(%dma_wait3A_116 : memref<640xf32, #tpu.memory_space<vmem_shared>>) dst(%dma_wait3A_114 : memref<640xf32, #tpu.memory_space<vmem>>)
      tpu.yield
    }) : () -> ()
    %mul3A_44 = arith.constant 640 : i32
    %mul3A_45 = arith.muli %arg1, %mul3A_44 : i32
    %run_scoped3A_46 = arith.constant 6 : i32
    %run_scoped3A_47 = arith.constant 6 : i32
    "tpu.region"() ({
      %run_scoped3A_98 = tpu.sem_alloc : memref<!tpu.dma_semaphore, #tpu.memory_space<semaphore_mem>>
      %dma_start3A = arith.constant 0 : i32
      %dma_start3A_99 = tpu.memref_slice %arg7[%run_scoped3A_47, %dma_start3A] : memref<16x640xf32, #tpu.memory_space<vmem>> -> memref<1x640xf32, #tpu.memory_space<vmem>>
      %dma_start3A_100 = tpu.memref_squeeze %dma_start3A_99 : memref<1x640xf32, #tpu.memory_space<vmem>> -> memref<640xf32, #tpu.memory_space<vmem>>
      %dma_start3A_101 = tpu.memref_slice %arg9[%run_scoped3A_46, %mul3A_45] : memref<16x10240xf32, #tpu.memory_space<vmem_shared>> -> memref<1x640xf32, #tpu.memory_space<vmem_shared>>
      %dma_start3A_102 = tpu.memref_squeeze %dma_start3A_101 : memref<1x640xf32, #tpu.memory_space<vmem_shared>> -> memref<640xf32, #tpu.memory_space<vmem_shared>>
      %dma_start3A_103 = arith.constant 0 : i32
      %dma_start3A_104 = tpu.memref_slice %arg7[%run_scoped3A_47, %dma_start3A_103] : memref<16x640xf32, #tpu.memory_space<vmem>> -> memref<1x640xf32, #tpu.memory_space<vmem>>
      %dma_start3A_105 = tpu.memref_squeeze %dma_start3A_104 : memref<1x640xf32, #tpu.memory_space<vmem>> -> memref<640xf32, #tpu.memory_space<vmem>>
      %dma_start3A_106 = tpu.memref_slice %arg9[%run_scoped3A_46, %mul3A_45] : memref<16x10240xf32, #tpu.memory_space<vmem_shared>> -> memref<1x640xf32, #tpu.memory_space<vmem_shared>>
      %dma_start3A_107 = tpu.memref_squeeze %dma_start3A_106 : memref<1x640xf32, #tpu.memory_space<vmem_shared>> -> memref<640xf32, #tpu.memory_space<vmem_shared>>
      tpu.enqueue_dma source(%dma_start3A_107 : memref<640xf32, #tpu.memory_space<vmem_shared>>) target(%dma_start3A_105 : memref<640xf32, #tpu.memory_space<vmem>>) target_semaphore(%run_scoped3A_98 : memref<!tpu.dma_semaphore, #tpu.memory_space<semaphore_mem>>)
      %dma_wait3A = arith.constant 0 : i32
      %dma_wait3A_108 = tpu.memref_slice %arg7[%run_scoped3A_47, %dma_wait3A] : memref<16x640xf32, #tpu.memory_space<vmem>> -> memref<1x640xf32, #tpu.memory_space<vmem>>
      %dma_wait3A_109 = tpu.memref_squeeze %dma_wait3A_108 : memref<1x640xf32, #tpu.memory_space<vmem>> -> memref<640xf32, #tpu.memory_space<vmem>>
      %dma_wait3A_110 = tpu.memref_slice %arg9[%run_scoped3A_46, %mul3A_45] : memref<16x10240xf32, #tpu.memory_space<vmem_shared>> -> memref<1x640xf32, #tpu.memory_space<vmem_shared>>
      %dma_wait3A_111 = tpu.memref_squeeze %dma_wait3A_110 : memref<1x640xf32, #tpu.memory_space<vmem_shared>> -> memref<640xf32, #tpu.memory_space<vmem_shared>>
      %dma_wait3A_112 = arith.constant 0 : i32
      %dma_wait3A_113 = tpu.memref_slice %arg7[%run_scoped3A_47, %dma_wait3A_112] : memref<16x640xf32, #tpu.memory_space<vmem>> -> memref<1x640xf32, #tpu.memory_space<vmem>>
      %dma_wait3A_114 = tpu.memref_squeeze %dma_wait3A_113 : memref<1x640xf32, #tpu.memory_space<vmem>> -> memref<640xf32, #tpu.memory_space<vmem>>
      %dma_wait3A_115 = tpu.memref_slice %arg9[%run_scoped3A_46, %mul3A_45] : memref<16x10240xf32, #tpu.memory_space<vmem_shared>> -> memref<1x640xf32, #tpu.memory_space<vmem_shared>>
      %dma_wait3A_116 = tpu.memref_squeeze %dma_wait3A_115 : memref<1x640xf32, #tpu.memory_space<vmem_shared>> -> memref<640xf32, #tpu.memory_space<vmem_shared>>
      tpu.wait_dma2 semaphore(%run_scoped3A_98 : memref<!tpu.dma_semaphore, #tpu.memory_space<semaphore_mem>>) src(%dma_wait3A_116 : memref<640xf32, #tpu.memory_space<vmem_shared>>) dst(%dma_wait3A_114 : memref<640xf32, #tpu.memory_space<vmem>>)
      tpu.yield
    }) : () -> ()
    %mul3A_48 = arith.constant 640 : i32
    %mul3A_49 = arith.muli %arg1, %mul3A_48 : i32
    %run_scoped3A_50 = arith.constant 7 : i32
    %run_scoped3A_51 = arith.constant 7 : i32
    "tpu.region"() ({
      %run_scoped3A_98 = tpu.sem_alloc : memref<!tpu.dma_semaphore, #tpu.memory_space<semaphore_mem>>
      %dma_start3A = arith.constant 0 : i32
      %dma_start3A_99 = tpu.memref_slice %arg7[%run_scoped3A_51, %dma_start3A] : memref<16x640xf32, #tpu.memory_space<vmem>> -> memref<1x640xf32, #tpu.memory_space<vmem>>
      %dma_start3A_100 = tpu.memref_squeeze %dma_start3A_99 : memref<1x640xf32, #tpu.memory_space<vmem>> -> memref<640xf32, #tpu.memory_space<vmem>>
      %dma_start3A_101 = tpu.memref_slice %arg9[%run_scoped3A_50, %mul3A_49] : memref<16x10240xf32, #tpu.memory_space<vmem_shared>> -> memref<1x640xf32, #tpu.memory_space<vmem_shared>>
      %dma_start3A_102 = tpu.memref_squeeze %dma_start3A_101 : memref<1x640xf32, #tpu.memory_space<vmem_shared>> -> memref<640xf32, #tpu.memory_space<vmem_shared>>
      %dma_start3A_103 = arith.constant 0 : i32
      %dma_start3A_104 = tpu.memref_slice %arg7[%run_scoped3A_51, %dma_start3A_103] : memref<16x640xf32, #tpu.memory_space<vmem>> -> memref<1x640xf32, #tpu.memory_space<vmem>>
      %dma_start3A_105 = tpu.memref_squeeze %dma_start3A_104 : memref<1x640xf32, #tpu.memory_space<vmem>> -> memref<640xf32, #tpu.memory_space<vmem>>
      %dma_start3A_106 = tpu.memref_slice %arg9[%run_scoped3A_50, %mul3A_49] : memref<16x10240xf32, #tpu.memory_space<vmem_shared>> -> memref<1x640xf32, #tpu.memory_space<vmem_shared>>
      %dma_start3A_107 = tpu.memref_squeeze %dma_start3A_106 : memref<1x640xf32, #tpu.memory_space<vmem_shared>> -> memref<640xf32, #tpu.memory_space<vmem_shared>>
      tpu.enqueue_dma source(%dma_start3A_107 : memref<640xf32, #tpu.memory_space<vmem_shared>>) target(%dma_start3A_105 : memref<640xf32, #tpu.memory_space<vmem>>) target_semaphore(%run_scoped3A_98 : memref<!tpu.dma_semaphore, #tpu.memory_space<semaphore_mem>>)
      %dma_wait3A = arith.constant 0 : i32
      %dma_wait3A_108 = tpu.memref_slice %arg7[%run_scoped3A_51, %dma_wait3A] : memref<16x640xf32, #tpu.memory_space<vmem>> -> memref<1x640xf32, #tpu.memory_space<vmem>>
      %dma_wait3A_109 = tpu.memref_squeeze %dma_wait3A_108 : memref<1x640xf32, #tpu.memory_space<vmem>> -> memref<640xf32, #tpu.memory_space<vmem>>
      %dma_wait3A_110 = tpu.memref_slice %arg9[%run_scoped3A_50, %mul3A_49] : memref<16x10240xf32, #tpu.memory_space<vmem_shared>> -> memref<1x640xf32, #tpu.memory_space<vmem_shared>>
      %dma_wait3A_111 = tpu.memref_squeeze %dma_wait3A_110 : memref<1x640xf32, #tpu.memory_space<vmem_shared>> -> memref<640xf32, #tpu.memory_space<vmem_shared>>
      %dma_wait3A_112 = arith.constant 0 : i32
      %dma_wait3A_113 = tpu.memref_slice %arg7[%run_scoped3A_51, %dma_wait3A_112] : memref<16x640xf32, #tpu.memory_space<vmem>> -> memref<1x640xf32, #tpu.memory_space<vmem>>
      %dma_wait3A_114 = tpu.memref_squeeze %dma_wait3A_113 : memref<1x640xf32, #tpu.memory_space<vmem>> -> memref<640xf32, #tpu.memory_space<vmem>>
      %dma_wait3A_115 = tpu.memref_slice %arg9[%run_scoped3A_50, %mul3A_49] : memref<16x10240xf32, #tpu.memory_space<vmem_shared>> -> memref<1x640xf32, #tpu.memory_space<vmem_shared>>
      %dma_wait3A_116 = tpu.memref_squeeze %dma_wait3A_115 : memref<1x640xf32, #tpu.memory_space<vmem_shared>> -> memref<640xf32, #tpu.memory_space<vmem_shared>>
      tpu.wait_dma2 semaphore(%run_scoped3A_98 : memref<!tpu.dma_semaphore, #tpu.memory_space<semaphore_mem>>) src(%dma_wait3A_116 : memref<640xf32, #tpu.memory_space<vmem_shared>>) dst(%dma_wait3A_114 : memref<640xf32, #tpu.memory_space<vmem>>)
      tpu.yield
    }) : () -> ()
    %mul3A_52 = arith.constant 640 : i32
    %mul3A_53 = arith.muli %arg1, %mul3A_52 : i32
    %run_scoped3A_54 = arith.constant 8 : i32
    %run_scoped3A_55 = arith.constant 8 : i32
    "tpu.region"() ({
      %run_scoped3A_98 = tpu.sem_alloc : memref<!tpu.dma_semaphore, #tpu.memory_space<semaphore_mem>>
      %dma_start3A = arith.constant 0 : i32
      %dma_start3A_99 = tpu.memref_slice %arg7[%run_scoped3A_55, %dma_start3A] : memref<16x640xf32, #tpu.memory_space<vmem>> -> memref<1x640xf32, #tpu.memory_space<vmem>>
      %dma_start3A_100 = tpu.memref_squeeze %dma_start3A_99 : memref<1x640xf32, #tpu.memory_space<vmem>> -> memref<640xf32, #tpu.memory_space<vmem>>
      %dma_start3A_101 = tpu.memref_slice %arg9[%run_scoped3A_54, %mul3A_53] : memref<16x10240xf32, #tpu.memory_space<vmem_shared>> -> memref<1x640xf32, #tpu.memory_space<vmem_shared>>
      %dma_start3A_102 = tpu.memref_squeeze %dma_start3A_101 : memref<1x640xf32, #tpu.memory_space<vmem_shared>> -> memref<640xf32, #tpu.memory_space<vmem_shared>>
      %dma_start3A_103 = arith.constant 0 : i32
      %dma_start3A_104 = tpu.memref_slice %arg7[%run_scoped3A_55, %dma_start3A_103] : memref<16x640xf32, #tpu.memory_space<vmem>> -> memref<1x640xf32, #tpu.memory_space<vmem>>
      %dma_start3A_105 = tpu.memref_squeeze %dma_start3A_104 : memref<1x640xf32, #tpu.memory_space<vmem>> -> memref<640xf32, #tpu.memory_space<vmem>>
      %dma_start3A_106 = tpu.memref_slice %arg9[%run_scoped3A_54, %mul3A_53] : memref<16x10240xf32, #tpu.memory_space<vmem_shared>> -> memref<1x640xf32, #tpu.memory_space<vmem_shared>>
      %dma_start3A_107 = tpu.memref_squeeze %dma_start3A_106 : memref<1x640xf32, #tpu.memory_space<vmem_shared>> -> memref<640xf32, #tpu.memory_space<vmem_shared>>
      tpu.enqueue_dma source(%dma_start3A_107 : memref<640xf32, #tpu.memory_space<vmem_shared>>) target(%dma_start3A_105 : memref<640xf32, #tpu.memory_space<vmem>>) target_semaphore(%run_scoped3A_98 : memref<!tpu.dma_semaphore, #tpu.memory_space<semaphore_mem>>)
      %dma_wait3A = arith.constant 0 : i32
      %dma_wait3A_108 = tpu.memref_slice %arg7[%run_scoped3A_55, %dma_wait3A] : memref<16x640xf32, #tpu.memory_space<vmem>> -> memref<1x640xf32, #tpu.memory_space<vmem>>
      %dma_wait3A_109 = tpu.memref_squeeze %dma_wait3A_108 : memref<1x640xf32, #tpu.memory_space<vmem>> -> memref<640xf32, #tpu.memory_space<vmem>>
      %dma_wait3A_110 = tpu.memref_slice %arg9[%run_scoped3A_54, %mul3A_53] : memref<16x10240xf32, #tpu.memory_space<vmem_shared>> -> memref<1x640xf32, #tpu.memory_space<vmem_shared>>
      %dma_wait3A_111 = tpu.memref_squeeze %dma_wait3A_110 : memref<1x640xf32, #tpu.memory_space<vmem_shared>> -> memref<640xf32, #tpu.memory_space<vmem_shared>>
      %dma_wait3A_112 = arith.constant 0 : i32
      %dma_wait3A_113 = tpu.memref_slice %arg7[%run_scoped3A_55, %dma_wait3A_112] : memref<16x640xf32, #tpu.memory_space<vmem>> -> memref<1x640xf32, #tpu.memory_space<vmem>>
      %dma_wait3A_114 = tpu.memref_squeeze %dma_wait3A_113 : memref<1x640xf32, #tpu.memory_space<vmem>> -> memref<640xf32, #tpu.memory_space<vmem>>
      %dma_wait3A_115 = tpu.memref_slice %arg9[%run_scoped3A_54, %mul3A_53] : memref<16x10240xf32, #tpu.memory_space<vmem_shared>> -> memref<1x640xf32, #tpu.memory_space<vmem_shared>>
      %dma_wait3A_116 = tpu.memref_squeeze %dma_wait3A_115 : memref<1x640xf32, #tpu.memory_space<vmem_shared>> -> memref<640xf32, #tpu.memory_space<vmem_shared>>
      tpu.wait_dma2 semaphore(%run_scoped3A_98 : memref<!tpu.dma_semaphore, #tpu.memory_space<semaphore_mem>>) src(%dma_wait3A_116 : memref<640xf32, #tpu.memory_space<vmem_shared>>) dst(%dma_wait3A_114 : memref<640xf32, #tpu.memory_space<vmem>>)
      tpu.yield
    }) : () -> ()
    %mul3A_56 = arith.constant 640 : i32
    %mul3A_57 = arith.muli %arg1, %mul3A_56 : i32
    %run_scoped3A_58 = arith.constant 9 : i32
    %run_scoped3A_59 = arith.constant 9 : i32
    "tpu.region"() ({
      %run_scoped3A_98 = tpu.sem_alloc : memref<!tpu.dma_semaphore, #tpu.memory_space<semaphore_mem>>
      %dma_start3A = arith.constant 0 : i32
      %dma_start3A_99 = tpu.memref_slice %arg7[%run_scoped3A_59, %dma_start3A] : memref<16x640xf32, #tpu.memory_space<vmem>> -> memref<1x640xf32, #tpu.memory_space<vmem>>
      %dma_start3A_100 = tpu.memref_squeeze %dma_start3A_99 : memref<1x640xf32, #tpu.memory_space<vmem>> -> memref<640xf32, #tpu.memory_space<vmem>>
      %dma_start3A_101 = tpu.memref_slice %arg9[%run_scoped3A_58, %mul3A_57] : memref<16x10240xf32, #tpu.memory_space<vmem_shared>> -> memref<1x640xf32, #tpu.memory_space<vmem_shared>>
      %dma_start3A_102 = tpu.memref_squeeze %dma_start3A_101 : memref<1x640xf32, #tpu.memory_space<vmem_shared>> -> memref<640xf32, #tpu.memory_space<vmem_shared>>
      %dma_start3A_103 = arith.constant 0 : i32
      %dma_start3A_104 = tpu.memref_slice %arg7[%run_scoped3A_59, %dma_start3A_103] : memref<16x640xf32, #tpu.memory_space<vmem>> -> memref<1x640xf32, #tpu.memory_space<vmem>>
      %dma_start3A_105 = tpu.memref_squeeze %dma_start3A_104 : memref<1x640xf32, #tpu.memory_space<vmem>> -> memref<640xf32, #tpu.memory_space<vmem>>
      %dma_start3A_106 = tpu.memref_slice %arg9[%run_scoped3A_58, %mul3A_57] : memref<16x10240xf32, #tpu.memory_space<vmem_shared>> -> memref<1x640xf32, #tpu.memory_space<vmem_shared>>
      %dma_start3A_107 = tpu.memref_squeeze %dma_start3A_106 : memref<1x640xf32, #tpu.memory_space<vmem_shared>> -> memref<640xf32, #tpu.memory_space<vmem_shared>>
      tpu.enqueue_dma source(%dma_start3A_107 : memref<640xf32, #tpu.memory_space<vmem_shared>>) target(%dma_start3A_105 : memref<640xf32, #tpu.memory_space<vmem>>) target_semaphore(%run_scoped3A_98 : memref<!tpu.dma_semaphore, #tpu.memory_space<semaphore_mem>>)
      %dma_wait3A = arith.constant 0 : i32
      %dma_wait3A_108 = tpu.memref_slice %arg7[%run_scoped3A_59, %dma_wait3A] : memref<16x640xf32, #tpu.memory_space<vmem>> -> memref<1x640xf32, #tpu.memory_space<vmem>>
      %dma_wait3A_109 = tpu.memref_squeeze %dma_wait3A_108 : memref<1x640xf32, #tpu.memory_space<vmem>> -> memref<640xf32, #tpu.memory_space<vmem>>
      %dma_wait3A_110 = tpu.memref_slice %arg9[%run_scoped3A_58, %mul3A_57] : memref<16x10240xf32, #tpu.memory_space<vmem_shared>> -> memref<1x640xf32, #tpu.memory_space<vmem_shared>>
      %dma_wait3A_111 = tpu.memref_squeeze %dma_wait3A_110 : memref<1x640xf32, #tpu.memory_space<vmem_shared>> -> memref<640xf32, #tpu.memory_space<vmem_shared>>
      %dma_wait3A_112 = arith.constant 0 : i32
      %dma_wait3A_113 = tpu.memref_slice %arg7[%run_scoped3A_59, %dma_wait3A_112] : memref<16x640xf32, #tpu.memory_space<vmem>> -> memref<1x640xf32, #tpu.memory_space<vmem>>
      %dma_wait3A_114 = tpu.memref_squeeze %dma_wait3A_113 : memref<1x640xf32, #tpu.memory_space<vmem>> -> memref<640xf32, #tpu.memory_space<vmem>>
      %dma_wait3A_115 = tpu.memref_slice %arg9[%run_scoped3A_58, %mul3A_57] : memref<16x10240xf32, #tpu.memory_space<vmem_shared>> -> memref<1x640xf32, #tpu.memory_space<vmem_shared>>
      %dma_wait3A_116 = tpu.memref_squeeze %dma_wait3A_115 : memref<1x640xf32, #tpu.memory_space<vmem_shared>> -> memref<640xf32, #tpu.memory_space<vmem_shared>>
      tpu.wait_dma2 semaphore(%run_scoped3A_98 : memref<!tpu.dma_semaphore, #tpu.memory_space<semaphore_mem>>) src(%dma_wait3A_116 : memref<640xf32, #tpu.memory_space<vmem_shared>>) dst(%dma_wait3A_114 : memref<640xf32, #tpu.memory_space<vmem>>)
      tpu.yield
    }) : () -> ()
    %mul3A_60 = arith.constant 640 : i32
    %mul3A_61 = arith.muli %arg1, %mul3A_60 : i32
    %run_scoped3A_62 = arith.constant 10 : i32
    %run_scoped3A_63 = arith.constant 10 : i32
    "tpu.region"() ({
      %run_scoped3A_98 = tpu.sem_alloc : memref<!tpu.dma_semaphore, #tpu.memory_space<semaphore_mem>>
      %dma_start3A = arith.constant 0 : i32
      %dma_start3A_99 = tpu.memref_slice %arg7[%run_scoped3A_63, %dma_start3A] : memref<16x640xf32, #tpu.memory_space<vmem>> -> memref<1x640xf32, #tpu.memory_space<vmem>>
      %dma_start3A_100 = tpu.memref_squeeze %dma_start3A_99 : memref<1x640xf32, #tpu.memory_space<vmem>> -> memref<640xf32, #tpu.memory_space<vmem>>
      %dma_start3A_101 = tpu.memref_slice %arg9[%run_scoped3A_62, %mul3A_61] : memref<16x10240xf32, #tpu.memory_space<vmem_shared>> -> memref<1x640xf32, #tpu.memory_space<vmem_shared>>
      %dma_start3A_102 = tpu.memref_squeeze %dma_start3A_101 : memref<1x640xf32, #tpu.memory_space<vmem_shared>> -> memref<640xf32, #tpu.memory_space<vmem_shared>>
      %dma_start3A_103 = arith.constant 0 : i32
      %dma_start3A_104 = tpu.memref_slice %arg7[%run_scoped3A_63, %dma_start3A_103] : memref<16x640xf32, #tpu.memory_space<vmem>> -> memref<1x640xf32, #tpu.memory_space<vmem>>
      %dma_start3A_105 = tpu.memref_squeeze %dma_start3A_104 : memref<1x640xf32, #tpu.memory_space<vmem>> -> memref<640xf32, #tpu.memory_space<vmem>>
      %dma_start3A_106 = tpu.memref_slice %arg9[%run_scoped3A_62, %mul3A_61] : memref<16x10240xf32, #tpu.memory_space<vmem_shared>> -> memref<1x640xf32, #tpu.memory_space<vmem_shared>>
      %dma_start3A_107 = tpu.memref_squeeze %dma_start3A_106 : memref<1x640xf32, #tpu.memory_space<vmem_shared>> -> memref<640xf32, #tpu.memory_space<vmem_shared>>
      tpu.enqueue_dma source(%dma_start3A_107 : memref<640xf32, #tpu.memory_space<vmem_shared>>) target(%dma_start3A_105 : memref<640xf32, #tpu.memory_space<vmem>>) target_semaphore(%run_scoped3A_98 : memref<!tpu.dma_semaphore, #tpu.memory_space<semaphore_mem>>)
      %dma_wait3A = arith.constant 0 : i32
      %dma_wait3A_108 = tpu.memref_slice %arg7[%run_scoped3A_63, %dma_wait3A] : memref<16x640xf32, #tpu.memory_space<vmem>> -> memref<1x640xf32, #tpu.memory_space<vmem>>
      %dma_wait3A_109 = tpu.memref_squeeze %dma_wait3A_108 : memref<1x640xf32, #tpu.memory_space<vmem>> -> memref<640xf32, #tpu.memory_space<vmem>>
      %dma_wait3A_110 = tpu.memref_slice %arg9[%run_scoped3A_62, %mul3A_61] : memref<16x10240xf32, #tpu.memory_space<vmem_shared>> -> memref<1x640xf32, #tpu.memory_space<vmem_shared>>
      %dma_wait3A_111 = tpu.memref_squeeze %dma_wait3A_110 : memref<1x640xf32, #tpu.memory_space<vmem_shared>> -> memref<640xf32, #tpu.memory_space<vmem_shared>>
      %dma_wait3A_112 = arith.constant 0 : i32
      %dma_wait3A_113 = tpu.memref_slice %arg7[%run_scoped3A_63, %dma_wait3A_112] : memref<16x640xf32, #tpu.memory_space<vmem>> -> memref<1x640xf32, #tpu.memory_space<vmem>>
      %dma_wait3A_114 = tpu.memref_squeeze %dma_wait3A_113 : memref<1x640xf32, #tpu.memory_space<vmem>> -> memref<640xf32, #tpu.memory_space<vmem>>
      %dma_wait3A_115 = tpu.memref_slice %arg9[%run_scoped3A_62, %mul3A_61] : memref<16x10240xf32, #tpu.memory_space<vmem_shared>> -> memref<1x640xf32, #tpu.memory_space<vmem_shared>>
      %dma_wait3A_116 = tpu.memref_squeeze %dma_wait3A_115 : memref<1x640xf32, #tpu.memory_space<vmem_shared>> -> memref<640xf32, #tpu.memory_space<vmem_shared>>
      tpu.wait_dma2 semaphore(%run_scoped3A_98 : memref<!tpu.dma_semaphore, #tpu.memory_space<semaphore_mem>>) src(%dma_wait3A_116 : memref<640xf32, #tpu.memory_space<vmem_shared>>) dst(%dma_wait3A_114 : memref<640xf32, #tpu.memory_space<vmem>>)
      tpu.yield
    }) : () -> ()
    %mul3A_64 = arith.constant 640 : i32
    %mul3A_65 = arith.muli %arg1, %mul3A_64 : i32
    %run_scoped3A_66 = arith.constant 11 : i32
    %run_scoped3A_67 = arith.constant 11 : i32
    "tpu.region"() ({
      %run_scoped3A_98 = tpu.sem_alloc : memref<!tpu.dma_semaphore, #tpu.memory_space<semaphore_mem>>
      %dma_start3A = arith.constant 0 : i32
      %dma_start3A_99 = tpu.memref_slice %arg7[%run_scoped3A_67, %dma_start3A] : memref<16x640xf32, #tpu.memory_space<vmem>> -> memref<1x640xf32, #tpu.memory_space<vmem>>
      %dma_start3A_100 = tpu.memref_squeeze %dma_start3A_99 : memref<1x640xf32, #tpu.memory_space<vmem>> -> memref<640xf32, #tpu.memory_space<vmem>>
      %dma_start3A_101 = tpu.memref_slice %arg9[%run_scoped3A_66, %mul3A_65] : memref<16x10240xf32, #tpu.memory_space<vmem_shared>> -> memref<1x640xf32, #tpu.memory_space<vmem_shared>>
      %dma_start3A_102 = tpu.memref_squeeze %dma_start3A_101 : memref<1x640xf32, #tpu.memory_space<vmem_shared>> -> memref<640xf32, #tpu.memory_space<vmem_shared>>
      %dma_start3A_103 = arith.constant 0 : i32
      %dma_start3A_104 = tpu.memref_slice %arg7[%run_scoped3A_67, %dma_start3A_103] : memref<16x640xf32, #tpu.memory_space<vmem>> -> memref<1x640xf32, #tpu.memory_space<vmem>>
      %dma_start3A_105 = tpu.memref_squeeze %dma_start3A_104 : memref<1x640xf32, #tpu.memory_space<vmem>> -> memref<640xf32, #tpu.memory_space<vmem>>
      %dma_start3A_106 = tpu.memref_slice %arg9[%run_scoped3A_66, %mul3A_65] : memref<16x10240xf32, #tpu.memory_space<vmem_shared>> -> memref<1x640xf32, #tpu.memory_space<vmem_shared>>
      %dma_start3A_107 = tpu.memref_squeeze %dma_start3A_106 : memref<1x640xf32, #tpu.memory_space<vmem_shared>> -> memref<640xf32, #tpu.memory_space<vmem_shared>>
      tpu.enqueue_dma source(%dma_start3A_107 : memref<640xf32, #tpu.memory_space<vmem_shared>>) target(%dma_start3A_105 : memref<640xf32, #tpu.memory_space<vmem>>) target_semaphore(%run_scoped3A_98 : memref<!tpu.dma_semaphore, #tpu.memory_space<semaphore_mem>>)
      %dma_wait3A = arith.constant 0 : i32
      %dma_wait3A_108 = tpu.memref_slice %arg7[%run_scoped3A_67, %dma_wait3A] : memref<16x640xf32, #tpu.memory_space<vmem>> -> memref<1x640xf32, #tpu.memory_space<vmem>>
      %dma_wait3A_109 = tpu.memref_squeeze %dma_wait3A_108 : memref<1x640xf32, #tpu.memory_space<vmem>> -> memref<640xf32, #tpu.memory_space<vmem>>
      %dma_wait3A_110 = tpu.memref_slice %arg9[%run_scoped3A_66, %mul3A_65] : memref<16x10240xf32, #tpu.memory_space<vmem_shared>> -> memref<1x640xf32, #tpu.memory_space<vmem_shared>>
      %dma_wait3A_111 = tpu.memref_squeeze %dma_wait3A_110 : memref<1x640xf32, #tpu.memory_space<vmem_shared>> -> memref<640xf32, #tpu.memory_space<vmem_shared>>
      %dma_wait3A_112 = arith.constant 0 : i32
      %dma_wait3A_113 = tpu.memref_slice %arg7[%run_scoped3A_67, %dma_wait3A_112] : memref<16x640xf32, #tpu.memory_space<vmem>> -> memref<1x640xf32, #tpu.memory_space<vmem>>
      %dma_wait3A_114 = tpu.memref_squeeze %dma_wait3A_113 : memref<1x640xf32, #tpu.memory_space<vmem>> -> memref<640xf32, #tpu.memory_space<vmem>>
      %dma_wait3A_115 = tpu.memref_slice %arg9[%run_scoped3A_66, %mul3A_65] : memref<16x10240xf32, #tpu.memory_space<vmem_shared>> -> memref<1x640xf32, #tpu.memory_space<vmem_shared>>
      %dma_wait3A_116 = tpu.memref_squeeze %dma_wait3A_115 : memref<1x640xf32, #tpu.memory_space<vmem_shared>> -> memref<640xf32, #tpu.memory_space<vmem_shared>>
      tpu.wait_dma2 semaphore(%run_scoped3A_98 : memref<!tpu.dma_semaphore, #tpu.memory_space<semaphore_mem>>) src(%dma_wait3A_116 : memref<640xf32, #tpu.memory_space<vmem_shared>>) dst(%dma_wait3A_114 : memref<640xf32, #tpu.memory_space<vmem>>)
      tpu.yield
    }) : () -> ()
    %mul3A_68 = arith.constant 640 : i32
    %mul3A_69 = arith.muli %arg1, %mul3A_68 : i32
    %run_scoped3A_70 = arith.constant 12 : i32
    %run_scoped3A_71 = arith.constant 12 : i32
    "tpu.region"() ({
      %run_scoped3A_98 = tpu.sem_alloc : memref<!tpu.dma_semaphore, #tpu.memory_space<semaphore_mem>>
      %dma_start3A = arith.constant 0 : i32
      %dma_start3A_99 = tpu.memref_slice %arg7[%run_scoped3A_71, %dma_start3A] : memref<16x640xf32, #tpu.memory_space<vmem>> -> memref<1x640xf32, #tpu.memory_space<vmem>>
      %dma_start3A_100 = tpu.memref_squeeze %dma_start3A_99 : memref<1x640xf32, #tpu.memory_space<vmem>> -> memref<640xf32, #tpu.memory_space<vmem>>
      %dma_start3A_101 = tpu.memref_slice %arg9[%run_scoped3A_70, %mul3A_69] : memref<16x10240xf32, #tpu.memory_space<vmem_shared>> -> memref<1x640xf32, #tpu.memory_space<vmem_shared>>
      %dma_start3A_102 = tpu.memref_squeeze %dma_start3A_101 : memref<1x640xf32, #tpu.memory_space<vmem_shared>> -> memref<640xf32, #tpu.memory_space<vmem_shared>>
      %dma_start3A_103 = arith.constant 0 : i32
      %dma_start3A_104 = tpu.memref_slice %arg7[%run_scoped3A_71, %dma_start3A_103] : memref<16x640xf32, #tpu.memory_space<vmem>> -> memref<1x640xf32, #tpu.memory_space<vmem>>
      %dma_start3A_105 = tpu.memref_squeeze %dma_start3A_104 : memref<1x640xf32, #tpu.memory_space<vmem>> -> memref<640xf32, #tpu.memory_space<vmem>>
      %dma_start3A_106 = tpu.memref_slice %arg9[%run_scoped3A_70, %mul3A_69] : memref<16x10240xf32, #tpu.memory_space<vmem_shared>> -> memref<1x640xf32, #tpu.memory_space<vmem_shared>>
      %dma_start3A_107 = tpu.memref_squeeze %dma_start3A_106 : memref<1x640xf32, #tpu.memory_space<vmem_shared>> -> memref<640xf32, #tpu.memory_space<vmem_shared>>
      tpu.enqueue_dma source(%dma_start3A_107 : memref<640xf32, #tpu.memory_space<vmem_shared>>) target(%dma_start3A_105 : memref<640xf32, #tpu.memory_space<vmem>>) target_semaphore(%run_scoped3A_98 : memref<!tpu.dma_semaphore, #tpu.memory_space<semaphore_mem>>)
      %dma_wait3A = arith.constant 0 : i32
      %dma_wait3A_108 = tpu.memref_slice %arg7[%run_scoped3A_71, %dma_wait3A] : memref<16x640xf32, #tpu.memory_space<vmem>> -> memref<1x640xf32, #tpu.memory_space<vmem>>
      %dma_wait3A_109 = tpu.memref_squeeze %dma_wait3A_108 : memref<1x640xf32, #tpu.memory_space<vmem>> -> memref<640xf32, #tpu.memory_space<vmem>>
      %dma_wait3A_110 = tpu.memref_slice %arg9[%run_scoped3A_70, %mul3A_69] : memref<16x10240xf32, #tpu.memory_space<vmem_shared>> -> memref<1x640xf32, #tpu.memory_space<vmem_shared>>
      %dma_wait3A_111 = tpu.memref_squeeze %dma_wait3A_110 : memref<1x640xf32, #tpu.memory_space<vmem_shared>> -> memref<640xf32, #tpu.memory_space<vmem_shared>>
      %dma_wait3A_112 = arith.constant 0 : i32
      %dma_wait3A_113 = tpu.memref_slice %arg7[%run_scoped3A_71, %dma_wait3A_112] : memref<16x640xf32, #tpu.memory_space<vmem>> -> memref<1x640xf32, #tpu.memory_space<vmem>>
      %dma_wait3A_114 = tpu.memref_squeeze %dma_wait3A_113 : memref<1x640xf32, #tpu.memory_space<vmem>> -> memref<640xf32, #tpu.memory_space<vmem>>
      %dma_wait3A_115 = tpu.memref_slice %arg9[%run_scoped3A_70, %mul3A_69] : memref<16x10240xf32, #tpu.memory_space<vmem_shared>> -> memref<1x640xf32, #tpu.memory_space<vmem_shared>>
      %dma_wait3A_116 = tpu.memref_squeeze %dma_wait3A_115 : memref<1x640xf32, #tpu.memory_space<vmem_shared>> -> memref<640xf32, #tpu.memory_space<vmem_shared>>
      tpu.wait_dma2 semaphore(%run_scoped3A_98 : memref<!tpu.dma_semaphore, #tpu.memory_space<semaphore_mem>>) src(%dma_wait3A_116 : memref<640xf32, #tpu.memory_space<vmem_shared>>) dst(%dma_wait3A_114 : memref<640xf32, #tpu.memory_space<vmem>>)
      tpu.yield
    }) : () -> ()
    %mul3A_72 = arith.constant 640 : i32
    %mul3A_73 = arith.muli %arg1, %mul3A_72 : i32
    %run_scoped3A_74 = arith.constant 13 : i32
    %run_scoped3A_75 = arith.constant 13 : i32
    "tpu.region"() ({
      %run_scoped3A_98 = tpu.sem_alloc : memref<!tpu.dma_semaphore, #tpu.memory_space<semaphore_mem>>
      %dma_start3A = arith.constant 0 : i32
      %dma_start3A_99 = tpu.memref_slice %arg7[%run_scoped3A_75, %dma_start3A] : memref<16x640xf32, #tpu.memory_space<vmem>> -> memref<1x640xf32, #tpu.memory_space<vmem>>
      %dma_start3A_100 = tpu.memref_squeeze %dma_start3A_99 : memref<1x640xf32, #tpu.memory_space<vmem>> -> memref<640xf32, #tpu.memory_space<vmem>>
      %dma_start3A_101 = tpu.memref_slice %arg9[%run_scoped3A_74, %mul3A_73] : memref<16x10240xf32, #tpu.memory_space<vmem_shared>> -> memref<1x640xf32, #tpu.memory_space<vmem_shared>>
      %dma_start3A_102 = tpu.memref_squeeze %dma_start3A_101 : memref<1x640xf32, #tpu.memory_space<vmem_shared>> -> memref<640xf32, #tpu.memory_space<vmem_shared>>
      %dma_start3A_103 = arith.constant 0 : i32
      %dma_start3A_104 = tpu.memref_slice %arg7[%run_scoped3A_75, %dma_start3A_103] : memref<16x640xf32, #tpu.memory_space<vmem>> -> memref<1x640xf32, #tpu.memory_space<vmem>>
      %dma_start3A_105 = tpu.memref_squeeze %dma_start3A_104 : memref<1x640xf32, #tpu.memory_space<vmem>> -> memref<640xf32, #tpu.memory_space<vmem>>
      %dma_start3A_106 = tpu.memref_slice %arg9[%run_scoped3A_74, %mul3A_73] : memref<16x10240xf32, #tpu.memory_space<vmem_shared>> -> memref<1x640xf32, #tpu.memory_space<vmem_shared>>
      %dma_start3A_107 = tpu.memref_squeeze %dma_start3A_106 : memref<1x640xf32, #tpu.memory_space<vmem_shared>> -> memref<640xf32, #tpu.memory_space<vmem_shared>>
      tpu.enqueue_dma source(%dma_start3A_107 : memref<640xf32, #tpu.memory_space<vmem_shared>>) target(%dma_start3A_105 : memref<640xf32, #tpu.memory_space<vmem>>) target_semaphore(%run_scoped3A_98 : memref<!tpu.dma_semaphore, #tpu.memory_space<semaphore_mem>>)
      %dma_wait3A = arith.constant 0 : i32
      %dma_wait3A_108 = tpu.memref_slice %arg7[%run_scoped3A_75, %dma_wait3A] : memref<16x640xf32, #tpu.memory_space<vmem>> -> memref<1x640xf32, #tpu.memory_space<vmem>>
      %dma_wait3A_109 = tpu.memref_squeeze %dma_wait3A_108 : memref<1x640xf32, #tpu.memory_space<vmem>> -> memref<640xf32, #tpu.memory_space<vmem>>
      %dma_wait3A_110 = tpu.memref_slice %arg9[%run_scoped3A_74, %mul3A_73] : memref<16x10240xf32, #tpu.memory_space<vmem_shared>> -> memref<1x640xf32, #tpu.memory_space<vmem_shared>>
      %dma_wait3A_111 = tpu.memref_squeeze %dma_wait3A_110 : memref<1x640xf32, #tpu.memory_space<vmem_shared>> -> memref<640xf32, #tpu.memory_space<vmem_shared>>
      %dma_wait3A_112 = arith.constant 0 : i32
      %dma_wait3A_113 = tpu.memref_slice %arg7[%run_scoped3A_75, %dma_wait3A_112] : memref<16x640xf32, #tpu.memory_space<vmem>> -> memref<1x640xf32, #tpu.memory_space<vmem>>
      %dma_wait3A_114 = tpu.memref_squeeze %dma_wait3A_113 : memref<1x640xf32, #tpu.memory_space<vmem>> -> memref<640xf32, #tpu.memory_space<vmem>>
      %dma_wait3A_115 = tpu.memref_slice %arg9[%run_scoped3A_74, %mul3A_73] : memref<16x10240xf32, #tpu.memory_space<vmem_shared>> -> memref<1x640xf32, #tpu.memory_space<vmem_shared>>
      %dma_wait3A_116 = tpu.memref_squeeze %dma_wait3A_115 : memref<1x640xf32, #tpu.memory_space<vmem_shared>> -> memref<640xf32, #tpu.memory_space<vmem_shared>>
      tpu.wait_dma2 semaphore(%run_scoped3A_98 : memref<!tpu.dma_semaphore, #tpu.memory_space<semaphore_mem>>) src(%dma_wait3A_116 : memref<640xf32, #tpu.memory_space<vmem_shared>>) dst(%dma_wait3A_114 : memref<640xf32, #tpu.memory_space<vmem>>)
      tpu.yield
    }) : () -> ()
    %mul3A_76 = arith.constant 640 : i32
    %mul3A_77 = arith.muli %arg1, %mul3A_76 : i32
    %run_scoped3A_78 = arith.constant 14 : i32
    %run_scoped3A_79 = arith.constant 14 : i32
    "tpu.region"() ({
      %run_scoped3A_98 = tpu.sem_alloc : memref<!tpu.dma_semaphore, #tpu.memory_space<semaphore_mem>>
      %dma_start3A = arith.constant 0 : i32
      %dma_start3A_99 = tpu.memref_slice %arg7[%run_scoped3A_79, %dma_start3A] : memref<16x640xf32, #tpu.memory_space<vmem>> -> memref<1x640xf32, #tpu.memory_space<vmem>>
      %dma_start3A_100 = tpu.memref_squeeze %dma_start3A_99 : memref<1x640xf32, #tpu.memory_space<vmem>> -> memref<640xf32, #tpu.memory_space<vmem>>
      %dma_start3A_101 = tpu.memref_slice %arg9[%run_scoped3A_78, %mul3A_77] : memref<16x10240xf32, #tpu.memory_space<vmem_shared>> -> memref<1x640xf32, #tpu.memory_space<vmem_shared>>
      %dma_start3A_102 = tpu.memref_squeeze %dma_start3A_101 : memref<1x640xf32, #tpu.memory_space<vmem_shared>> -> memref<640xf32, #tpu.memory_space<vmem_shared>>
      %dma_start3A_103 = arith.constant 0 : i32
      %dma_start3A_104 = tpu.memref_slice %arg7[%run_scoped3A_79, %dma_start3A_103] : memref<16x640xf32, #tpu.memory_space<vmem>> -> memref<1x640xf32, #tpu.memory_space<vmem>>
      %dma_start3A_105 = tpu.memref_squeeze %dma_start3A_104 : memref<1x640xf32, #tpu.memory_space<vmem>> -> memref<640xf32, #tpu.memory_space<vmem>>
      %dma_start3A_106 = tpu.memref_slice %arg9[%run_scoped3A_78, %mul3A_77] : memref<16x10240xf32, #tpu.memory_space<vmem_shared>> -> memref<1x640xf32, #tpu.memory_space<vmem_shared>>
      %dma_start3A_107 = tpu.memref_squeeze %dma_start3A_106 : memref<1x640xf32, #tpu.memory_space<vmem_shared>> -> memref<640xf32, #tpu.memory_space<vmem_shared>>
      tpu.enqueue_dma source(%dma_start3A_107 : memref<640xf32, #tpu.memory_space<vmem_shared>>) target(%dma_start3A_105 : memref<640xf32, #tpu.memory_space<vmem>>) target_semaphore(%run_scoped3A_98 : memref<!tpu.dma_semaphore, #tpu.memory_space<semaphore_mem>>)
      %dma_wait3A = arith.constant 0 : i32
      %dma_wait3A_108 = tpu.memref_slice %arg7[%run_scoped3A_79, %dma_wait3A] : memref<16x640xf32, #tpu.memory_space<vmem>> -> memref<1x640xf32, #tpu.memory_space<vmem>>
      %dma_wait3A_109 = tpu.memref_squeeze %dma_wait3A_108 : memref<1x640xf32, #tpu.memory_space<vmem>> -> memref<640xf32, #tpu.memory_space<vmem>>
      %dma_wait3A_110 = tpu.memref_slice %arg9[%run_scoped3A_78, %mul3A_77] : memref<16x10240xf32, #tpu.memory_space<vmem_shared>> -> memref<1x640xf32, #tpu.memory_space<vmem_shared>>
      %dma_wait3A_111 = tpu.memref_squeeze %dma_wait3A_110 : memref<1x640xf32, #tpu.memory_space<vmem_shared>> -> memref<640xf32, #tpu.memory_space<vmem_shared>>
      %dma_wait3A_112 = arith.constant 0 : i32
      %dma_wait3A_113 = tpu.memref_slice %arg7[%run_scoped3A_79, %dma_wait3A_112] : memref<16x640xf32, #tpu.memory_space<vmem>> -> memref<1x640xf32, #tpu.memory_space<vmem>>
      %dma_wait3A_114 = tpu.memref_squeeze %dma_wait3A_113 : memref<1x640xf32, #tpu.memory_space<vmem>> -> memref<640xf32, #tpu.memory_space<vmem>>
      %dma_wait3A_115 = tpu.memref_slice %arg9[%run_scoped3A_78, %mul3A_77] : memref<16x10240xf32, #tpu.memory_space<vmem_shared>> -> memref<1x640xf32, #tpu.memory_space<vmem_shared>>
      %dma_wait3A_116 = tpu.memref_squeeze %dma_wait3A_115 : memref<1x640xf32, #tpu.memory_space<vmem_shared>> -> memref<640xf32, #tpu.memory_space<vmem_shared>>
      tpu.wait_dma2 semaphore(%run_scoped3A_98 : memref<!tpu.dma_semaphore, #tpu.memory_space<semaphore_mem>>) src(%dma_wait3A_116 : memref<640xf32, #tpu.memory_space<vmem_shared>>) dst(%dma_wait3A_114 : memref<640xf32, #tpu.memory_space<vmem>>)
      tpu.yield
    }) : () -> ()
    %mul3A_80 = arith.constant 640 : i32
    %mul3A_81 = arith.muli %arg1, %mul3A_80 : i32
    %run_scoped3A_82 = arith.constant 15 : i32
    %run_scoped3A_83 = arith.constant 15 : i32
    "tpu.region"() ({
      %run_scoped3A_98 = tpu.sem_alloc : memref<!tpu.dma_semaphore, #tpu.memory_space<semaphore_mem>>
      %dma_start3A = arith.constant 0 : i32
      %dma_start3A_99 = tpu.memref_slice %arg7[%run_scoped3A_83, %dma_start3A] : memref<16x640xf32, #tpu.memory_space<vmem>> -> memref<1x640xf32, #tpu.memory_space<vmem>>
      %dma_start3A_100 = tpu.memref_squeeze %dma_start3A_99 : memref<1x640xf32, #tpu.memory_space<vmem>> -> memref<640xf32, #tpu.memory_space<vmem>>
      %dma_start3A_101 = tpu.memref_slice %arg9[%run_scoped3A_82, %mul3A_81] : memref<16x10240xf32, #tpu.memory_space<vmem_shared>> -> memref<1x640xf32, #tpu.memory_space<vmem_shared>>
      %dma_start3A_102 = tpu.memref_squeeze %dma_start3A_101 : memref<1x640xf32, #tpu.memory_space<vmem_shared>> -> memref<640xf32, #tpu.memory_space<vmem_shared>>
      %dma_start3A_103 = arith.constant 0 : i32
      %dma_start3A_104 = tpu.memref_slice %arg7[%run_scoped3A_83, %dma_start3A_103] : memref<16x640xf32, #tpu.memory_space<vmem>> -> memref<1x640xf32, #tpu.memory_space<vmem>>
      %dma_start3A_105 = tpu.memref_squeeze %dma_start3A_104 : memref<1x640xf32, #tpu.memory_space<vmem>> -> memref<640xf32, #tpu.memory_space<vmem>>
      %dma_start3A_106 = tpu.memref_slice %arg9[%run_scoped3A_82, %mul3A_81] : memref<16x10240xf32, #tpu.memory_space<vmem_shared>> -> memref<1x640xf32, #tpu.memory_space<vmem_shared>>
      %dma_start3A_107 = tpu.memref_squeeze %dma_start3A_106 : memref<1x640xf32, #tpu.memory_space<vmem_shared>> -> memref<640xf32, #tpu.memory_space<vmem_shared>>
      tpu.enqueue_dma source(%dma_start3A_107 : memref<640xf32, #tpu.memory_space<vmem_shared>>) target(%dma_start3A_105 : memref<640xf32, #tpu.memory_space<vmem>>) target_semaphore(%run_scoped3A_98 : memref<!tpu.dma_semaphore, #tpu.memory_space<semaphore_mem>>)
      %dma_wait3A = arith.constant 0 : i32
      %dma_wait3A_108 = tpu.memref_slice %arg7[%run_scoped3A_83, %dma_wait3A] : memref<16x640xf32, #tpu.memory_space<vmem>> -> memref<1x640xf32, #tpu.memory_space<vmem>>
      %dma_wait3A_109 = tpu.memref_squeeze %dma_wait3A_108 : memref<1x640xf32, #tpu.memory_space<vmem>> -> memref<640xf32, #tpu.memory_space<vmem>>
      %dma_wait3A_110 = tpu.memref_slice %arg9[%run_scoped3A_82, %mul3A_81] : memref<16x10240xf32, #tpu.memory_space<vmem_shared>> -> memref<1x640xf32, #tpu.memory_space<vmem_shared>>
      %dma_wait3A_111 = tpu.memref_squeeze %dma_wait3A_110 : memref<1x640xf32, #tpu.memory_space<vmem_shared>> -> memref<640xf32, #tpu.memory_space<vmem_shared>>
      %dma_wait3A_112 = arith.constant 0 : i32
      %dma_wait3A_113 = tpu.memref_slice %arg7[%run_scoped3A_83, %dma_wait3A_112] : memref<16x640xf32, #tpu.memory_space<vmem>> -> memref<1x640xf32, #tpu.memory_space<vmem>>
      %dma_wait3A_114 = tpu.memref_squeeze %dma_wait3A_113 : memref<1x640xf32, #tpu.memory_space<vmem>> -> memref<640xf32, #tpu.memory_space<vmem>>
      %dma_wait3A_115 = tpu.memref_slice %arg9[%run_scoped3A_82, %mul3A_81] : memref<16x10240xf32, #tpu.memory_space<vmem_shared>> -> memref<1x640xf32, #tpu.memory_space<vmem_shared>>
      %dma_wait3A_116 = tpu.memref_squeeze %dma_wait3A_115 : memref<1x640xf32, #tpu.memory_space<vmem_shared>> -> memref<640xf32, #tpu.memory_space<vmem_shared>>
      tpu.wait_dma2 semaphore(%run_scoped3A_98 : memref<!tpu.dma_semaphore, #tpu.memory_space<semaphore_mem>>) src(%dma_wait3A_116 : memref<640xf32, #tpu.memory_space<vmem_shared>>) dst(%dma_wait3A_114 : memref<640xf32, #tpu.memory_space<vmem>>)
      tpu.yield
    }) : () -> ()
    %scan3A_84 = arith.constant 0 : i32
    %scan3A_85 = arith.constant 0 : i32
    %scan3A_86 = arith.constant 40 : i32
    %scan3A_87 = arith.addi %scan3A_85, %scan3A_86 : i32
    %scan3A_88 = arith.constant 1 : i32
    %scan3A_89 = scf.for %scan3A_98 = %scan3A_85 to %scan3A_87 step %scan3A_88 iter_args(%scan3A_99 = %scan3A_84) -> (i32)  : i32 {
      %mul3A_100 = arith.constant 16 : i32
      %mul3A_101 = arith.muli %scan3A_98, %mul3A_100 : i32
      %get3A = arith.constant 0 : i32
      %get3A_102 = arith.index_cast %get3A : i32 to index
      %get3A_103 = arith.index_cast %mul3A_101 : i32 to index
      %get3A_104 = tpu.vector_load %arg7[%get3A_102, %get3A_103] {strides = array<i32>} : memref<16x640xf32, #tpu.memory_space<vmem>>, vector<16xf32>,
      %mul3A_105 = arith.constant 16 : i32
      %mul3A_106 = arith.muli %scan3A_98, %mul3A_105 : i32
      %get3A_107 = arith.constant 1 : i32
      %get3A_108 = arith.index_cast %get3A_107 : i32 to index
      %get3A_109 = arith.index_cast %mul3A_106 : i32 to index
      %get3A_110 = tpu.vector_load %arg7[%get3A_108, %get3A_109] {strides = array<i32>} : memref<16x640xf32, #tpu.memory_space<vmem>>, vector<16xf32>,
      %add3A_111 = arith.addf %get3A_104, %get3A_110 : vector<16xf32>
      %mul3A_112 = arith.constant 16 : i32
      %mul3A_113 = arith.muli %scan3A_98, %mul3A_112 : i32
      %get3A_114 = arith.constant 2 : i32
      %get3A_115 = arith.index_cast %get3A_114 : i32 to index
      %get3A_116 = arith.index_cast %mul3A_113 : i32 to index
      %get3A_117 = tpu.vector_load %arg7[%get3A_115, %get3A_116] {strides = array<i32>} : memref<16x640xf32, #tpu.memory_space<vmem>>, vector<16xf32>,
      %add3A_118 = arith.addf %add3A_111, %get3A_117 : vector<16xf32>
      %mul3A_119 = arith.constant 16 : i32
      %mul3A_120 = arith.muli %scan3A_98, %mul3A_119 : i32
      %get3A_121 = arith.constant 3 : i32
      %get3A_122 = arith.index_cast %get3A_121 : i32 to index
      %get3A_123 = arith.index_cast %mul3A_120 : i32 to index
      %get3A_124 = tpu.vector_load %arg7[%get3A_122, %get3A_123] {strides = array<i32>} : memref<16x640xf32, #tpu.memory_space<vmem>>, vector<16xf32>,
      %add3A_125 = arith.addf %add3A_118, %get3A_124 : vector<16xf32>
      %mul3A_126 = arith.constant 16 : i32
      %mul3A_127 = arith.muli %scan3A_98, %mul3A_126 : i32
      %get3A_128 = arith.constant 4 : i32
      %get3A_129 = arith.index_cast %get3A_128 : i32 to index
      %get3A_130 = arith.index_cast %mul3A_127 : i32 to index
      %get3A_131 = tpu.vector_load %arg7[%get3A_129, %get3A_130] {strides = array<i32>} : memref<16x640xf32, #tpu.memory_space<vmem>>, vector<16xf32>,
      %add3A_132 = arith.addf %add3A_125, %get3A_131 : vector<16xf32>
      %mul3A_133 = arith.constant 16 : i32
      %mul3A_134 = arith.muli %scan3A_98, %mul3A_133 : i32
      %get3A_135 = arith.constant 5 : i32
      %get3A_136 = arith.index_cast %get3A_135 : i32 to index
      %get3A_137 = arith.index_cast %mul3A_134 : i32 to index
      %get3A_138 = tpu.vector_load %arg7[%get3A_136, %get3A_137] {strides = array<i32>} : memref<16x640xf32, #tpu.memory_space<vmem>>, vector<16xf32>,
      %add3A_139 = arith.addf %add3A_132, %get3A_138 : vector<16xf32>
      %mul3A_140 = arith.constant 16 : i32
      %mul3A_141 = arith.muli %scan3A_98, %mul3A_140 : i32
      %get3A_142 = arith.constant 6 : i32
      %get3A_143 = arith.index_cast %get3A_142 : i32 to index
      %get3A_144 = arith.index_cast %mul3A_141 : i32 to index
      %get3A_145 = tpu.vector_load %arg7[%get3A_143, %get3A_144] {strides = array<i32>} : memref<16x640xf32, #tpu.memory_space<vmem>>, vector<16xf32>,
      %add3A_146 = arith.addf %add3A_139, %get3A_145 : vector<16xf32>
      %mul3A_147 = arith.constant 16 : i32
      %mul3A_148 = arith.muli %scan3A_98, %mul3A_147 : i32
      %get3A_149 = arith.constant 7 : i32
      %get3A_150 = arith.index_cast %get3A_149 : i32 to index
      %get3A_151 = arith.index_cast %mul3A_148 : i32 to index
      %get3A_152 = tpu.vector_load %arg7[%get3A_150, %get3A_151] {strides = array<i32>} : memref<16x640xf32, #tpu.memory_space<vmem>>, vector<16xf32>,
      %add3A_153 = arith.addf %add3A_146, %get3A_152 : vector<16xf32>
      %mul3A_154 = arith.constant 16 : i32
      %mul3A_155 = arith.muli %scan3A_98, %mul3A_154 : i32
      %get3A_156 = arith.constant 8 : i32
      %get3A_157 = arith.index_cast %get3A_156 : i32 to index
      %get3A_158 = arith.index_cast %mul3A_155 : i32 to index
      %get3A_159 = tpu.vector_load %arg7[%get3A_157, %get3A_158] {strides = array<i32>} : memref<16x640xf32, #tpu.memory_space<vmem>>, vector<16xf32>,
      %add3A_160 = arith.addf %add3A_153, %get3A_159 : vector<16xf32>
      %mul3A_161 = arith.constant 16 : i32
      %mul3A_162 = arith.muli %scan3A_98, %mul3A_161 : i32
      %get3A_163 = arith.constant 9 : i32
      %get3A_164 = arith.index_cast %get3A_163 : i32 to index
      %get3A_165 = arith.index_cast %mul3A_162 : i32 to index
      %get3A_166 = tpu.vector_load %arg7[%get3A_164, %get3A_165] {strides = array<i32>} : memref<16x640xf32, #tpu.memory_space<vmem>>, vector<16xf32>,
      %add3A_167 = arith.addf %add3A_160, %get3A_166 : vector<16xf32>
      %mul3A_168 = arith.constant 16 : i32
      %mul3A_169 = arith.muli %scan3A_98, %mul3A_168 : i32
      %get3A_170 = arith.constant 10 : i32
      %get3A_171 = arith.index_cast %get3A_170 : i32 to index
      %get3A_172 = arith.index_cast %mul3A_169 : i32 to index
      %get3A_173 = tpu.vector_load %arg7[%get3A_171, %get3A_172] {strides = array<i32>} : memref<16x640xf32, #tpu.memory_space<vmem>>, vector<16xf32>,
      %add3A_174 = arith.addf %add3A_167, %get3A_173 : vector<16xf32>
      %mul3A_175 = arith.constant 16 : i32
      %mul3A_176 = arith.muli %scan3A_98, %mul3A_175 : i32
      %get3A_177 = arith.constant 11 : i32
      %get3A_178 = arith.index_cast %get3A_177 : i32 to index
      %get3A_179 = arith.index_cast %mul3A_176 : i32 to index
      %get3A_180 = tpu.vector_load %arg7[%get3A_178, %get3A_179] {strides = array<i32>} : memref<16x640xf32, #tpu.memory_space<vmem>>, vector<16xf32>,
      %add3A_181 = arith.addf %add3A_174, %get3A_180 : vector<16xf32>
      %mul3A_182 = arith.constant 16 : i32
      %mul3A_183 = arith.muli %scan3A_98, %mul3A_182 : i32
      %get3A_184 = arith.constant 12 : i32
      %get3A_185 = arith.index_cast %get3A_184 : i32 to index
      %get3A_186 = arith.index_cast %mul3A_183 : i32 to index
      %get3A_187 = tpu.vector_load %arg7[%get3A_185, %get3A_186] {strides = array<i32>} : memref<16x640xf32, #tpu.memory_space<vmem>>, vector<16xf32>,
      %add3A_188 = arith.addf %add3A_181, %get3A_187 : vector<16xf32>
      %mul3A_189 = arith.constant 16 : i32
      %mul3A_190 = arith.muli %scan3A_98, %mul3A_189 : i32
      %get3A_191 = arith.constant 13 : i32
      %get3A_192 = arith.index_cast %get3A_191 : i32 to index
      %get3A_193 = arith.index_cast %mul3A_190 : i32 to index
      %get3A_194 = tpu.vector_load %arg7[%get3A_192, %get3A_193] {strides = array<i32>} : memref<16x640xf32, #tpu.memory_space<vmem>>, vector<16xf32>,
      %add3A_195 = arith.addf %add3A_188, %get3A_194 : vector<16xf32>
      %mul3A_196 = arith.constant 16 : i32
      %mul3A_197 = arith.muli %scan3A_98, %mul3A_196 : i32
      %get3A_198 = arith.constant 14 : i32
      %get3A_199 = arith.index_cast %get3A_198 : i32 to index
      %get3A_200 = arith.index_cast %mul3A_197 : i32 to index
      %get3A_201 = tpu.vector_load %arg7[%get3A_199, %get3A_200] {strides = array<i32>} : memref<16x640xf32, #tpu.memory_space<vmem>>, vector<16xf32>,
      %add3A_202 = arith.addf %add3A_195, %get3A_201 : vector<16xf32>
      %mul3A_203 = arith.constant 16 : i32
      %mul3A_204 = arith.muli %scan3A_98, %mul3A_203 : i32
      %get3A_205 = arith.constant 15 : i32
      %get3A_206 = arith.index_cast %get3A_205 : i32 to index
      %get3A_207 = arith.index_cast %mul3A_204 : i32 to index
      %get3A_208 = tpu.vector_load %arg7[%get3A_206, %get3A_207] {strides = array<i32>} : memref<16x640xf32, #tpu.memory_space<vmem>>, vector<16xf32>,
      %add3A_209 = arith.addf %add3A_202, %get3A_208 : vector<16xf32>
      %mul3A_210 = arith.constant 16 : i32
      %mul3A_211 = arith.muli %scan3A_98, %mul3A_210 : i32
      %swap3A = arith.index_cast %mul3A_211 : i32 to index
      %swap3A_212 = tpu.vector_load %arg8[%swap3A] {strides = array<i32>} : memref<640xf32, #tpu.memory_space<vmem>>, vector<16xf32>,
      tpu.vector_store %arg8[%swap3A], %add3A_209 {strides = array<i32>} : memref<640xf32, #tpu.memory_space<vmem>>, vector<16xf32>,
      %scan3A_213 = arith.constant 0 : i32
      scf.yield %scan3A_213 : i32
    }
    %scan3A_90 = arith.constant 40 : i32
    %eq3A = arith.constant 0 : i32
    %eq3A_91 = arith.cmpi eq, %arg0, %eq3A : i32
    %convert_element_type3A = arith.extui %eq3A_91 : i1 to i32
    %cond3A = arith.constant 0 : i32
    %cond3A_92 = arith.cmpi ne, %convert_element_type3A, %cond3A : i32
    scf.if %cond3A_92 {
      %mul3A_98 = arith.constant 640 : i32
      %mul3A_99 = arith.muli %arg1, %mul3A_98 : i32
      "tpu.region"() ({
        %run_scoped3A_100 = tpu.sem_alloc : memref<!tpu.dma_semaphore, #tpu.memory_space<semaphore_mem>>
        %dma_start3A = tpu.memref_slice %arg3[%mul3A_99] : memref<10240xf32, #tpu.memory_space<hbm>> -> memref<640xf32, #tpu.memory_space<hbm>>
        %dma_start3A_101 = tpu.memref_slice %arg3[%mul3A_99] : memref<10240xf32, #tpu.memory_space<hbm>> -> memref<640xf32, #tpu.memory_space<hbm>>
        tpu.enqueue_dma source(%arg8 : memref<640xf32, #tpu.memory_space<vmem>>) target(%dma_start3A_101 : memref<640xf32, #tpu.memory_space<hbm>>) target_semaphore(%run_scoped3A_100 : memref<!tpu.dma_semaphore, #tpu.memory_space<semaphore_mem>>)
        %dma_wait3A = tpu.memref_slice %arg3[%mul3A_99] : memref<10240xf32, #tpu.memory_space<hbm>> -> memref<640xf32, #tpu.memory_space<hbm>>
        %dma_wait3A_102 = tpu.memref_slice %arg3[%mul3A_99] : memref<10240xf32, #tpu.memory_space<hbm>> -> memref<640xf32, #tpu.memory_space<hbm>>
        tpu.wait_dma2 semaphore(%run_scoped3A_100 : memref<!tpu.dma_semaphore, #tpu.memory_space<semaphore_mem>>) src(%arg8 : memref<640xf32, #tpu.memory_space<vmem>>) dst(%dma_wait3A_102 : memref<640xf32, #tpu.memory_space<hbm>>)
        tpu.yield
      }) : () -> ()
    } else {
    }
    %eq3A_93 = arith.constant 1 : i32
    %eq3A_94 = arith.cmpi eq, %arg0, %eq3A_93 : i32
    %convert_element_type3A_95 = arith.extui %eq3A_94 : i1 to i32
    %cond3A_96 = arith.constant 0 : i32
    %cond3A_97 = arith.cmpi ne, %convert_element_type3A_95, %cond3A_96 : i32
    scf.if %cond3A_97 {
      %mul3A_98 = arith.constant 640 : i32
      %mul3A_99 = arith.muli %arg1, %mul3A_98 : i32
      "tpu.region"() ({
        %run_scoped3A_100 = tpu.sem_alloc : memref<!tpu.dma_semaphore, #tpu.memory_space<semaphore_mem>>
        %dma_start3A = tpu.memref_slice %arg4[%mul3A_99] : memref<10240xf32, #tpu.memory_space<hbm>> -> memref<640xf32, #tpu.memory_space<hbm>>
        %dma_start3A_101 = tpu.memref_slice %arg4[%mul3A_99] : memref<10240xf32, #tpu.memory_space<hbm>> -> memref<640xf32, #tpu.memory_space<hbm>>
        tpu.enqueue_dma source(%arg8 : memref<640xf32, #tpu.memory_space<vmem>>) target(%dma_start3A_101 : memref<640xf32, #tpu.memory_space<hbm>>) target_semaphore(%run_scoped3A_100 : memref<!tpu.dma_semaphore, #tpu.memory_space<semaphore_mem>>)
        %dma_wait3A = tpu.memref_slice %arg4[%mul3A_99] : memref<10240xf32, #tpu.memory_space<hbm>> -> memref<640xf32, #tpu.memory_space<hbm>>
        %dma_wait3A_102 = tpu.memref_slice %arg4[%mul3A_99] : memref<10240xf32, #tpu.memory_space<hbm>> -> memref<640xf32, #tpu.memory_space<hbm>>
        tpu.wait_dma2 semaphore(%run_scoped3A_100 : memref<!tpu.dma_semaphore, #tpu.memory_space<semaphore_mem>>) src(%arg8 : memref<640xf32, #tpu.memory_space<vmem>>) dst(%dma_wait3A_102 : memref<640xf32, #tpu.memory_space<hbm>>)
        tpu.yield
      }) : () -> ()
    } else {
    }
    return
  }
}

#map = affine_map<(d0, d1) -> (0, 0)>
#map1 = affine_map<(d0, d1) -> (0)>
#map2 = affine_map<(d0, d1) -> (0, 0, 0)>
module attributes {stable_mosaic.version = 14 : i64} {
  func.func @_spmm_body(%arg0: i32, %arg1: i32, %arg2: memref<10240x128xf32, #tpu.memory_space<hbm>>, %arg3: memref<640000xi32, #tpu.memory_space<hbm>>, %arg4: memref<2x10240x128xf32, #tpu.memory_space<hbm>>, %arg5: memref<10000xi32, #tpu.memory_space<vmem>>, %arg6: memref<10000xi32, #tpu.memory_space<vmem>>, %arg7: memref<80x128xf32, #tpu.memory_space<vmem>>, %arg8: memref<80x128xf32, #tpu.memory_space<vmem>>, %arg9: memref<64x128xf32, #tpu.memory_space<vmem>>, %arg10: memref<!tpu.dma_semaphore, #tpu.memory_space<semaphore_mem>>, %arg11: memref<!tpu.dma_semaphore, #tpu.memory_space<semaphore_mem>>, %arg12: memref<!tpu.dma_semaphore, #tpu.memory_space<semaphore_mem>>, %arg13: memref<10240x128xf32, #tpu.memory_space<vmem_shared>>) attributes {dimension_semantics = [#tpu.dimension_semantics<core_parallel>, #tpu.dimension_semantics<subcore_parallel>], iteration_bounds = array<i64: 2, 16>, scalar_prefetch = 0 : i64, scratch_operands = 9 : i64, tpu.core_type = #tpu.core_type<sc_vector_subcore>, window_params = [{transform_indices = #map}, {transform_indices = #map1}, {transform_indices = #map2}]} {
    %mul3A = arith.constant 2 : i32
    %mul3A_0 = arith.muli %arg1, %mul3A : i32
    %add3A = arith.addi %mul3A_0, %arg0 : i32
    %mul3A_1 = arith.constant 10000 : i32
    %mul3A_2 = arith.muli %add3A, %mul3A_1 : i32
    %add3A_3 = arith.constant 320000 : i32
    %add3A_4 = arith.addi %add3A_3, %mul3A_2 : i32
    %dma_start3A = tpu.memref_slice %arg3[%mul3A_2] : memref<640000xi32, #tpu.memory_space<hbm>> -> memref<10000xi32, #tpu.memory_space<hbm>>
    %dma_start3A_5 = tpu.memref_slice %arg3[%mul3A_2] : memref<640000xi32, #tpu.memory_space<hbm>> -> memref<10000xi32, #tpu.memory_space<hbm>>
    tpu.enqueue_dma source(%dma_start3A_5 : memref<10000xi32, #tpu.memory_space<hbm>>) target(%arg5 : memref<10000xi32, #tpu.memory_space<vmem>>) target_semaphore(%arg10 : memref<!tpu.dma_semaphore, #tpu.memory_space<semaphore_mem>>)
    %dma_start3A_6 = tpu.memref_slice %arg3[%add3A_4] : memref<640000xi32, #tpu.memory_space<hbm>> -> memref<10000xi32, #tpu.memory_space<hbm>>
    %dma_start3A_7 = tpu.memref_slice %arg3[%add3A_4] : memref<640000xi32, #tpu.memory_space<hbm>> -> memref<10000xi32, #tpu.memory_space<hbm>>
    tpu.enqueue_dma source(%dma_start3A_7 : memref<10000xi32, #tpu.memory_space<hbm>>) target(%arg6 : memref<10000xi32, #tpu.memory_space<vmem>>) target_semaphore(%arg11 : memref<!tpu.dma_semaphore, #tpu.memory_space<semaphore_mem>>)
    %broadcast_in_dim3A = arith.constant 0.000000e+00 : f32
    %broadcast_in_dim3A_8 = vector.broadcast %broadcast_in_dim3A : f32 to vector<16xf32>
    %scan3A = arith.constant 0 : i32
    %scan3A_9 = arith.constant 0 : i32
    %scan3A_10 = arith.constant 64 : i32
    %scan3A_11 = arith.addi %scan3A_9, %scan3A_10 : i32
    %scan3A_12 = arith.constant 1 : i32
    %scan3A_13 = scf.for %scan3A_160 = %scan3A_9 to %scan3A_11 step %scan3A_12 iter_args(%scan3A_161 = %scan3A) -> (i32)  : i32 {
      %swap3A = arith.index_cast %scan3A_160 : i32 to index
      %swap3A_162 = arith.constant 0 : index
      %swap3A_163 = tpu.vector_load %arg9[%swap3A, %swap3A_162] {strides = array<i32>} : memref<64x128xf32, #tpu.memory_space<vmem>>, vector<16xf32>,
      tpu.vector_store %arg9[%swap3A, %swap3A_162], %broadcast_in_dim3A_8 {strides = array<i32>} : memref<64x128xf32, #tpu.memory_space<vmem>>, vector<16xf32>,
      %swap3A_164 = arith.index_cast %scan3A_160 : i32 to index
      %swap3A_165 = arith.constant 16 : index
      %swap3A_166 = tpu.vector_load %arg9[%swap3A_164, %swap3A_165] {strides = array<i32>} : memref<64x128xf32, #tpu.memory_space<vmem>>, vector<16xf32>,
      tpu.vector_store %arg9[%swap3A_164, %swap3A_165], %broadcast_in_dim3A_8 {strides = array<i32>} : memref<64x128xf32, #tpu.memory_space<vmem>>, vector<16xf32>,
      %swap3A_167 = arith.index_cast %scan3A_160 : i32 to index
      %swap3A_168 = arith.constant 32 : index
      %swap3A_169 = tpu.vector_load %arg9[%swap3A_167, %swap3A_168] {strides = array<i32>} : memref<64x128xf32, #tpu.memory_space<vmem>>, vector<16xf32>,
      tpu.vector_store %arg9[%swap3A_167, %swap3A_168], %broadcast_in_dim3A_8 {strides = array<i32>} : memref<64x128xf32, #tpu.memory_space<vmem>>, vector<16xf32>,
      %swap3A_170 = arith.index_cast %scan3A_160 : i32 to index
      %swap3A_171 = arith.constant 48 : index
      %swap3A_172 = tpu.vector_load %arg9[%swap3A_170, %swap3A_171] {strides = array<i32>} : memref<64x128xf32, #tpu.memory_space<vmem>>, vector<16xf32>,
      tpu.vector_store %arg9[%swap3A_170, %swap3A_171], %broadcast_in_dim3A_8 {strides = array<i32>} : memref<64x128xf32, #tpu.memory_space<vmem>>, vector<16xf32>,
      %swap3A_173 = arith.index_cast %scan3A_160 : i32 to index
      %swap3A_174 = arith.constant 64 : index
      %swap3A_175 = tpu.vector_load %arg9[%swap3A_173, %swap3A_174] {strides = array<i32>} : memref<64x128xf32, #tpu.memory_space<vmem>>, vector<16xf32>,
      tpu.vector_store %arg9[%swap3A_173, %swap3A_174], %broadcast_in_dim3A_8 {strides = array<i32>} : memref<64x128xf32, #tpu.memory_space<vmem>>, vector<16xf32>,
      %swap3A_176 = arith.index_cast %scan3A_160 : i32 to index
      %swap3A_177 = arith.constant 80 : index
      %swap3A_178 = tpu.vector_load %arg9[%swap3A_176, %swap3A_177] {strides = array<i32>} : memref<64x128xf32, #tpu.memory_space<vmem>>, vector<16xf32>,
      tpu.vector_store %arg9[%swap3A_176, %swap3A_177], %broadcast_in_dim3A_8 {strides = array<i32>} : memref<64x128xf32, #tpu.memory_space<vmem>>, vector<16xf32>,
      %swap3A_179 = arith.index_cast %scan3A_160 : i32 to index
      %swap3A_180 = arith.constant 96 : index
      %swap3A_181 = tpu.vector_load %arg9[%swap3A_179, %swap3A_180] {strides = array<i32>} : memref<64x128xf32, #tpu.memory_space<vmem>>, vector<16xf32>,
      tpu.vector_store %arg9[%swap3A_179, %swap3A_180], %broadcast_in_dim3A_8 {strides = array<i32>} : memref<64x128xf32, #tpu.memory_space<vmem>>, vector<16xf32>,
      %swap3A_182 = arith.index_cast %scan3A_160 : i32 to index
      %swap3A_183 = arith.constant 112 : index
      %swap3A_184 = tpu.vector_load %arg9[%swap3A_182, %swap3A_183] {strides = array<i32>} : memref<64x128xf32, #tpu.memory_space<vmem>>, vector<16xf32>,
      tpu.vector_store %arg9[%swap3A_182, %swap3A_183], %broadcast_in_dim3A_8 {strides = array<i32>} : memref<64x128xf32, #tpu.memory_space<vmem>>, vector<16xf32>,
      %scan3A_185 = arith.constant 0 : i32
      scf.yield %scan3A_185 : i32
    }
    %scan3A_14 = arith.constant 64 : i32
    %mul3A_15 = arith.constant 640 : i32
    %mul3A_16 = arith.muli %arg1, %mul3A_15 : i32
    %add3A_17 = arith.constant 0 : i32
    %add3A_18 = arith.addi %mul3A_16, %add3A_17 : i32
    %mul3A_19 = arith.constant 640 : i32
    %mul3A_20 = arith.muli %arg1, %mul3A_19 : i32
    %add3A_21 = arith.constant 64 : i32
    %add3A_22 = arith.addi %mul3A_20, %add3A_21 : i32
    %mul3A_23 = arith.constant 640 : i32
    %mul3A_24 = arith.muli %arg1, %mul3A_23 : i32
    %add3A_25 = arith.constant 128 : i32
    %add3A_26 = arith.addi %mul3A_24, %add3A_25 : i32
    %mul3A_27 = arith.constant 640 : i32
    %mul3A_28 = arith.muli %arg1, %mul3A_27 : i32
    %add3A_29 = arith.constant 192 : i32
    %add3A_30 = arith.addi %mul3A_28, %add3A_29 : i32
    %mul3A_31 = arith.constant 640 : i32
    %mul3A_32 = arith.muli %arg1, %mul3A_31 : i32
    %add3A_33 = arith.constant 256 : i32
    %add3A_34 = arith.addi %mul3A_32, %add3A_33 : i32
    %mul3A_35 = arith.constant 640 : i32
    %mul3A_36 = arith.muli %arg1, %mul3A_35 : i32
    %add3A_37 = arith.constant 320 : i32
    %add3A_38 = arith.addi %mul3A_36, %add3A_37 : i32
    %mul3A_39 = arith.constant 640 : i32
    %mul3A_40 = arith.muli %arg1, %mul3A_39 : i32
    %add3A_41 = arith.constant 384 : i32
    %add3A_42 = arith.addi %mul3A_40, %add3A_41 : i32
    %mul3A_43 = arith.constant 640 : i32
    %mul3A_44 = arith.muli %arg1, %mul3A_43 : i32
    %add3A_45 = arith.constant 448 : i32
    %add3A_46 = arith.addi %mul3A_44, %add3A_45 : i32
    %mul3A_47 = arith.constant 640 : i32
    %mul3A_48 = arith.muli %arg1, %mul3A_47 : i32
    %add3A_49 = arith.constant 512 : i32
    %add3A_50 = arith.addi %mul3A_48, %add3A_49 : i32
    %mul3A_51 = arith.constant 640 : i32
    %mul3A_52 = arith.muli %arg1, %mul3A_51 : i32
    %add3A_53 = arith.constant 576 : i32
    %add3A_54 = arith.addi %mul3A_52, %add3A_53 : i32
    %dma_start3A_55 = arith.constant 0 : i32
    %dma_start3A_56 = tpu.memref_slice %arg13[%add3A_18, %dma_start3A_55] : memref<10240x128xf32, #tpu.memory_space<vmem_shared>> -> memref<64x128xf32, #tpu.memory_space<vmem_shared>>
    %dma_start3A_57 = arith.constant 0 : i32
    %dma_start3A_58 = tpu.memref_slice %arg13[%add3A_18, %dma_start3A_57] : memref<10240x128xf32, #tpu.memory_space<vmem_shared>> -> memref<64x128xf32, #tpu.memory_space<vmem_shared>>
    tpu.enqueue_dma source(%arg9 : memref<64x128xf32, #tpu.memory_space<vmem>>) target(%dma_start3A_58 : memref<64x128xf32, #tpu.memory_space<vmem_shared>>) target_semaphore(%arg12 : memref<!tpu.dma_semaphore, #tpu.memory_space<semaphore_mem>>)
    %dma_start3A_59 = arith.constant 0 : i32
    %dma_start3A_60 = tpu.memref_slice %arg13[%add3A_22, %dma_start3A_59] : memref<10240x128xf32, #tpu.memory_space<vmem_shared>> -> memref<64x128xf32, #tpu.memory_space<vmem_shared>>
    %dma_start3A_61 = arith.constant 0 : i32
    %dma_start3A_62 = tpu.memref_slice %arg13[%add3A_22, %dma_start3A_61] : memref<10240x128xf32, #tpu.memory_space<vmem_shared>> -> memref<64x128xf32, #tpu.memory_space<vmem_shared>>
    tpu.enqueue_dma source(%arg9 : memref<64x128xf32, #tpu.memory_space<vmem>>) target(%dma_start3A_62 : memref<64x128xf32, #tpu.memory_space<vmem_shared>>) target_semaphore(%arg12 : memref<!tpu.dma_semaphore, #tpu.memory_space<semaphore_mem>>)
    %dma_start3A_63 = arith.constant 0 : i32
    %dma_start3A_64 = tpu.memref_slice %arg13[%add3A_26, %dma_start3A_63] : memref<10240x128xf32, #tpu.memory_space<vmem_shared>> -> memref<64x128xf32, #tpu.memory_space<vmem_shared>>
    %dma_start3A_65 = arith.constant 0 : i32
    %dma_start3A_66 = tpu.memref_slice %arg13[%add3A_26, %dma_start3A_65] : memref<10240x128xf32, #tpu.memory_space<vmem_shared>> -> memref<64x128xf32, #tpu.memory_space<vmem_shared>>
    tpu.enqueue_dma source(%arg9 : memref<64x128xf32, #tpu.memory_space<vmem>>) target(%dma_start3A_66 : memref<64x128xf32, #tpu.memory_space<vmem_shared>>) target_semaphore(%arg12 : memref<!tpu.dma_semaphore, #tpu.memory_space<semaphore_mem>>)
    %dma_start3A_67 = arith.constant 0 : i32
    %dma_start3A_68 = tpu.memref_slice %arg13[%add3A_30, %dma_start3A_67] : memref<10240x128xf32, #tpu.memory_space<vmem_shared>> -> memref<64x128xf32, #tpu.memory_space<vmem_shared>>
    %dma_start3A_69 = arith.constant 0 : i32
    %dma_start3A_70 = tpu.memref_slice %arg13[%add3A_30, %dma_start3A_69] : memref<10240x128xf32, #tpu.memory_space<vmem_shared>> -> memref<64x128xf32, #tpu.memory_space<vmem_shared>>
    tpu.enqueue_dma source(%arg9 : memref<64x128xf32, #tpu.memory_space<vmem>>) target(%dma_start3A_70 : memref<64x128xf32, #tpu.memory_space<vmem_shared>>) target_semaphore(%arg12 : memref<!tpu.dma_semaphore, #tpu.memory_space<semaphore_mem>>)
    %dma_start3A_71 = arith.constant 0 : i32
    %dma_start3A_72 = tpu.memref_slice %arg13[%add3A_34, %dma_start3A_71] : memref<10240x128xf32, #tpu.memory_space<vmem_shared>> -> memref<64x128xf32, #tpu.memory_space<vmem_shared>>
    %dma_start3A_73 = arith.constant 0 : i32
    %dma_start3A_74 = tpu.memref_slice %arg13[%add3A_34, %dma_start3A_73] : memref<10240x128xf32, #tpu.memory_space<vmem_shared>> -> memref<64x128xf32, #tpu.memory_space<vmem_shared>>
    tpu.enqueue_dma source(%arg9 : memref<64x128xf32, #tpu.memory_space<vmem>>) target(%dma_start3A_74 : memref<64x128xf32, #tpu.memory_space<vmem_shared>>) target_semaphore(%arg12 : memref<!tpu.dma_semaphore, #tpu.memory_space<semaphore_mem>>)
    %dma_start3A_75 = arith.constant 0 : i32
    %dma_start3A_76 = tpu.memref_slice %arg13[%add3A_38, %dma_start3A_75] : memref<10240x128xf32, #tpu.memory_space<vmem_shared>> -> memref<64x128xf32, #tpu.memory_space<vmem_shared>>
    %dma_start3A_77 = arith.constant 0 : i32
    %dma_start3A_78 = tpu.memref_slice %arg13[%add3A_38, %dma_start3A_77] : memref<10240x128xf32, #tpu.memory_space<vmem_shared>> -> memref<64x128xf32, #tpu.memory_space<vmem_shared>>
    tpu.enqueue_dma source(%arg9 : memref<64x128xf32, #tpu.memory_space<vmem>>) target(%dma_start3A_78 : memref<64x128xf32, #tpu.memory_space<vmem_shared>>) target_semaphore(%arg12 : memref<!tpu.dma_semaphore, #tpu.memory_space<semaphore_mem>>)
    %dma_start3A_79 = arith.constant 0 : i32
    %dma_start3A_80 = tpu.memref_slice %arg13[%add3A_42, %dma_start3A_79] : memref<10240x128xf32, #tpu.memory_space<vmem_shared>> -> memref<64x128xf32, #tpu.memory_space<vmem_shared>>
    %dma_start3A_81 = arith.constant 0 : i32
    %dma_start3A_82 = tpu.memref_slice %arg13[%add3A_42, %dma_start3A_81] : memref<10240x128xf32, #tpu.memory_space<vmem_shared>> -> memref<64x128xf32, #tpu.memory_space<vmem_shared>>
    tpu.enqueue_dma source(%arg9 : memref<64x128xf32, #tpu.memory_space<vmem>>) target(%dma_start3A_82 : memref<64x128xf32, #tpu.memory_space<vmem_shared>>) target_semaphore(%arg12 : memref<!tpu.dma_semaphore, #tpu.memory_space<semaphore_mem>>)
    %dma_start3A_83 = arith.constant 0 : i32
    %dma_start3A_84 = tpu.memref_slice %arg13[%add3A_46, %dma_start3A_83] : memref<10240x128xf32, #tpu.memory_space<vmem_shared>> -> memref<64x128xf32, #tpu.memory_space<vmem_shared>>
    %dma_start3A_85 = arith.constant 0 : i32
    %dma_start3A_86 = tpu.memref_slice %arg13[%add3A_46, %dma_start3A_85] : memref<10240x128xf32, #tpu.memory_space<vmem_shared>> -> memref<64x128xf32, #tpu.memory_space<vmem_shared>>
    tpu.enqueue_dma source(%arg9 : memref<64x128xf32, #tpu.memory_space<vmem>>) target(%dma_start3A_86 : memref<64x128xf32, #tpu.memory_space<vmem_shared>>) target_semaphore(%arg12 : memref<!tpu.dma_semaphore, #tpu.memory_space<semaphore_mem>>)
    %dma_start3A_87 = arith.constant 0 : i32
    %dma_start3A_88 = tpu.memref_slice %arg13[%add3A_50, %dma_start3A_87] : memref<10240x128xf32, #tpu.memory_space<vmem_shared>> -> memref<64x128xf32, #tpu.memory_space<vmem_shared>>
    %dma_start3A_89 = arith.constant 0 : i32
    %dma_start3A_90 = tpu.memref_slice %arg13[%add3A_50, %dma_start3A_89] : memref<10240x128xf32, #tpu.memory_space<vmem_shared>> -> memref<64x128xf32, #tpu.memory_space<vmem_shared>>
    tpu.enqueue_dma source(%arg9 : memref<64x128xf32, #tpu.memory_space<vmem>>) target(%dma_start3A_90 : memref<64x128xf32, #tpu.memory_space<vmem_shared>>) target_semaphore(%arg12 : memref<!tpu.dma_semaphore, #tpu.memory_space<semaphore_mem>>)
    %dma_start3A_91 = arith.constant 0 : i32
    %dma_start3A_92 = tpu.memref_slice %arg13[%add3A_54, %dma_start3A_91] : memref<10240x128xf32, #tpu.memory_space<vmem_shared>> -> memref<64x128xf32, #tpu.memory_space<vmem_shared>>
    %dma_start3A_93 = arith.constant 0 : i32
    %dma_start3A_94 = tpu.memref_slice %arg13[%add3A_54, %dma_start3A_93] : memref<10240x128xf32, #tpu.memory_space<vmem_shared>> -> memref<64x128xf32, #tpu.memory_space<vmem_shared>>
    tpu.enqueue_dma source(%arg9 : memref<64x128xf32, #tpu.memory_space<vmem>>) target(%dma_start3A_94 : memref<64x128xf32, #tpu.memory_space<vmem_shared>>) target_semaphore(%arg12 : memref<!tpu.dma_semaphore, #tpu.memory_space<semaphore_mem>>)
    %dma_wait3A = arith.constant 0 : i32
    %dma_wait3A_95 = tpu.memref_slice %arg13[%add3A_18, %dma_wait3A] : memref<10240x128xf32, #tpu.memory_space<vmem_shared>> -> memref<64x128xf32, #tpu.memory_space<vmem_shared>>
    %dma_wait3A_96 = arith.constant 0 : i32
    %dma_wait3A_97 = tpu.memref_slice %arg13[%add3A_18, %dma_wait3A_96] : memref<10240x128xf32, #tpu.memory_space<vmem_shared>> -> memref<64x128xf32, #tpu.memory_space<vmem_shared>>
    tpu.wait_dma2 semaphore(%arg12 : memref<!tpu.dma_semaphore, #tpu.memory_space<semaphore_mem>>) src(%arg9 : memref<64x128xf32, #tpu.memory_space<vmem>>) dst(%dma_wait3A_97 : memref<64x128xf32, #tpu.memory_space<vmem_shared>>)
    %dma_wait3A_98 = arith.constant 0 : i32
    %dma_wait3A_99 = tpu.memref_slice %arg13[%add3A_22, %dma_wait3A_98] : memref<10240x128xf32, #tpu.memory_space<vmem_shared>> -> memref<64x128xf32, #tpu.memory_space<vmem_shared>>
    %dma_wait3A_100 = arith.constant 0 : i32
    %dma_wait3A_101 = tpu.memref_slice %arg13[%add3A_22, %dma_wait3A_100] : memref<10240x128xf32, #tpu.memory_space<vmem_shared>> -> memref<64x128xf32, #tpu.memory_space<vmem_shared>>
    tpu.wait_dma2 semaphore(%arg12 : memref<!tpu.dma_semaphore, #tpu.memory_space<semaphore_mem>>) src(%arg9 : memref<64x128xf32, #tpu.memory_space<vmem>>) dst(%dma_wait3A_101 : memref<64x128xf32, #tpu.memory_space<vmem_shared>>)
    %dma_wait3A_102 = arith.constant 0 : i32
    %dma_wait3A_103 = tpu.memref_slice %arg13[%add3A_26, %dma_wait3A_102] : memref<10240x128xf32, #tpu.memory_space<vmem_shared>> -> memref<64x128xf32, #tpu.memory_space<vmem_shared>>
    %dma_wait3A_104 = arith.constant 0 : i32
    %dma_wait3A_105 = tpu.memref_slice %arg13[%add3A_26, %dma_wait3A_104] : memref<10240x128xf32, #tpu.memory_space<vmem_shared>> -> memref<64x128xf32, #tpu.memory_space<vmem_shared>>
    tpu.wait_dma2 semaphore(%arg12 : memref<!tpu.dma_semaphore, #tpu.memory_space<semaphore_mem>>) src(%arg9 : memref<64x128xf32, #tpu.memory_space<vmem>>) dst(%dma_wait3A_105 : memref<64x128xf32, #tpu.memory_space<vmem_shared>>)
    %dma_wait3A_106 = arith.constant 0 : i32
    %dma_wait3A_107 = tpu.memref_slice %arg13[%add3A_30, %dma_wait3A_106] : memref<10240x128xf32, #tpu.memory_space<vmem_shared>> -> memref<64x128xf32, #tpu.memory_space<vmem_shared>>
    %dma_wait3A_108 = arith.constant 0 : i32
    %dma_wait3A_109 = tpu.memref_slice %arg13[%add3A_30, %dma_wait3A_108] : memref<10240x128xf32, #tpu.memory_space<vmem_shared>> -> memref<64x128xf32, #tpu.memory_space<vmem_shared>>
    tpu.wait_dma2 semaphore(%arg12 : memref<!tpu.dma_semaphore, #tpu.memory_space<semaphore_mem>>) src(%arg9 : memref<64x128xf32, #tpu.memory_space<vmem>>) dst(%dma_wait3A_109 : memref<64x128xf32, #tpu.memory_space<vmem_shared>>)
    %dma_wait3A_110 = arith.constant 0 : i32
    %dma_wait3A_111 = tpu.memref_slice %arg13[%add3A_34, %dma_wait3A_110] : memref<10240x128xf32, #tpu.memory_space<vmem_shared>> -> memref<64x128xf32, #tpu.memory_space<vmem_shared>>
    %dma_wait3A_112 = arith.constant 0 : i32
    %dma_wait3A_113 = tpu.memref_slice %arg13[%add3A_34, %dma_wait3A_112] : memref<10240x128xf32, #tpu.memory_space<vmem_shared>> -> memref<64x128xf32, #tpu.memory_space<vmem_shared>>
    tpu.wait_dma2 semaphore(%arg12 : memref<!tpu.dma_semaphore, #tpu.memory_space<semaphore_mem>>) src(%arg9 : memref<64x128xf32, #tpu.memory_space<vmem>>) dst(%dma_wait3A_113 : memref<64x128xf32, #tpu.memory_space<vmem_shared>>)
    %dma_wait3A_114 = arith.constant 0 : i32
    %dma_wait3A_115 = tpu.memref_slice %arg13[%add3A_38, %dma_wait3A_114] : memref<10240x128xf32, #tpu.memory_space<vmem_shared>> -> memref<64x128xf32, #tpu.memory_space<vmem_shared>>
    %dma_wait3A_116 = arith.constant 0 : i32
    %dma_wait3A_117 = tpu.memref_slice %arg13[%add3A_38, %dma_wait3A_116] : memref<10240x128xf32, #tpu.memory_space<vmem_shared>> -> memref<64x128xf32, #tpu.memory_space<vmem_shared>>
    tpu.wait_dma2 semaphore(%arg12 : memref<!tpu.dma_semaphore, #tpu.memory_space<semaphore_mem>>) src(%arg9 : memref<64x128xf32, #tpu.memory_space<vmem>>) dst(%dma_wait3A_117 : memref<64x128xf32, #tpu.memory_space<vmem_shared>>)
    %dma_wait3A_118 = arith.constant 0 : i32
    %dma_wait3A_119 = tpu.memref_slice %arg13[%add3A_42, %dma_wait3A_118] : memref<10240x128xf32, #tpu.memory_space<vmem_shared>> -> memref<64x128xf32, #tpu.memory_space<vmem_shared>>
    %dma_wait3A_120 = arith.constant 0 : i32
    %dma_wait3A_121 = tpu.memref_slice %arg13[%add3A_42, %dma_wait3A_120] : memref<10240x128xf32, #tpu.memory_space<vmem_shared>> -> memref<64x128xf32, #tpu.memory_space<vmem_shared>>
    tpu.wait_dma2 semaphore(%arg12 : memref<!tpu.dma_semaphore, #tpu.memory_space<semaphore_mem>>) src(%arg9 : memref<64x128xf32, #tpu.memory_space<vmem>>) dst(%dma_wait3A_121 : memref<64x128xf32, #tpu.memory_space<vmem_shared>>)
    %dma_wait3A_122 = arith.constant 0 : i32
    %dma_wait3A_123 = tpu.memref_slice %arg13[%add3A_46, %dma_wait3A_122] : memref<10240x128xf32, #tpu.memory_space<vmem_shared>> -> memref<64x128xf32, #tpu.memory_space<vmem_shared>>
    %dma_wait3A_124 = arith.constant 0 : i32
    %dma_wait3A_125 = tpu.memref_slice %arg13[%add3A_46, %dma_wait3A_124] : memref<10240x128xf32, #tpu.memory_space<vmem_shared>> -> memref<64x128xf32, #tpu.memory_space<vmem_shared>>
    tpu.wait_dma2 semaphore(%arg12 : memref<!tpu.dma_semaphore, #tpu.memory_space<semaphore_mem>>) src(%arg9 : memref<64x128xf32, #tpu.memory_space<vmem>>) dst(%dma_wait3A_125 : memref<64x128xf32, #tpu.memory_space<vmem_shared>>)
    %dma_wait3A_126 = arith.constant 0 : i32
    %dma_wait3A_127 = tpu.memref_slice %arg13[%add3A_50, %dma_wait3A_126] : memref<10240x128xf32, #tpu.memory_space<vmem_shared>> -> memref<64x128xf32, #tpu.memory_space<vmem_shared>>
    %dma_wait3A_128 = arith.constant 0 : i32
    %dma_wait3A_129 = tpu.memref_slice %arg13[%add3A_50, %dma_wait3A_128] : memref<10240x128xf32, #tpu.memory_space<vmem_shared>> -> memref<64x128xf32, #tpu.memory_space<vmem_shared>>
    tpu.wait_dma2 semaphore(%arg12 : memref<!tpu.dma_semaphore, #tpu.memory_space<semaphore_mem>>) src(%arg9 : memref<64x128xf32, #tpu.memory_space<vmem>>) dst(%dma_wait3A_129 : memref<64x128xf32, #tpu.memory_space<vmem_shared>>)
    %dma_wait3A_130 = arith.constant 0 : i32
    %dma_wait3A_131 = tpu.memref_slice %arg13[%add3A_54, %dma_wait3A_130] : memref<10240x128xf32, #tpu.memory_space<vmem_shared>> -> memref<64x128xf32, #tpu.memory_space<vmem_shared>>
    %dma_wait3A_132 = arith.constant 0 : i32
    %dma_wait3A_133 = tpu.memref_slice %arg13[%add3A_54, %dma_wait3A_132] : memref<10240x128xf32, #tpu.memory_space<vmem_shared>> -> memref<64x128xf32, #tpu.memory_space<vmem_shared>>
    tpu.wait_dma2 semaphore(%arg12 : memref<!tpu.dma_semaphore, #tpu.memory_space<semaphore_mem>>) src(%arg9 : memref<64x128xf32, #tpu.memory_space<vmem>>) dst(%dma_wait3A_133 : memref<64x128xf32, #tpu.memory_space<vmem_shared>>)
    %dma_wait3A_134 = tpu.memref_slice %arg3[%mul3A_2] : memref<640000xi32, #tpu.memory_space<hbm>> -> memref<10000xi32, #tpu.memory_space<hbm>>
    %dma_wait3A_135 = tpu.memref_slice %arg3[%mul3A_2] : memref<640000xi32, #tpu.memory_space<hbm>> -> memref<10000xi32, #tpu.memory_space<hbm>>
    tpu.wait_dma2 semaphore(%arg10 : memref<!tpu.dma_semaphore, #tpu.memory_space<semaphore_mem>>) src(%dma_wait3A_135 : memref<10000xi32, #tpu.memory_space<hbm>>) dst(%arg5 : memref<10000xi32, #tpu.memory_space<vmem>>)
    %dma_wait3A_136 = tpu.memref_slice %arg3[%add3A_4] : memref<640000xi32, #tpu.memory_space<hbm>> -> memref<10000xi32, #tpu.memory_space<hbm>>
    %dma_wait3A_137 = tpu.memref_slice %arg3[%add3A_4] : memref<640000xi32, #tpu.memory_space<hbm>> -> memref<10000xi32, #tpu.memory_space<hbm>>
    tpu.wait_dma2 semaphore(%arg11 : memref<!tpu.dma_semaphore, #tpu.memory_space<semaphore_mem>>) src(%dma_wait3A_137 : memref<10000xi32, #tpu.memory_space<hbm>>) dst(%arg6 : memref<10000xi32, #tpu.memory_space<vmem>>)
    %barrier3A = arith.constant 0 : index
    tpu.barrier barrier_id(%barrier3A)
    %dma_start3A_138 = arith.constant 0 : i32
    %dma_start3A_139 = tpu.memref_slice %arg5[%dma_start3A_138] : memref<10000xi32, #tpu.memory_space<vmem>> -> memref<80xi32, #tpu.memory_space<vmem>>
    %dma_start3A_140 = arith.constant 0 : i32
    %dma_start3A_141 = arith.constant 0 : i32
    %dma_start3A_142 = tpu.memref_slice %arg2[%dma_start3A_140, %dma_start3A_141] : memref<10240x128xf32, #tpu.memory_space<hbm>> -> memref<10240x128xf32, #tpu.memory_space<hbm>>
    tpu.enqueue_indirect_dma source(%dma_start3A_142 : memref<10240x128xf32, #tpu.memory_space<hbm>>) target(%arg7 : memref<80x128xf32, #tpu.memory_space<vmem>>) offsets(%dma_start3A_139 : memref<80xi32, #tpu.memory_space<vmem>>) semaphore(%arg10 : memref<!tpu.dma_semaphore, #tpu.memory_space<semaphore_mem>>)
    %scan3A_143 = arith.constant 0 : i32
    %scan3A_144 = arith.constant 0 : i32
    %scan3A_145 = arith.constant 62 : i32
    %scan3A_146 = arith.addi %scan3A_144, %scan3A_145 : i32
    %scan3A_147 = arith.constant 1 : i32
    %scan3A_148 = scf.for %scan3A_160 = %scan3A_144 to %scan3A_146 step %scan3A_147 iter_args(%scan3A_161 = %scan3A_143) -> (i32)  : i32 {
      %mul3A_162 = arith.constant 2 : i32
      %mul3A_163 = arith.muli %scan3A_160, %mul3A_162 : i32
      %add3A_164 = arith.constant 1 : i32
      %add3A_165 = arith.addi %mul3A_163, %add3A_164 : i32
      %mul3A_166 = arith.constant 80 : i32
      %mul3A_167 = arith.muli %add3A_165, %mul3A_166 : i32
      %dma_start3A_168 = tpu.memref_slice %arg5[%mul3A_167] : memref<10000xi32, #tpu.memory_space<vmem>> -> memref<80xi32, #tpu.memory_space<vmem>>
      %dma_start3A_169 = arith.constant 0 : i32
      %dma_start3A_170 = arith.constant 0 : i32
      %dma_start3A_171 = tpu.memref_slice %arg2[%dma_start3A_169, %dma_start3A_170] : memref<10240x128xf32, #tpu.memory_space<hbm>> -> memref<10240x128xf32, #tpu.memory_space<hbm>>
      tpu.enqueue_indirect_dma source(%dma_start3A_171 : memref<10240x128xf32, #tpu.memory_space<hbm>>) target(%arg8 : memref<80x128xf32, #tpu.memory_space<vmem>>) offsets(%dma_start3A_168 : memref<80xi32, #tpu.memory_space<vmem>>) semaphore(%arg11 : memref<!tpu.dma_semaphore, #tpu.memory_space<semaphore_mem>>)
      %mul3A_172 = arith.constant 80 : i32
      %mul3A_173 = arith.muli %mul3A_163, %mul3A_172 : i32
      %dma_wait3A_174 = tpu.memref_slice %arg5[%mul3A_173] : memref<10000xi32, #tpu.memory_space<vmem>> -> memref<80xi32, #tpu.memory_space<vmem>>
      %dma_wait3A_175 = arith.constant 0 : i32
      %dma_wait3A_176 = arith.constant 0 : i32
      %dma_wait3A_177 = tpu.memref_slice %arg2[%dma_wait3A_175, %dma_wait3A_176] : memref<10240x128xf32, #tpu.memory_space<hbm>> -> memref<10240x128xf32, #tpu.memory_space<hbm>>
      tpu.wait_indirect_dma semaphore(%arg10 : memref<!tpu.dma_semaphore, #tpu.memory_space<semaphore_mem>>) src(%dma_wait3A_177 : memref<10240x128xf32, #tpu.memory_space<hbm>>) dst(%arg7 : memref<80x128xf32, #tpu.memory_space<vmem>>)
      %mul3A_178 = arith.constant 80 : i32
      %mul3A_179 = arith.muli %mul3A_163, %mul3A_178 : i32
      "tpu.region"() ({
        %run_scoped3A = tpu.sem_alloc : memref<!tpu.dma_semaphore, #tpu.memory_space<semaphore_mem>>
        %dma_start3A_201 = tpu.memref_slice %arg6[%mul3A_179] : memref<10000xi32, #tpu.memory_space<vmem>> -> memref<80xi32, #tpu.memory_space<vmem>>
        %dma_start3A_202 = arith.constant 0 : i32
        %dma_start3A_203 = arith.constant 0 : i32
        %dma_start3A_204 = tpu.memref_slice %arg13[%dma_start3A_202, %dma_start3A_203] : memref<10240x128xf32, #tpu.memory_space<vmem_shared>> -> memref<10240x128xf32, #tpu.memory_space<vmem_shared>>
        tpu.enqueue_indirect_dma source(%arg7 : memref<80x128xf32, #tpu.memory_space<vmem>>) target(%dma_start3A_204 : memref<10240x128xf32, #tpu.memory_space<vmem_shared>>) offsets(%dma_start3A_201 : memref<80xi32, #tpu.memory_space<vmem>>) semaphore(%run_scoped3A : memref<!tpu.dma_semaphore, #tpu.memory_space<semaphore_mem>>) {add = true}
        %dma_wait3A_205 = tpu.memref_slice %arg6[%mul3A_179] : memref<10000xi32, #tpu.memory_space<vmem>> -> memref<80xi32, #tpu.memory_space<vmem>>
        %dma_wait3A_206 = arith.constant 0 : i32
        %dma_wait3A_207 = arith.constant 0 : i32
        %dma_wait3A_208 = tpu.memref_slice %arg13[%dma_wait3A_206, %dma_wait3A_207] : memref<10240x128xf32, #tpu.memory_space<vmem_shared>> -> memref<10240x128xf32, #tpu.memory_space<vmem_shared>>
        tpu.wait_indirect_dma semaphore(%run_scoped3A : memref<!tpu.dma_semaphore, #tpu.memory_space<semaphore_mem>>) src(%arg7 : memref<80x128xf32, #tpu.memory_space<vmem>>) dst(%dma_wait3A_208 : memref<10240x128xf32, #tpu.memory_space<vmem_shared>>)
        tpu.yield
      }) : () -> ()
      %add3A_180 = arith.constant 2 : i32
      %add3A_181 = arith.addi %mul3A_163, %add3A_180 : i32
      %mul3A_182 = arith.constant 80 : i32
      %mul3A_183 = arith.muli %add3A_181, %mul3A_182 : i32
      %dma_start3A_184 = tpu.memref_slice %arg5[%mul3A_183] : memref<10000xi32, #tpu.memory_space<vmem>> -> memref<80xi32, #tpu.memory_space<vmem>>
      %dma_start3A_185 = arith.constant 0 : i32
      %dma_start3A_186 = arith.constant 0 : i32
      %dma_start3A_187 = tpu.memref_slice %arg2[%dma_start3A_185, %dma_start3A_186] : memref<10240x128xf32, #tpu.memory_space<hbm>> -> memref<10240x128xf32, #tpu.memory_space<hbm>>
      tpu.enqueue_indirect_dma source(%dma_start3A_187 : memref<10240x128xf32, #tpu.memory_space<hbm>>) target(%arg7 : memref<80x128xf32, #tpu.memory_space<vmem>>) offsets(%dma_start3A_184 : memref<80xi32, #tpu.memory_space<vmem>>) semaphore(%arg10 : memref<!tpu.dma_semaphore, #tpu.memory_space<semaphore_mem>>)
      %add3A_188 = arith.constant 1 : i32
      %add3A_189 = arith.addi %mul3A_163, %add3A_188 : i32
      %mul3A_190 = arith.constant 80 : i32
      %mul3A_191 = arith.muli %add3A_189, %mul3A_190 : i32
      %dma_wait3A_192 = tpu.memref_slice %arg5[%mul3A_191] : memref<10000xi32, #tpu.memory_space<vmem>> -> memref<80xi32, #tpu.memory_space<vmem>>
      %dma_wait3A_193 = arith.constant 0 : i32
      %dma_wait3A_194 = arith.constant 0 : i32
      %dma_wait3A_195 = tpu.memref_slice %arg2[%dma_wait3A_193, %dma_wait3A_194] : memref<10240x128xf32, #tpu.memory_space<hbm>> -> memref<10240x128xf32, #tpu.memory_space<hbm>>
      tpu.wait_indirect_dma semaphore(%arg11 : memref<!tpu.dma_semaphore, #tpu.memory_space<semaphore_mem>>) src(%dma_wait3A_195 : memref<10240x128xf32, #tpu.memory_space<hbm>>) dst(%arg8 : memref<80x128xf32, #tpu.memory_space<vmem>>)
      %add3A_196 = arith.constant 1 : i32
      %add3A_197 = arith.addi %mul3A_163, %add3A_196 : i32
      %mul3A_198 = arith.constant 80 : i32
      %mul3A_199 = arith.muli %add3A_197, %mul3A_198 : i32
      "tpu.region"() ({
        %run_scoped3A = tpu.sem_alloc : memref<!tpu.dma_semaphore, #tpu.memory_space<semaphore_mem>>
        %dma_start3A_201 = tpu.memref_slice %arg6[%mul3A_199] : memref<10000xi32, #tpu.memory_space<vmem>> -> memref<80xi32, #tpu.memory_space<vmem>>
        %dma_start3A_202 = arith.constant 0 : i32
        %dma_start3A_203 = arith.constant 0 : i32
        %dma_start3A_204 = tpu.memref_slice %arg13[%dma_start3A_202, %dma_start3A_203] : memref<10240x128xf32, #tpu.memory_space<vmem_shared>> -> memref<10240x128xf32, #tpu.memory_space<vmem_shared>>
        tpu.enqueue_indirect_dma source(%arg8 : memref<80x128xf32, #tpu.memory_space<vmem>>) target(%dma_start3A_204 : memref<10240x128xf32, #tpu.memory_space<vmem_shared>>) offsets(%dma_start3A_201 : memref<80xi32, #tpu.memory_space<vmem>>) semaphore(%run_scoped3A : memref<!tpu.dma_semaphore, #tpu.memory_space<semaphore_mem>>) {add = true}
        %dma_wait3A_205 = tpu.memref_slice %arg6[%mul3A_199] : memref<10000xi32, #tpu.memory_space<vmem>> -> memref<80xi32, #tpu.memory_space<vmem>>
        %dma_wait3A_206 = arith.constant 0 : i32
        %dma_wait3A_207 = arith.constant 0 : i32
        %dma_wait3A_208 = tpu.memref_slice %arg13[%dma_wait3A_206, %dma_wait3A_207] : memref<10240x128xf32, #tpu.memory_space<vmem_shared>> -> memref<10240x128xf32, #tpu.memory_space<vmem_shared>>
        tpu.wait_indirect_dma semaphore(%run_scoped3A : memref<!tpu.dma_semaphore, #tpu.memory_space<semaphore_mem>>) src(%arg8 : memref<80x128xf32, #tpu.memory_space<vmem>>) dst(%dma_wait3A_208 : memref<10240x128xf32, #tpu.memory_space<vmem_shared>>)
        tpu.yield
      }) : () -> ()
      %scan3A_200 = arith.constant 0 : i32
      scf.yield %scan3A_200 : i32
    }
    %scan3A_149 = arith.constant 62 : i32
    %dma_wait3A_150 = arith.constant 9920 : i32
    %dma_wait3A_151 = tpu.memref_slice %arg5[%dma_wait3A_150] : memref<10000xi32, #tpu.memory_space<vmem>> -> memref<80xi32, #tpu.memory_space<vmem>>
    %dma_wait3A_152 = arith.constant 0 : i32
    %dma_wait3A_153 = arith.constant 0 : i32
    %dma_wait3A_154 = tpu.memref_slice %arg2[%dma_wait3A_152, %dma_wait3A_153] : memref<10240x128xf32, #tpu.memory_space<hbm>> -> memref<10240x128xf32, #tpu.memory_space<hbm>>
    tpu.wait_indirect_dma semaphore(%arg10 : memref<!tpu.dma_semaphore, #tpu.memory_space<semaphore_mem>>) src(%dma_wait3A_154 : memref<10240x128xf32, #tpu.memory_space<hbm>>) dst(%arg7 : memref<80x128xf32, #tpu.memory_space<vmem>>)
    "tpu.region"() ({
      %run_scoped3A = tpu.sem_alloc : memref<!tpu.dma_semaphore, #tpu.memory_space<semaphore_mem>>
      %dma_start3A_160 = arith.constant 9920 : i32
      %dma_start3A_161 = tpu.memref_slice %arg6[%dma_start3A_160] : memref<10000xi32, #tpu.memory_space<vmem>> -> memref<80xi32, #tpu.memory_space<vmem>>
      %dma_start3A_162 = arith.constant 0 : i32
      %dma_start3A_163 = arith.constant 0 : i32
      %dma_start3A_164 = tpu.memref_slice %arg13[%dma_start3A_162, %dma_start3A_163] : memref<10240x128xf32, #tpu.memory_space<vmem_shared>> -> memref<10240x128xf32, #tpu.memory_space<vmem_shared>>
      tpu.enqueue_indirect_dma source(%arg7 : memref<80x128xf32, #tpu.memory_space<vmem>>) target(%dma_start3A_164 : memref<10240x128xf32, #tpu.memory_space<vmem_shared>>) offsets(%dma_start3A_161 : memref<80xi32, #tpu.memory_space<vmem>>) semaphore(%run_scoped3A : memref<!tpu.dma_semaphore, #tpu.memory_space<semaphore_mem>>) {add = true}
      %dma_wait3A_165 = arith.constant 9920 : i32
      %dma_wait3A_166 = tpu.memref_slice %arg6[%dma_wait3A_165] : memref<10000xi32, #tpu.memory_space<vmem>> -> memref<80xi32, #tpu.memory_space<vmem>>
      %dma_wait3A_167 = arith.constant 0 : i32
      %dma_wait3A_168 = arith.constant 0 : i32
      %dma_wait3A_169 = tpu.memref_slice %arg13[%dma_wait3A_167, %dma_wait3A_168] : memref<10240x128xf32, #tpu.memory_space<vmem_shared>> -> memref<10240x128xf32, #tpu.memory_space<vmem_shared>>
      tpu.wait_indirect_dma semaphore(%run_scoped3A : memref<!tpu.dma_semaphore, #tpu.memory_space<semaphore_mem>>) src(%arg7 : memref<80x128xf32, #tpu.memory_space<vmem>>) dst(%dma_wait3A_169 : memref<10240x128xf32, #tpu.memory_space<vmem_shared>>)
      tpu.yield
    }) : () -> ()
    %barrier3A_155 = arith.constant 0 : index
    tpu.barrier barrier_id(%barrier3A_155)
    %mul3A_156 = arith.constant 640 : i32
    %mul3A_157 = arith.muli %arg1, %mul3A_156 : i32
    %mul3A_158 = arith.constant 640 : i32
    %mul3A_159 = arith.muli %arg1, %mul3A_158 : i32
    "tpu.region"() ({
      %run_scoped3A = tpu.sem_alloc : memref<!tpu.dma_semaphore, #tpu.memory_space<semaphore_mem>>
      %dma_start3A_160 = arith.constant 0 : i32
      %dma_start3A_161 = tpu.memref_slice %arg4[%arg0, %mul3A_159, %dma_start3A_160] : memref<2x10240x128xf32, #tpu.memory_space<hbm>> -> memref<1x640x128xf32, #tpu.memory_space<hbm>>
      %dma_start3A_162 = tpu.memref_squeeze %dma_start3A_161 : memref<1x640x128xf32, #tpu.memory_space<hbm>> -> memref<640x128xf32, #tpu.memory_space<hbm>>
      %dma_start3A_163 = arith.constant 0 : i32
      %dma_start3A_164 = tpu.memref_slice %arg13[%mul3A_157, %dma_start3A_163] : memref<10240x128xf32, #tpu.memory_space<vmem_shared>> -> memref<640x128xf32, #tpu.memory_space<vmem_shared>>
      tpu.enqueue_dma source(%dma_start3A_164 : memref<640x128xf32, #tpu.memory_space<vmem_shared>>) target(%dma_start3A_162 : memref<640x128xf32, #tpu.memory_space<hbm>>) target_semaphore(%run_scoped3A : memref<!tpu.dma_semaphore, #tpu.memory_space<semaphore_mem>>)
      %dma_wait3A_165 = arith.constant 0 : i32
      %dma_wait3A_166 = tpu.memref_slice %arg4[%arg0, %mul3A_159, %dma_wait3A_165] : memref<2x10240x128xf32, #tpu.memory_space<hbm>> -> memref<1x640x128xf32, #tpu.memory_space<hbm>>
      %dma_wait3A_167 = tpu.memref_squeeze %dma_wait3A_166 : memref<1x640x128xf32, #tpu.memory_space<hbm>> -> memref<640x128xf32, #tpu.memory_space<hbm>>
      %dma_wait3A_168 = arith.constant 0 : i32
      %dma_wait3A_169 = tpu.memref_slice %arg13[%mul3A_157, %dma_wait3A_168] : memref<10240x128xf32, #tpu.memory_space<vmem_shared>> -> memref<640x128xf32, #tpu.memory_space<vmem_shared>>
      tpu.wait_dma2 semaphore(%run_scoped3A : memref<!tpu.dma_semaphore, #tpu.memory_space<semaphore_mem>>) src(%dma_wait3A_169 : memref<640x128xf32, #tpu.memory_space<vmem_shared>>) dst(%dma_wait3A_167 : memref<640x128xf32, #tpu.memory_space<hbm>>)
      tpu.yield
    }) : () -> ()
    return
  }
}

#map = affine_map<(d0, d1) -> (0, 0)>
#map1 = affine_map<(d0, d1) -> (0)>
#map2 = affine_map<(d0, d1) -> (0, 0, 0)>
module attributes {stable_mosaic.version = 14 : i64} {
  func.func @_spmm_body(%arg0: i32, %arg1: i32, %arg2: memref<10240x128xf32, #tpu.memory_space<hbm>>, %arg3: memref<640000xi32, #tpu.memory_space<hbm>>, %arg4: memref<2x10240x128xf32, #tpu.memory_space<hbm>>, %arg5: memref<10000xi32, #tpu.memory_space<vmem>>, %arg6: memref<10000xi32, #tpu.memory_space<vmem>>, %arg7: memref<80x128xf32, #tpu.memory_space<vmem>>, %arg8: memref<80x128xf32, #tpu.memory_space<vmem>>, %arg9: memref<64x128xf32, #tpu.memory_space<vmem>>, %arg10: memref<!tpu.dma_semaphore, #tpu.memory_space<semaphore_mem>>, %arg11: memref<!tpu.dma_semaphore, #tpu.memory_space<semaphore_mem>>, %arg12: memref<!tpu.dma_semaphore, #tpu.memory_space<semaphore_mem>>, %arg13: memref<10240x128xf32, #tpu.memory_space<vmem_shared>>) attributes {dimension_semantics = [#tpu.dimension_semantics<core_parallel>, #tpu.dimension_semantics<subcore_parallel>], iteration_bounds = array<i64: 2, 16>, scalar_prefetch = 0 : i64, scratch_operands = 9 : i64, tpu.core_type = #tpu.core_type<sc_vector_subcore>, window_params = [{transform_indices = #map}, {transform_indices = #map1}, {transform_indices = #map2}]} {
    %mul3A = arith.constant 2 : i32
    %mul3A_0 = arith.muli %arg1, %mul3A : i32
    %add3A = arith.addi %mul3A_0, %arg0 : i32
    %mul3A_1 = arith.constant 10000 : i32
    %mul3A_2 = arith.muli %add3A, %mul3A_1 : i32
    %add3A_3 = arith.constant 320000 : i32
    %add3A_4 = arith.addi %add3A_3, %mul3A_2 : i32
    %dma_start3A = tpu.memref_slice %arg3[%mul3A_2] : memref<640000xi32, #tpu.memory_space<hbm>> -> memref<10000xi32, #tpu.memory_space<hbm>>
    %dma_start3A_5 = tpu.memref_slice %arg3[%mul3A_2] : memref<640000xi32, #tpu.memory_space<hbm>> -> memref<10000xi32, #tpu.memory_space<hbm>>
    tpu.enqueue_dma source(%dma_start3A_5 : memref<10000xi32, #tpu.memory_space<hbm>>) target(%arg5 : memref<10000xi32, #tpu.memory_space<vmem>>) target_semaphore(%arg10 : memref<!tpu.dma_semaphore, #tpu.memory_space<semaphore_mem>>)
    %dma_start3A_6 = tpu.memref_slice %arg3[%add3A_4] : memref<640000xi32, #tpu.memory_space<hbm>> -> memref<10000xi32, #tpu.memory_space<hbm>>
    %dma_start3A_7 = tpu.memref_slice %arg3[%add3A_4] : memref<640000xi32, #tpu.memory_space<hbm>> -> memref<10000xi32, #tpu.memory_space<hbm>>
    tpu.enqueue_dma source(%dma_start3A_7 : memref<10000xi32, #tpu.memory_space<hbm>>) target(%arg6 : memref<10000xi32, #tpu.memory_space<vmem>>) target_semaphore(%arg11 : memref<!tpu.dma_semaphore, #tpu.memory_space<semaphore_mem>>)
    %broadcast_in_dim3A = arith.constant 0.000000e+00 : f32
    %broadcast_in_dim3A_8 = vector.broadcast %broadcast_in_dim3A : f32 to vector<16xf32>
    %scan3A = arith.constant 0 : i32
    %scan3A_9 = arith.constant 0 : i32
    %scan3A_10 = arith.constant 64 : i32
    %scan3A_11 = arith.addi %scan3A_9, %scan3A_10 : i32
    %scan3A_12 = arith.constant 1 : i32
    %scan3A_13 = scf.for %scan3A_160 = %scan3A_9 to %scan3A_11 step %scan3A_12 iter_args(%scan3A_161 = %scan3A) -> (i32)  : i32 {
      %swap3A = arith.index_cast %scan3A_160 : i32 to index
      %swap3A_162 = arith.constant 0 : index
      %swap3A_163 = tpu.vector_load %arg9[%swap3A, %swap3A_162] {strides = array<i32>} : memref<64x128xf32, #tpu.memory_space<vmem>>, vector<16xf32>,
      tpu.vector_store %arg9[%swap3A, %swap3A_162], %broadcast_in_dim3A_8 {strides = array<i32>} : memref<64x128xf32, #tpu.memory_space<vmem>>, vector<16xf32>,
      %swap3A_164 = arith.index_cast %scan3A_160 : i32 to index
      %swap3A_165 = arith.constant 16 : index
      %swap3A_166 = tpu.vector_load %arg9[%swap3A_164, %swap3A_165] {strides = array<i32>} : memref<64x128xf32, #tpu.memory_space<vmem>>, vector<16xf32>,
      tpu.vector_store %arg9[%swap3A_164, %swap3A_165], %broadcast_in_dim3A_8 {strides = array<i32>} : memref<64x128xf32, #tpu.memory_space<vmem>>, vector<16xf32>,
      %swap3A_167 = arith.index_cast %scan3A_160 : i32 to index
      %swap3A_168 = arith.constant 32 : index
      %swap3A_169 = tpu.vector_load %arg9[%swap3A_167, %swap3A_168] {strides = array<i32>} : memref<64x128xf32, #tpu.memory_space<vmem>>, vector<16xf32>,
      tpu.vector_store %arg9[%swap3A_167, %swap3A_168], %broadcast_in_dim3A_8 {strides = array<i32>} : memref<64x128xf32, #tpu.memory_space<vmem>>, vector<16xf32>,
      %swap3A_170 = arith.index_cast %scan3A_160 : i32 to index
      %swap3A_171 = arith.constant 48 : index
      %swap3A_172 = tpu.vector_load %arg9[%swap3A_170, %swap3A_171] {strides = array<i32>} : memref<64x128xf32, #tpu.memory_space<vmem>>, vector<16xf32>,
      tpu.vector_store %arg9[%swap3A_170, %swap3A_171], %broadcast_in_dim3A_8 {strides = array<i32>} : memref<64x128xf32, #tpu.memory_space<vmem>>, vector<16xf32>,
      %swap3A_173 = arith.index_cast %scan3A_160 : i32 to index
      %swap3A_174 = arith.constant 64 : index
      %swap3A_175 = tpu.vector_load %arg9[%swap3A_173, %swap3A_174] {strides = array<i32>} : memref<64x128xf32, #tpu.memory_space<vmem>>, vector<16xf32>,
      tpu.vector_store %arg9[%swap3A_173, %swap3A_174], %broadcast_in_dim3A_8 {strides = array<i32>} : memref<64x128xf32, #tpu.memory_space<vmem>>, vector<16xf32>,
      %swap3A_176 = arith.index_cast %scan3A_160 : i32 to index
      %swap3A_177 = arith.constant 80 : index
      %swap3A_178 = tpu.vector_load %arg9[%swap3A_176, %swap3A_177] {strides = array<i32>} : memref<64x128xf32, #tpu.memory_space<vmem>>, vector<16xf32>,
      tpu.vector_store %arg9[%swap3A_176, %swap3A_177], %broadcast_in_dim3A_8 {strides = array<i32>} : memref<64x128xf32, #tpu.memory_space<vmem>>, vector<16xf32>,
      %swap3A_179 = arith.index_cast %scan3A_160 : i32 to index
      %swap3A_180 = arith.constant 96 : index
      %swap3A_181 = tpu.vector_load %arg9[%swap3A_179, %swap3A_180] {strides = array<i32>} : memref<64x128xf32, #tpu.memory_space<vmem>>, vector<16xf32>,
      tpu.vector_store %arg9[%swap3A_179, %swap3A_180], %broadcast_in_dim3A_8 {strides = array<i32>} : memref<64x128xf32, #tpu.memory_space<vmem>>, vector<16xf32>,
      %swap3A_182 = arith.index_cast %scan3A_160 : i32 to index
      %swap3A_183 = arith.constant 112 : index
      %swap3A_184 = tpu.vector_load %arg9[%swap3A_182, %swap3A_183] {strides = array<i32>} : memref<64x128xf32, #tpu.memory_space<vmem>>, vector<16xf32>,
      tpu.vector_store %arg9[%swap3A_182, %swap3A_183], %broadcast_in_dim3A_8 {strides = array<i32>} : memref<64x128xf32, #tpu.memory_space<vmem>>, vector<16xf32>,
      %scan3A_185 = arith.constant 0 : i32
      scf.yield %scan3A_185 : i32
    }
    %scan3A_14 = arith.constant 64 : i32
    %mul3A_15 = arith.constant 640 : i32
    %mul3A_16 = arith.muli %arg1, %mul3A_15 : i32
    %add3A_17 = arith.constant 0 : i32
    %add3A_18 = arith.addi %mul3A_16, %add3A_17 : i32
    %mul3A_19 = arith.constant 640 : i32
    %mul3A_20 = arith.muli %arg1, %mul3A_19 : i32
    %add3A_21 = arith.constant 64 : i32
    %add3A_22 = arith.addi %mul3A_20, %add3A_21 : i32
    %mul3A_23 = arith.constant 640 : i32
    %mul3A_24 = arith.muli %arg1, %mul3A_23 : i32
    %add3A_25 = arith.constant 128 : i32
    %add3A_26 = arith.addi %mul3A_24, %add3A_25 : i32
    %mul3A_27 = arith.constant 640 : i32
    %mul3A_28 = arith.muli %arg1, %mul3A_27 : i32
    %add3A_29 = arith.constant 192 : i32
    %add3A_30 = arith.addi %mul3A_28, %add3A_29 : i32
    %mul3A_31 = arith.constant 640 : i32
    %mul3A_32 = arith.muli %arg1, %mul3A_31 : i32
    %add3A_33 = arith.constant 256 : i32
    %add3A_34 = arith.addi %mul3A_32, %add3A_33 : i32
    %mul3A_35 = arith.constant 640 : i32
    %mul3A_36 = arith.muli %arg1, %mul3A_35 : i32
    %add3A_37 = arith.constant 320 : i32
    %add3A_38 = arith.addi %mul3A_36, %add3A_37 : i32
    %mul3A_39 = arith.constant 640 : i32
    %mul3A_40 = arith.muli %arg1, %mul3A_39 : i32
    %add3A_41 = arith.constant 384 : i32
    %add3A_42 = arith.addi %mul3A_40, %add3A_41 : i32
    %mul3A_43 = arith.constant 640 : i32
    %mul3A_44 = arith.muli %arg1, %mul3A_43 : i32
    %add3A_45 = arith.constant 448 : i32
    %add3A_46 = arith.addi %mul3A_44, %add3A_45 : i32
    %mul3A_47 = arith.constant 640 : i32
    %mul3A_48 = arith.muli %arg1, %mul3A_47 : i32
    %add3A_49 = arith.constant 512 : i32
    %add3A_50 = arith.addi %mul3A_48, %add3A_49 : i32
    %mul3A_51 = arith.constant 640 : i32
    %mul3A_52 = arith.muli %arg1, %mul3A_51 : i32
    %add3A_53 = arith.constant 576 : i32
    %add3A_54 = arith.addi %mul3A_52, %add3A_53 : i32
    %dma_start3A_55 = arith.constant 0 : i32
    %dma_start3A_56 = tpu.memref_slice %arg13[%add3A_18, %dma_start3A_55] : memref<10240x128xf32, #tpu.memory_space<vmem_shared>> -> memref<64x128xf32, #tpu.memory_space<vmem_shared>>
    %dma_start3A_57 = arith.constant 0 : i32
    %dma_start3A_58 = tpu.memref_slice %arg13[%add3A_18, %dma_start3A_57] : memref<10240x128xf32, #tpu.memory_space<vmem_shared>> -> memref<64x128xf32, #tpu.memory_space<vmem_shared>>
    tpu.enqueue_dma source(%arg9 : memref<64x128xf32, #tpu.memory_space<vmem>>) target(%dma_start3A_58 : memref<64x128xf32, #tpu.memory_space<vmem_shared>>) target_semaphore(%arg12 : memref<!tpu.dma_semaphore, #tpu.memory_space<semaphore_mem>>)
    %dma_start3A_59 = arith.constant 0 : i32
    %dma_start3A_60 = tpu.memref_slice %arg13[%add3A_22, %dma_start3A_59] : memref<10240x128xf32, #tpu.memory_space<vmem_shared>> -> memref<64x128xf32, #tpu.memory_space<vmem_shared>>
    %dma_start3A_61 = arith.constant 0 : i32
    %dma_start3A_62 = tpu.memref_slice %arg13[%add3A_22, %dma_start3A_61] : memref<10240x128xf32, #tpu.memory_space<vmem_shared>> -> memref<64x128xf32, #tpu.memory_space<vmem_shared>>
    tpu.enqueue_dma source(%arg9 : memref<64x128xf32, #tpu.memory_space<vmem>>) target(%dma_start3A_62 : memref<64x128xf32, #tpu.memory_space<vmem_shared>>) target_semaphore(%arg12 : memref<!tpu.dma_semaphore, #tpu.memory_space<semaphore_mem>>)
    %dma_start3A_63 = arith.constant 0 : i32
    %dma_start3A_64 = tpu.memref_slice %arg13[%add3A_26, %dma_start3A_63] : memref<10240x128xf32, #tpu.memory_space<vmem_shared>> -> memref<64x128xf32, #tpu.memory_space<vmem_shared>>
    %dma_start3A_65 = arith.constant 0 : i32
    %dma_start3A_66 = tpu.memref_slice %arg13[%add3A_26, %dma_start3A_65] : memref<10240x128xf32, #tpu.memory_space<vmem_shared>> -> memref<64x128xf32, #tpu.memory_space<vmem_shared>>
    tpu.enqueue_dma source(%arg9 : memref<64x128xf32, #tpu.memory_space<vmem>>) target(%dma_start3A_66 : memref<64x128xf32, #tpu.memory_space<vmem_shared>>) target_semaphore(%arg12 : memref<!tpu.dma_semaphore, #tpu.memory_space<semaphore_mem>>)
    %dma_start3A_67 = arith.constant 0 : i32
    %dma_start3A_68 = tpu.memref_slice %arg13[%add3A_30, %dma_start3A_67] : memref<10240x128xf32, #tpu.memory_space<vmem_shared>> -> memref<64x128xf32, #tpu.memory_space<vmem_shared>>
    %dma_start3A_69 = arith.constant 0 : i32
    %dma_start3A_70 = tpu.memref_slice %arg13[%add3A_30, %dma_start3A_69] : memref<10240x128xf32, #tpu.memory_space<vmem_shared>> -> memref<64x128xf32, #tpu.memory_space<vmem_shared>>
    tpu.enqueue_dma source(%arg9 : memref<64x128xf32, #tpu.memory_space<vmem>>) target(%dma_start3A_70 : memref<64x128xf32, #tpu.memory_space<vmem_shared>>) target_semaphore(%arg12 : memref<!tpu.dma_semaphore, #tpu.memory_space<semaphore_mem>>)
    %dma_start3A_71 = arith.constant 0 : i32
    %dma_start3A_72 = tpu.memref_slice %arg13[%add3A_34, %dma_start3A_71] : memref<10240x128xf32, #tpu.memory_space<vmem_shared>> -> memref<64x128xf32, #tpu.memory_space<vmem_shared>>
    %dma_start3A_73 = arith.constant 0 : i32
    %dma_start3A_74 = tpu.memref_slice %arg13[%add3A_34, %dma_start3A_73] : memref<10240x128xf32, #tpu.memory_space<vmem_shared>> -> memref<64x128xf32, #tpu.memory_space<vmem_shared>>
    tpu.enqueue_dma source(%arg9 : memref<64x128xf32, #tpu.memory_space<vmem>>) target(%dma_start3A_74 : memref<64x128xf32, #tpu.memory_space<vmem_shared>>) target_semaphore(%arg12 : memref<!tpu.dma_semaphore, #tpu.memory_space<semaphore_mem>>)
    %dma_start3A_75 = arith.constant 0 : i32
    %dma_start3A_76 = tpu.memref_slice %arg13[%add3A_38, %dma_start3A_75] : memref<10240x128xf32, #tpu.memory_space<vmem_shared>> -> memref<64x128xf32, #tpu.memory_space<vmem_shared>>
    %dma_start3A_77 = arith.constant 0 : i32
    %dma_start3A_78 = tpu.memref_slice %arg13[%add3A_38, %dma_start3A_77] : memref<10240x128xf32, #tpu.memory_space<vmem_shared>> -> memref<64x128xf32, #tpu.memory_space<vmem_shared>>
    tpu.enqueue_dma source(%arg9 : memref<64x128xf32, #tpu.memory_space<vmem>>) target(%dma_start3A_78 : memref<64x128xf32, #tpu.memory_space<vmem_shared>>) target_semaphore(%arg12 : memref<!tpu.dma_semaphore, #tpu.memory_space<semaphore_mem>>)
    %dma_start3A_79 = arith.constant 0 : i32
    %dma_start3A_80 = tpu.memref_slice %arg13[%add3A_42, %dma_start3A_79] : memref<10240x128xf32, #tpu.memory_space<vmem_shared>> -> memref<64x128xf32, #tpu.memory_space<vmem_shared>>
    %dma_start3A_81 = arith.constant 0 : i32
    %dma_start3A_82 = tpu.memref_slice %arg13[%add3A_42, %dma_start3A_81] : memref<10240x128xf32, #tpu.memory_space<vmem_shared>> -> memref<64x128xf32, #tpu.memory_space<vmem_shared>>
    tpu.enqueue_dma source(%arg9 : memref<64x128xf32, #tpu.memory_space<vmem>>) target(%dma_start3A_82 : memref<64x128xf32, #tpu.memory_space<vmem_shared>>) target_semaphore(%arg12 : memref<!tpu.dma_semaphore, #tpu.memory_space<semaphore_mem>>)
    %dma_start3A_83 = arith.constant 0 : i32
    %dma_start3A_84 = tpu.memref_slice %arg13[%add3A_46, %dma_start3A_83] : memref<10240x128xf32, #tpu.memory_space<vmem_shared>> -> memref<64x128xf32, #tpu.memory_space<vmem_shared>>
    %dma_start3A_85 = arith.constant 0 : i32
    %dma_start3A_86 = tpu.memref_slice %arg13[%add3A_46, %dma_start3A_85] : memref<10240x128xf32, #tpu.memory_space<vmem_shared>> -> memref<64x128xf32, #tpu.memory_space<vmem_shared>>
    tpu.enqueue_dma source(%arg9 : memref<64x128xf32, #tpu.memory_space<vmem>>) target(%dma_start3A_86 : memref<64x128xf32, #tpu.memory_space<vmem_shared>>) target_semaphore(%arg12 : memref<!tpu.dma_semaphore, #tpu.memory_space<semaphore_mem>>)
    %dma_start3A_87 = arith.constant 0 : i32
    %dma_start3A_88 = tpu.memref_slice %arg13[%add3A_50, %dma_start3A_87] : memref<10240x128xf32, #tpu.memory_space<vmem_shared>> -> memref<64x128xf32, #tpu.memory_space<vmem_shared>>
    %dma_start3A_89 = arith.constant 0 : i32
    %dma_start3A_90 = tpu.memref_slice %arg13[%add3A_50, %dma_start3A_89] : memref<10240x128xf32, #tpu.memory_space<vmem_shared>> -> memref<64x128xf32, #tpu.memory_space<vmem_shared>>
    tpu.enqueue_dma source(%arg9 : memref<64x128xf32, #tpu.memory_space<vmem>>) target(%dma_start3A_90 : memref<64x128xf32, #tpu.memory_space<vmem_shared>>) target_semaphore(%arg12 : memref<!tpu.dma_semaphore, #tpu.memory_space<semaphore_mem>>)
    %dma_start3A_91 = arith.constant 0 : i32
    %dma_start3A_92 = tpu.memref_slice %arg13[%add3A_54, %dma_start3A_91] : memref<10240x128xf32, #tpu.memory_space<vmem_shared>> -> memref<64x128xf32, #tpu.memory_space<vmem_shared>>
    %dma_start3A_93 = arith.constant 0 : i32
    %dma_start3A_94 = tpu.memref_slice %arg13[%add3A_54, %dma_start3A_93] : memref<10240x128xf32, #tpu.memory_space<vmem_shared>> -> memref<64x128xf32, #tpu.memory_space<vmem_shared>>
    tpu.enqueue_dma source(%arg9 : memref<64x128xf32, #tpu.memory_space<vmem>>) target(%dma_start3A_94 : memref<64x128xf32, #tpu.memory_space<vmem_shared>>) target_semaphore(%arg12 : memref<!tpu.dma_semaphore, #tpu.memory_space<semaphore_mem>>)
    %dma_wait3A = arith.constant 0 : i32
    %dma_wait3A_95 = tpu.memref_slice %arg13[%add3A_18, %dma_wait3A] : memref<10240x128xf32, #tpu.memory_space<vmem_shared>> -> memref<64x128xf32, #tpu.memory_space<vmem_shared>>
    %dma_wait3A_96 = arith.constant 0 : i32
    %dma_wait3A_97 = tpu.memref_slice %arg13[%add3A_18, %dma_wait3A_96] : memref<10240x128xf32, #tpu.memory_space<vmem_shared>> -> memref<64x128xf32, #tpu.memory_space<vmem_shared>>
    tpu.wait_dma2 semaphore(%arg12 : memref<!tpu.dma_semaphore, #tpu.memory_space<semaphore_mem>>) src(%arg9 : memref<64x128xf32, #tpu.memory_space<vmem>>) dst(%dma_wait3A_97 : memref<64x128xf32, #tpu.memory_space<vmem_shared>>)
    %dma_wait3A_98 = arith.constant 0 : i32
    %dma_wait3A_99 = tpu.memref_slice %arg13[%add3A_22, %dma_wait3A_98] : memref<10240x128xf32, #tpu.memory_space<vmem_shared>> -> memref<64x128xf32, #tpu.memory_space<vmem_shared>>
    %dma_wait3A_100 = arith.constant 0 : i32
    %dma_wait3A_101 = tpu.memref_slice %arg13[%add3A_22, %dma_wait3A_100] : memref<10240x128xf32, #tpu.memory_space<vmem_shared>> -> memref<64x128xf32, #tpu.memory_space<vmem_shared>>
    tpu.wait_dma2 semaphore(%arg12 : memref<!tpu.dma_semaphore, #tpu.memory_space<semaphore_mem>>) src(%arg9 : memref<64x128xf32, #tpu.memory_space<vmem>>) dst(%dma_wait3A_101 : memref<64x128xf32, #tpu.memory_space<vmem_shared>>)
    %dma_wait3A_102 = arith.constant 0 : i32
    %dma_wait3A_103 = tpu.memref_slice %arg13[%add3A_26, %dma_wait3A_102] : memref<10240x128xf32, #tpu.memory_space<vmem_shared>> -> memref<64x128xf32, #tpu.memory_space<vmem_shared>>
    %dma_wait3A_104 = arith.constant 0 : i32
    %dma_wait3A_105 = tpu.memref_slice %arg13[%add3A_26, %dma_wait3A_104] : memref<10240x128xf32, #tpu.memory_space<vmem_shared>> -> memref<64x128xf32, #tpu.memory_space<vmem_shared>>
    tpu.wait_dma2 semaphore(%arg12 : memref<!tpu.dma_semaphore, #tpu.memory_space<semaphore_mem>>) src(%arg9 : memref<64x128xf32, #tpu.memory_space<vmem>>) dst(%dma_wait3A_105 : memref<64x128xf32, #tpu.memory_space<vmem_shared>>)
    %dma_wait3A_106 = arith.constant 0 : i32
    %dma_wait3A_107 = tpu.memref_slice %arg13[%add3A_30, %dma_wait3A_106] : memref<10240x128xf32, #tpu.memory_space<vmem_shared>> -> memref<64x128xf32, #tpu.memory_space<vmem_shared>>
    %dma_wait3A_108 = arith.constant 0 : i32
    %dma_wait3A_109 = tpu.memref_slice %arg13[%add3A_30, %dma_wait3A_108] : memref<10240x128xf32, #tpu.memory_space<vmem_shared>> -> memref<64x128xf32, #tpu.memory_space<vmem_shared>>
    tpu.wait_dma2 semaphore(%arg12 : memref<!tpu.dma_semaphore, #tpu.memory_space<semaphore_mem>>) src(%arg9 : memref<64x128xf32, #tpu.memory_space<vmem>>) dst(%dma_wait3A_109 : memref<64x128xf32, #tpu.memory_space<vmem_shared>>)
    %dma_wait3A_110 = arith.constant 0 : i32
    %dma_wait3A_111 = tpu.memref_slice %arg13[%add3A_34, %dma_wait3A_110] : memref<10240x128xf32, #tpu.memory_space<vmem_shared>> -> memref<64x128xf32, #tpu.memory_space<vmem_shared>>
    %dma_wait3A_112 = arith.constant 0 : i32
    %dma_wait3A_113 = tpu.memref_slice %arg13[%add3A_34, %dma_wait3A_112] : memref<10240x128xf32, #tpu.memory_space<vmem_shared>> -> memref<64x128xf32, #tpu.memory_space<vmem_shared>>
    tpu.wait_dma2 semaphore(%arg12 : memref<!tpu.dma_semaphore, #tpu.memory_space<semaphore_mem>>) src(%arg9 : memref<64x128xf32, #tpu.memory_space<vmem>>) dst(%dma_wait3A_113 : memref<64x128xf32, #tpu.memory_space<vmem_shared>>)
    %dma_wait3A_114 = arith.constant 0 : i32
    %dma_wait3A_115 = tpu.memref_slice %arg13[%add3A_38, %dma_wait3A_114] : memref<10240x128xf32, #tpu.memory_space<vmem_shared>> -> memref<64x128xf32, #tpu.memory_space<vmem_shared>>
    %dma_wait3A_116 = arith.constant 0 : i32
    %dma_wait3A_117 = tpu.memref_slice %arg13[%add3A_38, %dma_wait3A_116] : memref<10240x128xf32, #tpu.memory_space<vmem_shared>> -> memref<64x128xf32, #tpu.memory_space<vmem_shared>>
    tpu.wait_dma2 semaphore(%arg12 : memref<!tpu.dma_semaphore, #tpu.memory_space<semaphore_mem>>) src(%arg9 : memref<64x128xf32, #tpu.memory_space<vmem>>) dst(%dma_wait3A_117 : memref<64x128xf32, #tpu.memory_space<vmem_shared>>)
    %dma_wait3A_118 = arith.constant 0 : i32
    %dma_wait3A_119 = tpu.memref_slice %arg13[%add3A_42, %dma_wait3A_118] : memref<10240x128xf32, #tpu.memory_space<vmem_shared>> -> memref<64x128xf32, #tpu.memory_space<vmem_shared>>
    %dma_wait3A_120 = arith.constant 0 : i32
    %dma_wait3A_121 = tpu.memref_slice %arg13[%add3A_42, %dma_wait3A_120] : memref<10240x128xf32, #tpu.memory_space<vmem_shared>> -> memref<64x128xf32, #tpu.memory_space<vmem_shared>>
    tpu.wait_dma2 semaphore(%arg12 : memref<!tpu.dma_semaphore, #tpu.memory_space<semaphore_mem>>) src(%arg9 : memref<64x128xf32, #tpu.memory_space<vmem>>) dst(%dma_wait3A_121 : memref<64x128xf32, #tpu.memory_space<vmem_shared>>)
    %dma_wait3A_122 = arith.constant 0 : i32
    %dma_wait3A_123 = tpu.memref_slice %arg13[%add3A_46, %dma_wait3A_122] : memref<10240x128xf32, #tpu.memory_space<vmem_shared>> -> memref<64x128xf32, #tpu.memory_space<vmem_shared>>
    %dma_wait3A_124 = arith.constant 0 : i32
    %dma_wait3A_125 = tpu.memref_slice %arg13[%add3A_46, %dma_wait3A_124] : memref<10240x128xf32, #tpu.memory_space<vmem_shared>> -> memref<64x128xf32, #tpu.memory_space<vmem_shared>>
    tpu.wait_dma2 semaphore(%arg12 : memref<!tpu.dma_semaphore, #tpu.memory_space<semaphore_mem>>) src(%arg9 : memref<64x128xf32, #tpu.memory_space<vmem>>) dst(%dma_wait3A_125 : memref<64x128xf32, #tpu.memory_space<vmem_shared>>)
    %dma_wait3A_126 = arith.constant 0 : i32
    %dma_wait3A_127 = tpu.memref_slice %arg13[%add3A_50, %dma_wait3A_126] : memref<10240x128xf32, #tpu.memory_space<vmem_shared>> -> memref<64x128xf32, #tpu.memory_space<vmem_shared>>
    %dma_wait3A_128 = arith.constant 0 : i32
    %dma_wait3A_129 = tpu.memref_slice %arg13[%add3A_50, %dma_wait3A_128] : memref<10240x128xf32, #tpu.memory_space<vmem_shared>> -> memref<64x128xf32, #tpu.memory_space<vmem_shared>>
    tpu.wait_dma2 semaphore(%arg12 : memref<!tpu.dma_semaphore, #tpu.memory_space<semaphore_mem>>) src(%arg9 : memref<64x128xf32, #tpu.memory_space<vmem>>) dst(%dma_wait3A_129 : memref<64x128xf32, #tpu.memory_space<vmem_shared>>)
    %dma_wait3A_130 = arith.constant 0 : i32
    %dma_wait3A_131 = tpu.memref_slice %arg13[%add3A_54, %dma_wait3A_130] : memref<10240x128xf32, #tpu.memory_space<vmem_shared>> -> memref<64x128xf32, #tpu.memory_space<vmem_shared>>
    %dma_wait3A_132 = arith.constant 0 : i32
    %dma_wait3A_133 = tpu.memref_slice %arg13[%add3A_54, %dma_wait3A_132] : memref<10240x128xf32, #tpu.memory_space<vmem_shared>> -> memref<64x128xf32, #tpu.memory_space<vmem_shared>>
    tpu.wait_dma2 semaphore(%arg12 : memref<!tpu.dma_semaphore, #tpu.memory_space<semaphore_mem>>) src(%arg9 : memref<64x128xf32, #tpu.memory_space<vmem>>) dst(%dma_wait3A_133 : memref<64x128xf32, #tpu.memory_space<vmem_shared>>)
    %dma_wait3A_134 = tpu.memref_slice %arg3[%mul3A_2] : memref<640000xi32, #tpu.memory_space<hbm>> -> memref<10000xi32, #tpu.memory_space<hbm>>
    %dma_wait3A_135 = tpu.memref_slice %arg3[%mul3A_2] : memref<640000xi32, #tpu.memory_space<hbm>> -> memref<10000xi32, #tpu.memory_space<hbm>>
    tpu.wait_dma2 semaphore(%arg10 : memref<!tpu.dma_semaphore, #tpu.memory_space<semaphore_mem>>) src(%dma_wait3A_135 : memref<10000xi32, #tpu.memory_space<hbm>>) dst(%arg5 : memref<10000xi32, #tpu.memory_space<vmem>>)
    %dma_wait3A_136 = tpu.memref_slice %arg3[%add3A_4] : memref<640000xi32, #tpu.memory_space<hbm>> -> memref<10000xi32, #tpu.memory_space<hbm>>
    %dma_wait3A_137 = tpu.memref_slice %arg3[%add3A_4] : memref<640000xi32, #tpu.memory_space<hbm>> -> memref<10000xi32, #tpu.memory_space<hbm>>
    tpu.wait_dma2 semaphore(%arg11 : memref<!tpu.dma_semaphore, #tpu.memory_space<semaphore_mem>>) src(%dma_wait3A_137 : memref<10000xi32, #tpu.memory_space<hbm>>) dst(%arg6 : memref<10000xi32, #tpu.memory_space<vmem>>)
    %barrier3A = arith.constant 0 : index
    tpu.barrier barrier_id(%barrier3A)
    %dma_start3A_138 = arith.constant 0 : i32
    %dma_start3A_139 = tpu.memref_slice %arg5[%dma_start3A_138] : memref<10000xi32, #tpu.memory_space<vmem>> -> memref<80xi32, #tpu.memory_space<vmem>>
    %dma_start3A_140 = arith.constant 0 : i32
    %dma_start3A_141 = arith.constant 0 : i32
    %dma_start3A_142 = tpu.memref_slice %arg2[%dma_start3A_140, %dma_start3A_141] : memref<10240x128xf32, #tpu.memory_space<hbm>> -> memref<10240x128xf32, #tpu.memory_space<hbm>>
    tpu.enqueue_indirect_dma source(%dma_start3A_142 : memref<10240x128xf32, #tpu.memory_space<hbm>>) target(%arg7 : memref<80x128xf32, #tpu.memory_space<vmem>>) offsets(%dma_start3A_139 : memref<80xi32, #tpu.memory_space<vmem>>) semaphore(%arg10 : memref<!tpu.dma_semaphore, #tpu.memory_space<semaphore_mem>>)
    %scan3A_143 = arith.constant 0 : i32
    %scan3A_144 = arith.constant 0 : i32
    %scan3A_145 = arith.constant 62 : i32
    %scan3A_146 = arith.addi %scan3A_144, %scan3A_145 : i32
    %scan3A_147 = arith.constant 1 : i32
    %scan3A_148 = scf.for %scan3A_160 = %scan3A_144 to %scan3A_146 step %scan3A_147 iter_args(%scan3A_161 = %scan3A_143) -> (i32)  : i32 {
      %mul3A_162 = arith.constant 2 : i32
      %mul3A_163 = arith.muli %scan3A_160, %mul3A_162 : i32
      %add3A_164 = arith.constant 1 : i32
      %add3A_165 = arith.addi %mul3A_163, %add3A_164 : i32
      %mul3A_166 = arith.constant 80 : i32
      %mul3A_167 = arith.muli %add3A_165, %mul3A_166 : i32
      %dma_start3A_168 = tpu.memref_slice %arg5[%mul3A_167] : memref<10000xi32, #tpu.memory_space<vmem>> -> memref<80xi32, #tpu.memory_space<vmem>>
      %dma_start3A_169 = arith.constant 0 : i32
      %dma_start3A_170 = arith.constant 0 : i32
      %dma_start3A_171 = tpu.memref_slice %arg2[%dma_start3A_169, %dma_start3A_170] : memref<10240x128xf32, #tpu.memory_space<hbm>> -> memref<10240x128xf32, #tpu.memory_space<hbm>>
      tpu.enqueue_indirect_dma source(%dma_start3A_171 : memref<10240x128xf32, #tpu.memory_space<hbm>>) target(%arg8 : memref<80x128xf32, #tpu.memory_space<vmem>>) offsets(%dma_start3A_168 : memref<80xi32, #tpu.memory_space<vmem>>) semaphore(%arg11 : memref<!tpu.dma_semaphore, #tpu.memory_space<semaphore_mem>>)
      %mul3A_172 = arith.constant 80 : i32
      %mul3A_173 = arith.muli %mul3A_163, %mul3A_172 : i32
      %dma_wait3A_174 = tpu.memref_slice %arg5[%mul3A_173] : memref<10000xi32, #tpu.memory_space<vmem>> -> memref<80xi32, #tpu.memory_space<vmem>>
      %dma_wait3A_175 = arith.constant 0 : i32
      %dma_wait3A_176 = arith.constant 0 : i32
      %dma_wait3A_177 = tpu.memref_slice %arg2[%dma_wait3A_175, %dma_wait3A_176] : memref<10240x128xf32, #tpu.memory_space<hbm>> -> memref<10240x128xf32, #tpu.memory_space<hbm>>
      tpu.wait_indirect_dma semaphore(%arg10 : memref<!tpu.dma_semaphore, #tpu.memory_space<semaphore_mem>>) src(%dma_wait3A_177 : memref<10240x128xf32, #tpu.memory_space<hbm>>) dst(%arg7 : memref<80x128xf32, #tpu.memory_space<vmem>>)
      %mul3A_178 = arith.constant 80 : i32
      %mul3A_179 = arith.muli %mul3A_163, %mul3A_178 : i32
      "tpu.region"() ({
        %run_scoped3A = tpu.sem_alloc : memref<!tpu.dma_semaphore, #tpu.memory_space<semaphore_mem>>
        %dma_start3A_201 = tpu.memref_slice %arg6[%mul3A_179] : memref<10000xi32, #tpu.memory_space<vmem>> -> memref<80xi32, #tpu.memory_space<vmem>>
        %dma_start3A_202 = arith.constant 0 : i32
        %dma_start3A_203 = arith.constant 0 : i32
        %dma_start3A_204 = tpu.memref_slice %arg13[%dma_start3A_202, %dma_start3A_203] : memref<10240x128xf32, #tpu.memory_space<vmem_shared>> -> memref<10240x128xf32, #tpu.memory_space<vmem_shared>>
        tpu.enqueue_indirect_dma source(%arg7 : memref<80x128xf32, #tpu.memory_space<vmem>>) target(%dma_start3A_204 : memref<10240x128xf32, #tpu.memory_space<vmem_shared>>) offsets(%dma_start3A_201 : memref<80xi32, #tpu.memory_space<vmem>>) semaphore(%run_scoped3A : memref<!tpu.dma_semaphore, #tpu.memory_space<semaphore_mem>>) {add = true}
        %dma_wait3A_205 = tpu.memref_slice %arg6[%mul3A_179] : memref<10000xi32, #tpu.memory_space<vmem>> -> memref<80xi32, #tpu.memory_space<vmem>>
        %dma_wait3A_206 = arith.constant 0 : i32
        %dma_wait3A_207 = arith.constant 0 : i32
        %dma_wait3A_208 = tpu.memref_slice %arg13[%dma_wait3A_206, %dma_wait3A_207] : memref<10240x128xf32, #tpu.memory_space<vmem_shared>> -> memref<10240x128xf32, #tpu.memory_space<vmem_shared>>
        tpu.wait_indirect_dma semaphore(%run_scoped3A : memref<!tpu.dma_semaphore, #tpu.memory_space<semaphore_mem>>) src(%arg7 : memref<80x128xf32, #tpu.memory_space<vmem>>) dst(%dma_wait3A_208 : memref<10240x128xf32, #tpu.memory_space<vmem_shared>>)
        tpu.yield
      }) : () -> ()
      %add3A_180 = arith.constant 2 : i32
      %add3A_181 = arith.addi %mul3A_163, %add3A_180 : i32
      %mul3A_182 = arith.constant 80 : i32
      %mul3A_183 = arith.muli %add3A_181, %mul3A_182 : i32
      %dma_start3A_184 = tpu.memref_slice %arg5[%mul3A_183] : memref<10000xi32, #tpu.memory_space<vmem>> -> memref<80xi32, #tpu.memory_space<vmem>>
      %dma_start3A_185 = arith.constant 0 : i32
      %dma_start3A_186 = arith.constant 0 : i32
      %dma_start3A_187 = tpu.memref_slice %arg2[%dma_start3A_185, %dma_start3A_186] : memref<10240x128xf32, #tpu.memory_space<hbm>> -> memref<10240x128xf32, #tpu.memory_space<hbm>>
      tpu.enqueue_indirect_dma source(%dma_start3A_187 : memref<10240x128xf32, #tpu.memory_space<hbm>>) target(%arg7 : memref<80x128xf32, #tpu.memory_space<vmem>>) offsets(%dma_start3A_184 : memref<80xi32, #tpu.memory_space<vmem>>) semaphore(%arg10 : memref<!tpu.dma_semaphore, #tpu.memory_space<semaphore_mem>>)
      %add3A_188 = arith.constant 1 : i32
      %add3A_189 = arith.addi %mul3A_163, %add3A_188 : i32
      %mul3A_190 = arith.constant 80 : i32
      %mul3A_191 = arith.muli %add3A_189, %mul3A_190 : i32
      %dma_wait3A_192 = tpu.memref_slice %arg5[%mul3A_191] : memref<10000xi32, #tpu.memory_space<vmem>> -> memref<80xi32, #tpu.memory_space<vmem>>
      %dma_wait3A_193 = arith.constant 0 : i32
      %dma_wait3A_194 = arith.constant 0 : i32
      %dma_wait3A_195 = tpu.memref_slice %arg2[%dma_wait3A_193, %dma_wait3A_194] : memref<10240x128xf32, #tpu.memory_space<hbm>> -> memref<10240x128xf32, #tpu.memory_space<hbm>>
      tpu.wait_indirect_dma semaphore(%arg11 : memref<!tpu.dma_semaphore, #tpu.memory_space<semaphore_mem>>) src(%dma_wait3A_195 : memref<10240x128xf32, #tpu.memory_space<hbm>>) dst(%arg8 : memref<80x128xf32, #tpu.memory_space<vmem>>)
      %add3A_196 = arith.constant 1 : i32
      %add3A_197 = arith.addi %mul3A_163, %add3A_196 : i32
      %mul3A_198 = arith.constant 80 : i32
      %mul3A_199 = arith.muli %add3A_197, %mul3A_198 : i32
      "tpu.region"() ({
        %run_scoped3A = tpu.sem_alloc : memref<!tpu.dma_semaphore, #tpu.memory_space<semaphore_mem>>
        %dma_start3A_201 = tpu.memref_slice %arg6[%mul3A_199] : memref<10000xi32, #tpu.memory_space<vmem>> -> memref<80xi32, #tpu.memory_space<vmem>>
        %dma_start3A_202 = arith.constant 0 : i32
        %dma_start3A_203 = arith.constant 0 : i32
        %dma_start3A_204 = tpu.memref_slice %arg13[%dma_start3A_202, %dma_start3A_203] : memref<10240x128xf32, #tpu.memory_space<vmem_shared>> -> memref<10240x128xf32, #tpu.memory_space<vmem_shared>>
        tpu.enqueue_indirect_dma source(%arg8 : memref<80x128xf32, #tpu.memory_space<vmem>>) target(%dma_start3A_204 : memref<10240x128xf32, #tpu.memory_space<vmem_shared>>) offsets(%dma_start3A_201 : memref<80xi32, #tpu.memory_space<vmem>>) semaphore(%run_scoped3A : memref<!tpu.dma_semaphore, #tpu.memory_space<semaphore_mem>>) {add = true}
        %dma_wait3A_205 = tpu.memref_slice %arg6[%mul3A_199] : memref<10000xi32, #tpu.memory_space<vmem>> -> memref<80xi32, #tpu.memory_space<vmem>>
        %dma_wait3A_206 = arith.constant 0 : i32
        %dma_wait3A_207 = arith.constant 0 : i32
        %dma_wait3A_208 = tpu.memref_slice %arg13[%dma_wait3A_206, %dma_wait3A_207] : memref<10240x128xf32, #tpu.memory_space<vmem_shared>> -> memref<10240x128xf32, #tpu.memory_space<vmem_shared>>
        tpu.wait_indirect_dma semaphore(%run_scoped3A : memref<!tpu.dma_semaphore, #tpu.memory_space<semaphore_mem>>) src(%arg8 : memref<80x128xf32, #tpu.memory_space<vmem>>) dst(%dma_wait3A_208 : memref<10240x128xf32, #tpu.memory_space<vmem_shared>>)
        tpu.yield
      }) : () -> ()
      %scan3A_200 = arith.constant 0 : i32
      scf.yield %scan3A_200 : i32
    }
    %scan3A_149 = arith.constant 62 : i32
    %dma_wait3A_150 = arith.constant 9920 : i32
    %dma_wait3A_151 = tpu.memref_slice %arg5[%dma_wait3A_150] : memref<10000xi32, #tpu.memory_space<vmem>> -> memref<80xi32, #tpu.memory_space<vmem>>
    %dma_wait3A_152 = arith.constant 0 : i32
    %dma_wait3A_153 = arith.constant 0 : i32
    %dma_wait3A_154 = tpu.memref_slice %arg2[%dma_wait3A_152, %dma_wait3A_153] : memref<10240x128xf32, #tpu.memory_space<hbm>> -> memref<10240x128xf32, #tpu.memory_space<hbm>>
    tpu.wait_indirect_dma semaphore(%arg10 : memref<!tpu.dma_semaphore, #tpu.memory_space<semaphore_mem>>) src(%dma_wait3A_154 : memref<10240x128xf32, #tpu.memory_space<hbm>>) dst(%arg7 : memref<80x128xf32, #tpu.memory_space<vmem>>)
    "tpu.region"() ({
      %run_scoped3A = tpu.sem_alloc : memref<!tpu.dma_semaphore, #tpu.memory_space<semaphore_mem>>
      %dma_start3A_160 = arith.constant 9920 : i32
      %dma_start3A_161 = tpu.memref_slice %arg6[%dma_start3A_160] : memref<10000xi32, #tpu.memory_space<vmem>> -> memref<80xi32, #tpu.memory_space<vmem>>
      %dma_start3A_162 = arith.constant 0 : i32
      %dma_start3A_163 = arith.constant 0 : i32
      %dma_start3A_164 = tpu.memref_slice %arg13[%dma_start3A_162, %dma_start3A_163] : memref<10240x128xf32, #tpu.memory_space<vmem_shared>> -> memref<10240x128xf32, #tpu.memory_space<vmem_shared>>
      tpu.enqueue_indirect_dma source(%arg7 : memref<80x128xf32, #tpu.memory_space<vmem>>) target(%dma_start3A_164 : memref<10240x128xf32, #tpu.memory_space<vmem_shared>>) offsets(%dma_start3A_161 : memref<80xi32, #tpu.memory_space<vmem>>) semaphore(%run_scoped3A : memref<!tpu.dma_semaphore, #tpu.memory_space<semaphore_mem>>) {add = true}
      %dma_wait3A_165 = arith.constant 9920 : i32
      %dma_wait3A_166 = tpu.memref_slice %arg6[%dma_wait3A_165] : memref<10000xi32, #tpu.memory_space<vmem>> -> memref<80xi32, #tpu.memory_space<vmem>>
      %dma_wait3A_167 = arith.constant 0 : i32
      %dma_wait3A_168 = arith.constant 0 : i32
      %dma_wait3A_169 = tpu.memref_slice %arg13[%dma_wait3A_167, %dma_wait3A_168] : memref<10240x128xf32, #tpu.memory_space<vmem_shared>> -> memref<10240x128xf32, #tpu.memory_space<vmem_shared>>
      tpu.wait_indirect_dma semaphore(%run_scoped3A : memref<!tpu.dma_semaphore, #tpu.memory_space<semaphore_mem>>) src(%arg7 : memref<80x128xf32, #tpu.memory_space<vmem>>) dst(%dma_wait3A_169 : memref<10240x128xf32, #tpu.memory_space<vmem_shared>>)
      tpu.yield
    }) : () -> ()
    %barrier3A_155 = arith.constant 0 : index
    tpu.barrier barrier_id(%barrier3A_155)
    %mul3A_156 = arith.constant 640 : i32
    %mul3A_157 = arith.muli %arg1, %mul3A_156 : i32
    %mul3A_158 = arith.constant 640 : i32
    %mul3A_159 = arith.muli %arg1, %mul3A_158 : i32
    "tpu.region"() ({
      %run_scoped3A = tpu.sem_alloc : memref<!tpu.dma_semaphore, #tpu.memory_space<semaphore_mem>>
      %dma_start3A_160 = arith.constant 0 : i32
      %dma_start3A_161 = tpu.memref_slice %arg4[%arg0, %mul3A_159, %dma_start3A_160] : memref<2x10240x128xf32, #tpu.memory_space<hbm>> -> memref<1x640x128xf32, #tpu.memory_space<hbm>>
      %dma_start3A_162 = tpu.memref_squeeze %dma_start3A_161 : memref<1x640x128xf32, #tpu.memory_space<hbm>> -> memref<640x128xf32, #tpu.memory_space<hbm>>
      %dma_start3A_163 = arith.constant 0 : i32
      %dma_start3A_164 = tpu.memref_slice %arg13[%mul3A_157, %dma_start3A_163] : memref<10240x128xf32, #tpu.memory_space<vmem_shared>> -> memref<640x128xf32, #tpu.memory_space<vmem_shared>>
      tpu.enqueue_dma source(%dma_start3A_164 : memref<640x128xf32, #tpu.memory_space<vmem_shared>>) target(%dma_start3A_162 : memref<640x128xf32, #tpu.memory_space<hbm>>) target_semaphore(%run_scoped3A : memref<!tpu.dma_semaphore, #tpu.memory_space<semaphore_mem>>)
      %dma_wait3A_165 = arith.constant 0 : i32
      %dma_wait3A_166 = tpu.memref_slice %arg4[%arg0, %mul3A_159, %dma_wait3A_165] : memref<2x10240x128xf32, #tpu.memory_space<hbm>> -> memref<1x640x128xf32, #tpu.memory_space<hbm>>
      %dma_wait3A_167 = tpu.memref_squeeze %dma_wait3A_166 : memref<1x640x128xf32, #tpu.memory_space<hbm>> -> memref<640x128xf32, #tpu.memory_space<hbm>>
      %dma_wait3A_168 = arith.constant 0 : i32
      %dma_wait3A_169 = tpu.memref_slice %arg13[%mul3A_157, %dma_wait3A_168] : memref<10240x128xf32, #tpu.memory_space<vmem_shared>> -> memref<640x128xf32, #tpu.memory_space<vmem_shared>>
      tpu.wait_dma2 semaphore(%run_scoped3A : memref<!tpu.dma_semaphore, #tpu.memory_space<semaphore_mem>>) src(%dma_wait3A_169 : memref<640x128xf32, #tpu.memory_space<vmem_shared>>) dst(%dma_wait3A_167 : memref<640x128xf32, #tpu.memory_space<hbm>>)
      tpu.yield
    }) : () -> ()
    return
  }
}

module attributes {stable_mosaic.version = 14 : i64} {
  func.func @_lin1_body(%arg0: i32, %arg1: memref<1024x128xf32, #tpu.memory_space<vmem>>, %arg2: memref<128x128xf32, #tpu.memory_space<vmem>>, %arg3: memref<1024x1xf32, #tpu.memory_space<vmem>>, %arg4: memref<1024x1xf32, #tpu.memory_space<vmem>>, %arg5: memref<1024x128xf32, #tpu.memory_space<vmem>>, %arg6: memref<1024x1xf32, #tpu.memory_space<vmem>>) attributes {dimension_semantics = [#tpu.dimension_semantics<arbitrary>], iteration_bounds = array<i64: 10>, scalar_prefetch = 0 : i64, scratch_operands = 0 : i64, tpu.core_type = #tpu.core_type<tc>, window_params = [{transform_indices = @transform_0, window_bounds = array<i64: 1024, 128>}, {pipeline_mode = #tpu.pipeline_mode<synchronous>, transform_indices = @transform_1, window_bounds = array<i64: 128, 128>}, {transform_indices = @transform_2, window_bounds = array<i64: 1024, 1>}, {transform_indices = @transform_3, window_bounds = array<i64: 1024, 1>}, {transform_indices = @transform_4, window_bounds = array<i64: 1024, 128>}, {transform_indices = @transform_5, window_bounds = array<i64: 1024, 1>}]} {
    %get3A = arith.constant 0 : index
    %get3A_0 = arith.constant 0 : index
    %get3A_1 = vector.load %arg3[%get3A, %get3A_0] : memref<1024x1xf32, #tpu.memory_space<vmem>>, vector<1024x1xf32>
    %get3A_2 = arith.constant 0 : index
    %get3A_3 = arith.constant 0 : index
    %get3A_4 = vector.load %arg4[%get3A_2, %get3A_3] : memref<1024x1xf32, #tpu.memory_space<vmem>>, vector<1024x1xf32>
    %add3A = arith.addf %get3A_1, %get3A_4 : vector<1024x1xf32>
    %add3A_5 = arith.constant 1.000000e+00 : f32
    %add3A_6 = vector.broadcast %add3A_5 : f32 to vector<1024x1xf32>
    %add3A_7 = arith.addf %add3A, %add3A_6 : vector<1024x1xf32>
    %rsqrt3A = math.rsqrt %add3A_7 : vector<1024x1xf32>
    %get3A_8 = arith.constant 0 : index
    %get3A_9 = arith.constant 0 : index
    %get3A_10 = vector.load %arg1[%get3A_8, %get3A_9] : memref<1024x128xf32, #tpu.memory_space<vmem>>, vector<1024x128xf32>
    %get3A_11 = arith.constant 0 : index
    %get3A_12 = arith.constant 0 : index
    %get3A_13 = vector.load %arg2[%get3A_11, %get3A_12] : memref<128x128xf32, #tpu.memory_space<vmem>>, vector<128x128xf32>
    %dot_general3A = arith.constant dense<0.000000e+00> : vector<1024x128xf32>
    %dot_general3A_14 = tpu.matmul %get3A_10, %get3A_13, %dot_general3A {dimension_numbers = #tpu.dot_dimension_numbers<[1], [0], [0], [1], [0, 0, 1, 1], [], []>, transpose_lhs_hint = false} : vector<1024x128xf32>, vector<128x128xf32>, vector<1024x128xf32> -> vector<1024x128xf32>
    %mul3A = vector.broadcast %rsqrt3A : vector<1024x1xf32> to vector<1024x128xf32>
    %mul3A_15 = arith.mulf %mul3A, %dot_general3A_14 : vector<1024x128xf32>
    %swap3A = arith.constant 0 : index
    %swap3A_16 = arith.constant 0 : index
    %swap3A_17 = vector.load %arg5[%swap3A, %swap3A_16] : memref<1024x128xf32, #tpu.memory_space<vmem>>, vector<1024x128xf32>
    tpu.vector_store %arg5[%swap3A, %swap3A_16], %mul3A_15 {strides = array<i32>} : memref<1024x128xf32, #tpu.memory_space<vmem>>, vector<1024x128xf32>,
    %swap3A_18 = arith.constant 0 : index
    %swap3A_19 = arith.constant 0 : index
    %swap3A_20 = vector.load %arg6[%swap3A_18, %swap3A_19] : memref<1024x1xf32, #tpu.memory_space<vmem>>, vector<1024x1xf32>
    tpu.vector_store %arg6[%swap3A_18, %swap3A_19], %rsqrt3A {strides = array<i32>} : memref<1024x1xf32, #tpu.memory_space<vmem>>, vector<1024x1xf32>,
    return
  }
  func.func @transform_0(%arg0: i32) -> (i32, i32) {
    %c0_i32 = arith.constant 0 : i32
    %c0_i32_0 = arith.constant 0 : i32
    return %arg0, %c0_i32 : i32, i32
  }
  func.func @transform_1(%arg0: i32) -> (i32, i32) {
    %c0_i32 = arith.constant 0 : i32
    %c0_i32_0 = arith.constant 0 : i32
    %c0_i32_1 = arith.constant 0 : i32
    return %c0_i32, %c0_i32_0 : i32, i32
  }
  func.func @transform_2(%arg0: i32) -> (i32, i32) {
    %c0_i32 = arith.constant 0 : i32
    %c0_i32_0 = arith.constant 0 : i32
    return %arg0, %c0_i32 : i32, i32
  }
  func.func @transform_3(%arg0: i32) -> (i32, i32) {
    %c0_i32 = arith.constant 0 : i32
    %c0_i32_0 = arith.constant 0 : i32
    return %arg0, %c0_i32 : i32, i32
  }
  func.func @transform_4(%arg0: i32) -> (i32, i32) {
    %c0_i32 = arith.constant 0 : i32
    %c0_i32_0 = arith.constant 0 : i32
    return %arg0, %c0_i32 : i32, i32
  }
  func.func @transform_5(%arg0: i32) -> (i32, i32) {
    %c0_i32 = arith.constant 0 : i32
    %c0_i32_0 = arith.constant 0 : i32
    return %arg0, %c0_i32 : i32, i32
  }
}

module attributes {stable_mosaic.version = 14 : i64} {
  func.func @_lin2_body(%arg0: i32, %arg1: memref<2x1024x128xf32, #tpu.memory_space<vmem>>, %arg2: memref<1024x128xf32, #tpu.memory_space<vmem>>, %arg3: memref<1024x1xf32, #tpu.memory_space<vmem>>, %arg4: memref<1x128xf32, #tpu.memory_space<vmem>>, %arg5: memref<128x64xf32, #tpu.memory_space<vmem>>, %arg6: memref<128x64xf32, #tpu.memory_space<vmem>>, %arg7: memref<1024x128xf32, #tpu.memory_space<vmem>>) attributes {dimension_semantics = [#tpu.dimension_semantics<arbitrary>], iteration_bounds = array<i64: 10>, scalar_prefetch = 0 : i64, scratch_operands = 0 : i64, tpu.core_type = #tpu.core_type<tc>, window_params = [{transform_indices = @transform_0, window_bounds = array<i64: 2, 1024, 128>}, {transform_indices = @transform_1, window_bounds = array<i64: 1024, 128>}, {transform_indices = @transform_2, window_bounds = array<i64: 1024, 1>}, {pipeline_mode = #tpu.pipeline_mode<synchronous>, transform_indices = @transform_3, window_bounds = array<i64: 1, 128>}, {pipeline_mode = #tpu.pipeline_mode<synchronous>, transform_indices = @transform_4, window_bounds = array<i64: 128, 64>}, {pipeline_mode = #tpu.pipeline_mode<synchronous>, transform_indices = @transform_5, window_bounds = array<i64: 128, 64>}, {transform_indices = @transform_6, window_bounds = array<i64: 1024, 128>}]} {
    %get3A = arith.constant 0 : index
    %get3A_0 = arith.constant 0 : index
    %get3A_1 = vector.load %arg3[%get3A, %get3A_0] : memref<1024x1xf32, #tpu.memory_space<vmem>>, vector<1024x1xf32>
    %get3A_2 = arith.constant 0 : index
    %get3A_3 = arith.constant 0 : index
    %get3A_4 = arith.constant 0 : index
    %get3A_5 = vector.load %arg1[%get3A_2, %get3A_3, %get3A_4] : memref<2x1024x128xf32, #tpu.memory_space<vmem>>, vector<1x1024x128xf32>
    %get3A_6 = vector.shape_cast %get3A_5 : vector<1x1024x128xf32> to vector<1024x128xf32>
    %get3A_7 = arith.constant 1 : index
    %get3A_8 = arith.constant 0 : index
    %get3A_9 = arith.constant 0 : index
    %get3A_10 = vector.load %arg1[%get3A_7, %get3A_8, %get3A_9] : memref<2x1024x128xf32, #tpu.memory_space<vmem>>, vector<1x1024x128xf32>
    %get3A_11 = vector.shape_cast %get3A_10 : vector<1x1024x128xf32> to vector<1024x128xf32>
    %add3A = arith.addf %get3A_6, %get3A_11 : vector<1024x128xf32>
    %get3A_12 = arith.constant 0 : index
    %get3A_13 = arith.constant 0 : index
    %get3A_14 = vector.load %arg2[%get3A_12, %get3A_13] : memref<1024x128xf32, #tpu.memory_space<vmem>>, vector<1024x128xf32>
    %add3A_15 = arith.addf %add3A, %get3A_14 : vector<1024x128xf32>
    %mul3A = vector.broadcast %get3A_1 : vector<1024x1xf32> to vector<1024x128xf32>
    %mul3A_16 = arith.mulf %mul3A, %add3A_15 : vector<1024x128xf32>
    %get3A_17 = arith.constant 0 : index
    %get3A_18 = arith.constant 0 : index
    %get3A_19 = vector.load %arg4[%get3A_17, %get3A_18] : memref<1x128xf32, #tpu.memory_space<vmem>>, vector<1x128xf32>
    %add3A_20 = vector.broadcast %get3A_19 : vector<1x128xf32> to vector<1024x128xf32>
    %add3A_21 = arith.addf %mul3A_16, %add3A_20 : vector<1024x128xf32>
    %max3A = arith.constant 0.000000e+00 : f32
    %max3A_22 = vector.broadcast %max3A : f32 to vector<1024x128xf32>
    %max3A_23 = arith.maximumf %add3A_21, %max3A_22 : vector<1024x128xf32>
    %get3A_24 = arith.constant 0 : index
    %get3A_25 = arith.constant 0 : index
    %get3A_26 = vector.load %arg5[%get3A_24, %get3A_25] : memref<128x64xf32, #tpu.memory_space<vmem>>, vector<128x64xf32>
    %dot_general3A = arith.constant dense<0.000000e+00> : vector<1024x64xf32>
    %dot_general3A_27 = tpu.matmul %max3A_23, %get3A_26, %dot_general3A {dimension_numbers = #tpu.dot_dimension_numbers<[1], [0], [0], [1], [0, 0, 1, 1], [], []>, transpose_lhs_hint = false} : vector<1024x128xf32>, vector<128x64xf32>, vector<1024x64xf32> -> vector<1024x64xf32>
    %mul3A_28 = vector.broadcast %get3A_1 : vector<1024x1xf32> to vector<1024x64xf32>
    %mul3A_29 = arith.mulf %mul3A_28, %dot_general3A_27 : vector<1024x64xf32>
    %swap3A = arith.constant 0 : index
    %swap3A_30 = arith.constant 0 : index
    %swap3A_31 = vector.load %arg7[%swap3A, %swap3A_30] : memref<1024x128xf32, #tpu.memory_space<vmem>>, vector<1024x64xf32>
    tpu.vector_store %arg7[%swap3A, %swap3A_30], %mul3A_29 {strides = array<i32>} : memref<1024x128xf32, #tpu.memory_space<vmem>>, vector<1024x64xf32>,
    %get3A_32 = arith.constant 0 : index
    %get3A_33 = arith.constant 0 : index
    %get3A_34 = vector.load %arg6[%get3A_32, %get3A_33] : memref<128x64xf32, #tpu.memory_space<vmem>>, vector<128x64xf32>
    %dot_general3A_35 = arith.constant dense<0.000000e+00> : vector<1024x64xf32>
    %dot_general3A_36 = tpu.matmul %max3A_23, %get3A_34, %dot_general3A_35 {dimension_numbers = #tpu.dot_dimension_numbers<[1], [0], [0], [1], [0, 0, 1, 1], [], []>, transpose_lhs_hint = false} : vector<1024x128xf32>, vector<128x64xf32>, vector<1024x64xf32> -> vector<1024x64xf32>
    %mul3A_37 = vector.broadcast %get3A_1 : vector<1024x1xf32> to vector<1024x64xf32>
    %mul3A_38 = arith.mulf %mul3A_37, %dot_general3A_36 : vector<1024x64xf32>
    %swap3A_39 = arith.constant 0 : index
    %swap3A_40 = arith.constant 64 : index
    %swap3A_41 = vector.load %arg7[%swap3A_39, %swap3A_40] : memref<1024x128xf32, #tpu.memory_space<vmem>>, vector<1024x64xf32>
    tpu.vector_store %arg7[%swap3A_39, %swap3A_40], %mul3A_38 {strides = array<i32>} : memref<1024x128xf32, #tpu.memory_space<vmem>>, vector<1024x64xf32>,
    return
  }
  func.func @transform_0(%arg0: i32) -> (i32, i32, i32) {
    %c0_i32 = arith.constant 0 : i32
    %c0_i32_0 = arith.constant 0 : i32
    %c0_i32_1 = arith.constant 0 : i32
    return %c0_i32, %arg0, %c0_i32_0 : i32, i32, i32
  }
  func.func @transform_1(%arg0: i32) -> (i32, i32) {
    %c0_i32 = arith.constant 0 : i32
    %c0_i32_0 = arith.constant 0 : i32
    return %arg0, %c0_i32 : i32, i32
  }
  func.func @transform_2(%arg0: i32) -> (i32, i32) {
    %c0_i32 = arith.constant 0 : i32
    %c0_i32_0 = arith.constant 0 : i32
    return %arg0, %c0_i32 : i32, i32
  }
  func.func @transform_3(%arg0: i32) -> (i32, i32) {
    %c0_i32 = arith.constant 0 : i32
    %c0_i32_0 = arith.constant 0 : i32
    %c0_i32_1 = arith.constant 0 : i32
    return %c0_i32, %c0_i32_0 : i32, i32
  }
  func.func @transform_4(%arg0: i32) -> (i32, i32) {
    %c0_i32 = arith.constant 0 : i32
    %c0_i32_0 = arith.constant 0 : i32
    %c0_i32_1 = arith.constant 0 : i32
    return %c0_i32, %c0_i32_0 : i32, i32
  }
  func.func @transform_5(%arg0: i32) -> (i32, i32) {
    %c0_i32 = arith.constant 0 : i32
    %c0_i32_0 = arith.constant 0 : i32
    %c0_i32_1 = arith.constant 0 : i32
    return %c0_i32, %c0_i32_0 : i32, i32
  }
  func.func @transform_6(%arg0: i32) -> (i32, i32) {
    %c0_i32 = arith.constant 0 : i32
    %c0_i32_0 = arith.constant 0 : i32
    return %arg0, %c0_i32 : i32, i32
  }
}

module attributes {stable_mosaic.version = 14 : i64} {
  func.func @_lin3_body(%arg0: i32, %arg1: memref<2x1024x128xf32, #tpu.memory_space<vmem>>, %arg2: memref<1024x128xf32, #tpu.memory_space<vmem>>, %arg3: memref<1024x1xf32, #tpu.memory_space<vmem>>, %arg4: memref<1x64xf32, #tpu.memory_space<vmem>>, %arg5: memref<1x64xf32, #tpu.memory_space<vmem>>, %arg6: memref<1024x64xf32, #tpu.memory_space<vmem>>, %arg7: memref<1024x64xf32, #tpu.memory_space<vmem>>) attributes {dimension_semantics = [#tpu.dimension_semantics<arbitrary>], iteration_bounds = array<i64: 10>, scalar_prefetch = 0 : i64, scratch_operands = 0 : i64, tpu.core_type = #tpu.core_type<tc>, window_params = [{transform_indices = @transform_0, window_bounds = array<i64: 2, 1024, 128>}, {transform_indices = @transform_1, window_bounds = array<i64: 1024, 128>}, {transform_indices = @transform_2, window_bounds = array<i64: 1024, 1>}, {pipeline_mode = #tpu.pipeline_mode<synchronous>, transform_indices = @transform_3, window_bounds = array<i64: 1, 64>}, {pipeline_mode = #tpu.pipeline_mode<synchronous>, transform_indices = @transform_4, window_bounds = array<i64: 1, 64>}, {transform_indices = @transform_5, window_bounds = array<i64: 1024, 64>}, {transform_indices = @transform_6, window_bounds = array<i64: 1024, 64>}]} {
    %get3A = arith.constant 0 : index
    %get3A_0 = arith.constant 0 : index
    %get3A_1 = vector.load %arg3[%get3A, %get3A_0] : memref<1024x1xf32, #tpu.memory_space<vmem>>, vector<1024x1xf32>
    %get3A_2 = arith.constant 0 : index
    %get3A_3 = arith.constant 0 : index
    %get3A_4 = arith.constant 0 : index
    %get3A_5 = vector.load %arg1[%get3A_2, %get3A_3, %get3A_4] : memref<2x1024x128xf32, #tpu.memory_space<vmem>>, vector<1x1024x128xf32>
    %get3A_6 = vector.shape_cast %get3A_5 : vector<1x1024x128xf32> to vector<1024x128xf32>
    %get3A_7 = arith.constant 1 : index
    %get3A_8 = arith.constant 0 : index
    %get3A_9 = arith.constant 0 : index
    %get3A_10 = vector.load %arg1[%get3A_7, %get3A_8, %get3A_9] : memref<2x1024x128xf32, #tpu.memory_space<vmem>>, vector<1x1024x128xf32>
    %get3A_11 = vector.shape_cast %get3A_10 : vector<1x1024x128xf32> to vector<1024x128xf32>
    %add3A = arith.addf %get3A_6, %get3A_11 : vector<1024x128xf32>
    %get3A_12 = arith.constant 0 : index
    %get3A_13 = arith.constant 0 : index
    %get3A_14 = vector.load %arg2[%get3A_12, %get3A_13] : memref<1024x128xf32, #tpu.memory_space<vmem>>, vector<1024x128xf32>
    %add3A_15 = arith.addf %add3A, %get3A_14 : vector<1024x128xf32>
    %mul3A = vector.broadcast %get3A_1 : vector<1024x1xf32> to vector<1024x128xf32>
    %mul3A_16 = arith.mulf %mul3A, %add3A_15 : vector<1024x128xf32>
    %slice3A = vector.extract_strided_slice %mul3A_16 {offsets = [0, 0], sizes = [1024, 64], strides = [1, 1]} : vector<1024x128xf32> to vector<1024x64xf32>
    %get3A_17 = arith.constant 0 : index
    %get3A_18 = arith.constant 0 : index
    %get3A_19 = vector.load %arg4[%get3A_17, %get3A_18] : memref<1x64xf32, #tpu.memory_space<vmem>>, vector<1x64xf32>
    %add3A_20 = vector.broadcast %get3A_19 : vector<1x64xf32> to vector<1024x64xf32>
    %add3A_21 = arith.addf %slice3A, %add3A_20 : vector<1024x64xf32>
    %swap3A = arith.constant 0 : index
    %swap3A_22 = arith.constant 0 : index
    %swap3A_23 = vector.load %arg6[%swap3A, %swap3A_22] : memref<1024x64xf32, #tpu.memory_space<vmem>>, vector<1024x64xf32>
    tpu.vector_store %arg6[%swap3A, %swap3A_22], %add3A_21 {strides = array<i32>} : memref<1024x64xf32, #tpu.memory_space<vmem>>, vector<1024x64xf32>,
    %slice3A_24 = vector.extract_strided_slice %mul3A_16 {offsets = [0, 64], sizes = [1024, 64], strides = [1, 1]} : vector<1024x128xf32> to vector<1024x64xf32>
    %get3A_25 = arith.constant 0 : index
    %get3A_26 = arith.constant 0 : index
    %get3A_27 = vector.load %arg5[%get3A_25, %get3A_26] : memref<1x64xf32, #tpu.memory_space<vmem>>, vector<1x64xf32>
    %add3A_28 = vector.broadcast %get3A_27 : vector<1x64xf32> to vector<1024x64xf32>
    %add3A_29 = arith.addf %slice3A_24, %add3A_28 : vector<1024x64xf32>
    %swap3A_30 = arith.constant 0 : index
    %swap3A_31 = arith.constant 0 : index
    %swap3A_32 = vector.load %arg7[%swap3A_30, %swap3A_31] : memref<1024x64xf32, #tpu.memory_space<vmem>>, vector<1024x64xf32>
    tpu.vector_store %arg7[%swap3A_30, %swap3A_31], %add3A_29 {strides = array<i32>} : memref<1024x64xf32, #tpu.memory_space<vmem>>, vector<1024x64xf32>,
    return
  }
  func.func @transform_0(%arg0: i32) -> (i32, i32, i32) {
    %c0_i32 = arith.constant 0 : i32
    %c0_i32_0 = arith.constant 0 : i32
    %c0_i32_1 = arith.constant 0 : i32
    return %c0_i32, %arg0, %c0_i32_0 : i32, i32, i32
  }
  func.func @transform_1(%arg0: i32) -> (i32, i32) {
    %c0_i32 = arith.constant 0 : i32
    %c0_i32_0 = arith.constant 0 : i32
    return %arg0, %c0_i32 : i32, i32
  }
  func.func @transform_2(%arg0: i32) -> (i32, i32) {
    %c0_i32 = arith.constant 0 : i32
    %c0_i32_0 = arith.constant 0 : i32
    return %arg0, %c0_i32 : i32, i32
  }
  func.func @transform_3(%arg0: i32) -> (i32, i32) {
    %c0_i32 = arith.constant 0 : i32
    %c0_i32_0 = arith.constant 0 : i32
    %c0_i32_1 = arith.constant 0 : i32
    return %c0_i32, %c0_i32_0 : i32, i32
  }
  func.func @transform_4(%arg0: i32) -> (i32, i32) {
    %c0_i32 = arith.constant 0 : i32
    %c0_i32_0 = arith.constant 0 : i32
    %c0_i32_1 = arith.constant 0 : i32
    return %c0_i32, %c0_i32_0 : i32, i32
  }
  func.func @transform_5(%arg0: i32) -> (i32, i32) {
    %c0_i32 = arith.constant 0 : i32
    %c0_i32_0 = arith.constant 0 : i32
    return %arg0, %c0_i32 : i32, i32
  }
  func.func @transform_6(%arg0: i32) -> (i32, i32) {
    %c0_i32 = arith.constant 0 : i32
    %c0_i32_0 = arith.constant 0 : i32
    return %arg0, %c0_i32 : i32, i32
  }
}

</mosaic_0001>

<sc_bundles>
// kernel: kernel.11.cloned.1.call-start
scs
__scs_entry_jumppad:
0x0: {  	(pc) =	sbr.rel $0x88, $3  }
0x1: {  	(tag) =	ssettag $0x0;
	lr =	simm.s32 $0x1  }
0x2: {  	[smem:$0x3F99] =	sst lr;
	_ =	strace $0xD0000000  }
0x3: {  	_ = 	snop  }
0x4: {  	_ = 	snop  }
0x5: {  	_ = 	snop  }
0x6: {  	_ = 	snop  }
0x7: {  	_ = 	snop  }
__scs_overlays_trampoline_lowered:
0x8: {  	[smem:$0x3FA8] =	sst s0  }
0x9: {  	[smem:$0x3FA9] =	sst s1  }
0xa: {  	[smem:$0x3FAA] =	sst s2  }
0xb: {  	[smem:$0x3FAB] =	sst s3  }
0xc: {  	[smem:$0x3FAC] =	sst s4  }
0xd: {  	[smem:$0x3FAD] =	sst s5  }
0xe: {  	[smem:$0x3FAE] =	sst s6  }
0xf: {  	[smem:$0x3FAF] =	sst s7  }
0x10: {  	[smem:$0x3FB0] =	sst s8  }
0x11: {  	[smem:$0x3FB1] =	sst s9;
	s0 =	simm.s32 @!p0 $0x0  }
0x12: {  	s1 =	sld [smem:$0x3F97];
	s0 =	simm.s32 @p0 $0x1  }
0x13: {  	[smem:$0x3FB2] =	sst s0;
	s0 =	simm.s32 @!p1 $0x0  }
0x14: {  	s2 =	sld [smem:$0x3F96];
	s0 =	simm.s32 @p1 $0x1  }
0x15: {  	[smem:$0x3FB3] =	sst s0;
	s0 =	simm.s32 @!p2 $0x0  }
0x16: {  	s3 =	sld [smem:$0x3FDB];
	s0 =	simm.s32 @p2 $0x1  }
0x17: {  	s4 =	simm.s32 $0x1BF5;
	[smem:$0x3FB5] =	sst s0  }
0x18: {  	s0 =	sld [smem:$0x3F98];
	_ =	swait.ge [sflag:s4], $0x0  }
0x19: {  	s7 =	sld [smem:$0x3F99]  }
0x1a: {  	s8 =	sadd.s32 $0xFFFFE003, lr  }
0x1b: {  	s9 =	sadd.s32 $0xFFFFFEF7, lr;
	s5 =	simm.s32 $0xFFFFFFFF;
	p2 =	slt.u32 s8, $0xFFFFF086  }
0x1c: {  	p1 =	slt.u32 s9, $0xF7A;
	s5 =	simm.s32 @!p2 $0x0  }
0x1d: {  	s5 =	simm.s32 @p1 $0x1;
	p0 =	seq.s32 s7, s2  }
0x1e: {  	s7 =	smul.u32 @!p0 $0xF7A, s2;
	p2 =	seq.s32 @!p0 s5, $0x0  }
0x1f: {  	s9 =	smul.u32 $0xF7A, s1;
	s8 =	simm.s32 @!p0 $0x1BF5;
	p2 =	por !p2, p0  }
0x20: {  	[sflag:s8] =	ssyncset.s32 @!p0 $0xFFFFF086;
	s6 =	sadd.s32 @!p0 s3, s7;
	s7 =	simm.s32 @!p0 $0x108  }
0x21: {  	s3 =	sadd.s32 s3, s9;
	s6 =	sadd.s32 @!p0 $0x88, s6;
	s7 =	simm.s32 @p2 $0x1082  }
0x22: {  	[simem:s7], [sflag:s8] =	dma.local @!p0 [hbm:s6], $0xF7A  }
0x23: {  	s9 =	sor.u32 $0xD0000000, s2;
	s6 =	simm.s32 $0x108;
	_ =	swait.ge @!p0 [sflag:s8], $0x0  }
0x24: {  	s3 =	sadd.s32 $0x88, s3;
	s6 =	simm.s32 @!p1 $0x1082;
	[sflag:s4] =	ssyncset.s32 $0xFFFFF086  }
0x25: {  	[simem:s6], [sflag:s4] =	dma.local [hbm:s3], $0xF7A  }
0x26: {  	[smem:$0x3F99] =	sst s1;
	(tag) =	ssettag s2;
	_ =	strace s9  }
0x27: {  	s1 =	sld [smem:$0x3FA9]  }
0x28: {  	s2 =	sld [smem:$0x3FAA]  }
0x29: {  	s4 =	sld [smem:$0x3FAC]  }
0x2a: {  	p0 =	seq.s32 s5, $0x0;
	s5 =	sld [smem:$0x3FAD]  }
0x2b: {  	s6 =	sld [smem:$0x3FAE]  }
0x2c: {  	s7 =	sld [smem:$0x3FAF]  }
0x2d: {  	s3 =	simm.s32 $0x108;
	s8 =	sld [smem:$0x3FB0]  }
0x2e: {  	s3 =	simm.s32 @!p0 $0x1082;
	s9 =	sld [smem:$0x3FB1]  }
0x2f: {  	lr =	sadd.s32 s0, s3;
	s0 =	sld [smem:$0x3FA8]  }
0x30: {  	s3 =	sld [smem:$0x3FAB]  }
0x31: {  	[smem:$0x3FB4] =	sst s10  }
0x32: {  	s10 =	sld [smem:$0x3FB2];
	_ =	sdelay $0x3  }
0x33: {  	p0 =	seq.s32 s10, $0x1;
	s10 =	sld [smem:$0x3FB4];
	_ =	sdelay $0x3  }
0x34: {  	[smem:$0x3FB4] =	sst s10  }
0x35: {  	s10 =	sld [smem:$0x3FB3];
	_ =	sdelay $0x3  }
0x36: {  	p1 =	seq.s32 s10, $0x1;
	s10 =	sld [smem:$0x3FB4];
	_ =	sdelay $0x3  }
0x37: {  	[smem:$0x3FB4] =	sst s10  }
0x38: {  	s10 =	sld [smem:$0x3FB5]  }
0x39: {  	_ = 	snop;
	(pc) =	sbr.ind lr, $3  }
0x3a: {  	_ = 	snop  }
0x3b: {  	_ = 	snop  }
0x3c: {  	p2 =	seq.s32 s10, $0x1;
	s10 =	sld [smem:$0x3FB4]  }
0x3d: {  	_ =	shalt  }
0x3e: {  	_ =	shalt  }
0x3f: {  	_ =	shalt  }
0x40: {  	_ =	shalt  }
0x41: {  	_ =	shalt  }
0x42: {  	_ =	shalt  }
0x43: {  	_ =	shalt  }
0x44: {  	_ =	shalt  }
0x45: {  	_ =	shalt  }
0x46: {  	_ =	shalt  }
0x47: {  	_ =	shalt  }
0x48: {  	_ =	shalt  }
0x49: {  	_ =	shalt  }
0x4a: {  	_ =	shalt  }
0x4b: {  	_ =	shalt  }
0x4c: {  	_ =	shalt  }
0x4d: {  	_ =	shalt  }
0x4e: {  	_ =	shalt  }
0x4f: {  	_ =	shalt  }
0x50: {  	_ =	shalt  }
0x51: {  	_ =	shalt  }
0x52: {  	_ =	shalt  }
0x53: {  	_ =	shalt  }
0x54: {  	_ =	shalt  }
0x55: {  	_ =	shalt  }
0x56: {  	_ =	shalt  }
0x57: {  	_ =	shalt  }
0x58: {  	_ =	shalt  }
0x59: {  	_ =	shalt  }
0x5a: {  	_ =	shalt  }
0x5b: {  	_ =	shalt  }
0x5c: {  	_ =	shalt  }
0x5d: {  	_ =	shalt  }
0x5e: {  	_ =	shalt  }
0x5f: {  	_ =	shalt  }
0x60: {  	_ =	shalt  }
0x61: {  	_ =	shalt  }
0x62: {  	_ =	shalt  }
0x63: {  	_ =	shalt  }
0x64: {  	_ =	shalt  }
0x65: {  	_ =	shalt  }
0x66: {  	_ =	shalt  }
0x67: {  	_ =	shalt  }
0x68: {  	_ =	shalt  }
0x69: {  	_ =	shalt  }
0x6a: {  	_ =	shalt  }
0x6b: {  	_ =	shalt  }
0x6c: {  	_ =	shalt  }
0x6d: {  	_ =	shalt  }
0x6e: {  	_ =	shalt  }
0x6f: {  	_ =	shalt  }
0x70: {  	_ =	shalt  }
0x71: {  	_ =	shalt  }
0x72: {  	_ =	shalt  }
0x73: {  	_ =	shalt  }
0x74: {  	_ =	shalt  }
0x75: {  	_ =	shalt  }
0x76: {  	_ =	shalt  }
0x77: {  	_ =	shalt  }
0x78: {  	_ =	shalt  }
0x79: {  	_ =	shalt  }
0x7a: {  	_ =	shalt  }
0x7b: {  	_ =	shalt  }
0x7c: {  	_ =	shalt  }
0x7d: {  	_ =	shalt  }
0x7e: {  	_ =	shalt  }
0x7f: {  	_ =	shalt  }
0x80: {  	_ =	shalt  }
0x81: {  	_ =	shalt  }
0x82: {  	_ =	shalt  }
0x83: {  	_ =	shalt  }
0x84: {  	_ =	shalt  }
0x85: {  	_ =	shalt  }
0x86: {  	_ =	shalt  }
0x87: {  	_ =	shalt  }
.Lfunc_end0:
.L_simem_size_0:
called_computation.1_lowered:
.L_overlay_start_0:
0x88: {  	s2 =	sld [smem:$0x3FD9]  }
0x89: {  	s3 =	sld [smem:$0x3FFE];
	_ =	sdelay $0x1  }
0x8a: {  	s1 =	srdreg.scid  }
0x8b: {  	s0 =	sand.u32 $0x1, s1  }
0x8c: {  	s14 =	sshll.u32 s0, $0xA;
	s2 =	sadd.s32 s3, s2  }
0x8d: {  	s2 =	sadd.s32 s2, s14  }
0x8e: {  	[smem:$0x3FC0] =	sst s2  }
0x8f: {  	_ = 	snop  }
0x90: {  	s2 =	sld [smem:$0x3FD0];
	_ =	sdelay $0x2  }
0x91: {  	s15 =	simm.s32 $0xA;
	s4 =	simm.s32 $0x10  }
0x92: {  	[smem:s4], [sflag:s15] =	dma.local [hbm:s2], $0x1  }
0x93: {  	_ =	swait.eq [sflag:s15], $0x1  }
0x94: {  	[sflag:s15] =	ssyncset.done $0x0  }
0x95: {  	[sflag:s15] =	ssyncadd.s32 $0xFFFFFFFF  }
0x96: {  	s16 =	sld [smem:$0x11];
	(tm) =	ssettm $0x1  }
0x97: {  	s17 =	sld [smem:$0x3FFB];
	_ =	sdelay $0x3  }
0x98: {  	_ =	strace s17  }
0x99: {  	s3 =	sld [smem:$0x3FFC];
	_ =	sdelay $0x3  }
0x9a: {  	_ =	strace s3  }
0x9b: {  	s3 =	sld [smem:$0x3FFD];
	_ =	sdelay $0x3  }
0x9c: {  	_ =	strace s3  }
0x9d: {  	_ =	strace $0x8FFFFFFF  }
0x9e: {  	s18 =	sld [smem:$0x3FDB];
	_ =	sdelay $0x1  }
0x9f: {  	s19 =	simm.s32 $_scs_section_size  }
0xa0: {  	s5 =	simm.s32 $_size__tile_overlayer_lowered;
	s6 =	simm.s32 $_tile_overlayer_lowered  }
0xa1: {  	s22 =	simm.s32 $0x1BFF;
	s21 =	sshll.u32 s6, $0x1;
	s3 =	sadd.s32 s19, s18  }
0xa2: {  	s7 =	simm.s32 $0x0;
	s20 =	sshll.u32 s5, $0x1;
	s5 =	sadd.s32 s21, s3  }
0xa3: {  	[timem:s7], [sflag:s22] =	dma.local [hbm:s5], s20  }
0xa4: {  	_ =	swait.ge [sflag:s22], s20  }
0xa5: {  	s4 =	ssub.s32 $0x0, s20;
	[sflag:s22] =	ssyncset.done $0x0  }
0xa6: {  	[sflag:s22] =	ssyncadd.s32 s4;
	_ =	sdelay $0x1  }
0xa7: {  	s23 =	simm.s32 $0x1B8B  }
0xa8: {  	_ =	swait.ge [sflag:s23], $0x1  }
0xa9: {  	[sflag:s23] =	ssyncset.done $0x0  }
0xaa: {  	s25 =	simm.s32 $0x1B8E;
	s24 =	sld [smem:$0x3FFE];
	[sflag:s23] =	ssyncadd.s32 $0xFFFFFFFF  }
0xab: {  	s26 =	simm.s32 $execute0_lowered;
	[smem:$0x3FD2] =	sst s25  }
0xac: {  	s5 =	sshll.u32 s26, $0x1;
	_ =	strace $0x80000049;
	[dreg:$0x1] =	wrdreg $0xFFFFFFFF  }
0xad: {  	s28 =	simm.s32 $_size_execute0_lowered;
	s3 =	sadd.s32 s3, s5;
	[dreg:$0x0] =	wrdreg $0x0  }
0xae: {  	s5 =	sshll.u32 s28, $0x1;
	[dreg:$0x2] =	wrdreg s3  }
0xaf: {  	[dreg:$0x3] =	wrdreg s5  }
0xb0: {  	[dreg:$0x4] =	wrdreg $0xC0  }
0xb1: {  	_ =	task [dreg:s7], $0x5FFFF  }
0xb2: {  	[dreg:$0x1] =	wrdreg $0xFFFFFFFF  }
0xb3: {  	[dreg:$0x0] =	wrdreg $0x60  }
0xb4: {  	[dreg:$0x2] =	wrdreg s24  }
0xb5: {  	[dreg:$0x3] =	wrdreg s16  }
0xb6: {  	[dreg:$0x4] =	wrdreg $0xBF000  }
0xb7: {  	[dreg:$0x5] =	wrdreg $0x9  }
0xb8: {  	_ =	task.clear_ibuf [dreg:s7], $0x6FFFF;
	_ =	strace $0x90000049  }
0xb9: {  	s29 =	simm.s32 $0x9;
	_ =	strace $0x8000004B  }
0xba: {  	_ =	swait.ge [sflag:s29], $0x1  }
0xbb: {  	[sflag:s29] =	ssyncadd.s32 $0xFFFFFFFF  }
0xbc: {  	_ =	strace $0x9000004B  }
0xbd: {  	_ =	sfence  }
0xbe: {  	s30 =	sld [smem:$0x0];
	_ =	sdelay $0x2  }
0xbf: {  	s31 =	sshll.u32 s1, $0xD;
	s1 =	sshrl.u32 s1, $0x2  }
0xc0: {  	s3 =	sand.u32 $0x4000, s31;
	s1 =	sadd.s32 s1, s30  }
0xc1: {  	s0 =	sor.u32 s3, s0;
	s1 =	sshll.u32 s1, $0x11  }
0xc2: {  	s0 =	sor.u32 s1, s0  }
0xc3: {  	s0 =	sadd.s32 $0x8F2B, s0  }
0xc4: {  	[sflag:s0] =	ssyncadd.remote.s32 $0x1  }
0xc5: {  	_ =	sfence.sel $0xFFFF  }
0xc6: {  	[dreg:$0x0] =	wrdreg $0xFFFFFFFF;
	(pc) =	sbr.abs _section_cstart, $3  }
0xc7: {  	[dreg:$0x1] =	wrdreg $0xFFFFFFFF  }
0xc8: {  	_ =	task.clear_ibuf [dreg:s7], $0x2FFFF;
	_ =	strace $0x9FFFFFFF  }
0xc9: {  	(tm) =	ssettm $0x7FFFFFFF  }
tec
execute0_lowered:
.L_overlay_start_1:
0x0: {  	(tag) =	ssettag $0x1  }
0x1: {  	s1 =	rddreg [dreg:$0x0]  }
0x2: {  	s0 =	srdreg.scid;
	s5 =	rddreg [dreg:$0x1]  }
0x3: {  	s22 =	stileid.u32;
	s2 =	rddreg [dreg:$0x2]  }
0x4: {  	s20 =	simm.s32 $0x9F00;
	s21 =	simm.s32 $0x3;
	s28 =	simm.s32 $0x4  }
0x5: {  	s30 =	simm.s32 $0x0;
	s6 =	sand.u32 $0x1, s0;
	s7 =	smul.u32 $0x14000, s22  }
0x6: {  	s3 =	sshll.u32 s22, $0x1;
	s9 =	smul.u32 $0x50000, s22;
	s22 =	simm.s32 $0x1  }
0x7: {  	s4 =	smul.u32 $0x140000, s6;
	s8 =	sor.u32 s6, s3;
	s3 =	simm.s32 $0x0  }
0x8: {  	s25 =	ssub.s32 $0x2, s6;
	s23 =	smul.u32 $0x2710, s8;
	[smem:$0x7FF] =	sst s3  }
0x9: {  	s29 =	sshrl.u32 s9, $0x2;
	s31 =	sshrl.u32 s25, $0x1;
	s4 =	sadd.s32 s7, s4  }
0xa: {  	_ =	strace $0x8000004A;
	s6 =	sadd.s32 s29, s2;
	s18 =	ssub.s32 s25, s31  }
0xb: {  	s25 =	simm.s32 $0x4F00;
	s24 =	sshrl.u32 s4, $0x3;
	s4 =	sadd.s32 $0x3200, s1  }
0xc: {  	s26 =	sshrl.u32 s23, $0x3;
	s8 =	sadd.s32 $0x2000, s6;
	s9 =	sadd.s32 $0x4000, s6  }
0xd: {  	s10 =	sadd.s32 $0x6000, s6;
	s11 =	sadd.s32 $0x8000, s6;
	s12 =	sadd.s32 $0xA000, s6  }
0xe: {  	s13 =	sadd.s32 $0xC000, s6;
	s14 =	sadd.s32 $0xE000, s6;
	s15 =	sadd.s32 $0x10000, s6  }
0xf: {  	s16 =	sadd.s32 $0x12000, s6;
	s18 =	smax.u32 s18, $0x1;
	s23 =	simm.s32 $0x2  }
0x10: {  	s1 =	sadd.s32 s24, s1;
	s5 =	sadd.s32 s5, s26;
	s24 =	simm.s32 $0x50  }
0x11: {  	v0 =	vimm.f32 $0.0e+00;
	s26 =	simm.s32 $0x7700;
	s7 =	sadd.s32 $0x9C40, s5;
	s17 =	sadd.s32 $0x2B200, s1  }
.LBB2_1:
0x12: {  	[tilespmem:s3], [sflag:$0x1] =	stream.linear.gather [hbm4b:s5+s3], $0x2710, $0x38;
	[tilespmem:$0x1FF00] =	vst v63  }
0x13: {  	s0 =	simm.s32 $0x2780;
	s31 =	simm.s32 $0x0;
	s1 =	simm.s32 $0x200  }
0x14: {  	[tilespmem:s0], [sflag:$0x2] =	stream.linear.gather [hbm4b:s7+s3], $0x2710, $0x38;
	[tilespmem:$0x1FF00] =	vst v63  }
.LBB2_2:
0x15: {  	p0 =	sne.s32 s1, $0x7E00;
	[tilespmem:s31+$0x9F70] =	vst v0  }
0x16: {  	[tilespmem:s31+$0x9F00] =	vst v0  }
0x17: {  	[tilespmem:s31+$0x9F10] =	vst v0  }
.Ltmp0:
0x18: {  	[tilespmem:s31+$0x9F20] =	vst v0;
	(pc) =	sbr.rel @p0 .LBB2_2-.Ltmp0, $4  }
0x19: {  	[tilespmem:s31+$0x9F30] =	vst v0  }
0x1a: {  	[tilespmem:s31+$0x9F40] =	vst v0  }
0x1b: {  	[tilespmem:s31+$0x9F50] =	vst v0  }
0x1c: {  	[tilespmem:s31+$0x9F60] =	vst v0;
	s31 =	sshra.s32 s1, $0x2;
	s1 =	sadd.s32 $0x200, s1  }
0x1d: {  	[tilespmem:s31+$0x9F70] =	vst v0  }
0x1e: {  	[tilespmem:s31+$0x9F00] =	vst v0  }
0x1f: {  	[tilespmem:s31+$0x9F10] =	vst v0  }
0x20: {  	[tilespmem:s31+$0x9F20] =	vst v0  }
0x21: {  	[tilespmem:s31+$0x9F30] =	vst v0  }
0x22: {  	[tilespmem:s31+$0x9F40] =	vst v0  }
0x23: {  	[tilespmem:s31+$0x9F50] =	vst v0  }
0x24: {  	[tilespmem:s31+$0x9F60] =	vst v0  }
0x25: {  	[spmem:s6] =	stream.linear.scatter [tilespmem:s20], [sflag:$0x3], $0x2000, $0x38;
	[tilespmem:$0x1FF00] =	vst v63  }
0x26: {  	_ = 	snop  }
0x27: {  	[spmem:s8] =	stream.linear.scatter [tilespmem:s20], [sflag:$0x3], $0x2000, $0x38;
	[tilespmem:$0x1FF00] =	vst v63  }
0x28: {  	_ = 	snop  }
0x29: {  	[spmem:s9] =	stream.linear.scatter [tilespmem:s20], [sflag:$0x3], $0x2000, $0x38;
	[tilespmem:$0x1FF00] =	vst v63  }
0x2a: {  	_ = 	snop  }
0x2b: {  	[spmem:s10] =	stream.linear.scatter [tilespmem:s20], [sflag:$0x3], $0x2000, $0x38;
	[tilespmem:$0x1FF00] =	vst v63  }
0x2c: {  	_ = 	snop  }
0x2d: {  	[spmem:s11] =	stream.linear.scatter [tilespmem:s20], [sflag:$0x3], $0x2000, $0x38;
	[tilespmem:$0x1FF00] =	vst v63  }
0x2e: {  	_ = 	snop  }
0x2f: {  	[spmem:s12] =	stream.linear.scatter [tilespmem:s20], [sflag:$0x3], $0x2000, $0x38;
	[tilespmem:$0x1FF00] =	vst v63  }
0x30: {  	_ = 	snop  }
0x31: {  	[spmem:s13] =	stream.linear.scatter [tilespmem:s20], [sflag:$0x3], $0x2000, $0x38;
	[tilespmem:$0x1FF00] =	vst v63  }
0x32: {  	_ = 	snop  }
0x33: {  	[spmem:s14] =	stream.linear.scatter [tilespmem:s20], [sflag:$0x3], $0x2000, $0x38;
	[tilespmem:$0x1FF00] =	vst v63  }
0x34: {  	_ = 	snop  }
0x35: {  	[spmem:s15] =	stream.linear.scatter [tilespmem:s20], [sflag:$0x3], $0x2000, $0x38;
	[tilespmem:$0x1FF00] =	vst v63  }
0x36: {  	_ = 	snop  }
0x37: {  	[spmem:s16] =	stream.linear.scatter [tilespmem:s20], [sflag:$0x3], $0x2000, $0x38;
	[tilespmem:$0x1FF00] =	vst v63  }
0x38: {  	_ =	swait.ge [sflag:s21], $0x2000  }
0x39: {  	[sflag:s21] =	ssyncset.done $0x0  }
0x3a: {  	[sflag:s21] =	ssyncadd.s32 $0xFFFFE000  }
0x3b: {  	_ =	swait.ge [sflag:s21], $0x2000  }
0x3c: {  	[sflag:s21] =	ssyncset.done $0x0  }
0x3d: {  	[sflag:s21] =	ssyncadd.s32 $0xFFFFE000  }
0x3e: {  	_ =	swait.ge [sflag:s21], $0x2000  }
0x3f: {  	[sflag:s21] =	ssyncset.done $0x0  }
0x40: {  	[sflag:s21] =	ssyncadd.s32 $0xFFFFE000  }
0x41: {  	_ =	swait.ge [sflag:s21], $0x2000  }
0x42: {  	[sflag:s21] =	ssyncset.done $0x0  }
0x43: {  	[sflag:s21] =	ssyncadd.s32 $0xFFFFE000  }
0x44: {  	_ =	swait.ge [sflag:s21], $0x2000  }
0x45: {  	[sflag:s21] =	ssyncset.done $0x0  }
0x46: {  	[sflag:s21] =	ssyncadd.s32 $0xFFFFE000  }
0x47: {  	_ =	swait.ge [sflag:s21], $0x2000  }
0x48: {  	[sflag:s21] =	ssyncset.done $0x0  }
0x49: {  	[sflag:s21] =	ssyncadd.s32 $0xFFFFE000  }
0x4a: {  	_ =	swait.ge [sflag:s21], $0x2000  }
0x4b: {  	[sflag:s21] =	ssyncset.done $0x0  }
0x4c: {  	[sflag:s21] =	ssyncadd.s32 $0xFFFFE000  }
0x4d: {  	_ =	swait.ge [sflag:s21], $0x2000  }
0x4e: {  	[sflag:s21] =	ssyncset.done $0x0  }
0x4f: {  	[sflag:s21] =	ssyncadd.s32 $0xFFFFE000  }
0x50: {  	_ =	swait.ge [sflag:s21], $0x2000  }
0x51: {  	[sflag:s21] =	ssyncset.done $0x0  }
0x52: {  	[sflag:s21] =	ssyncadd.s32 $0xFFFFE000  }
0x53: {  	_ =	swait.ge [sflag:s21], $0x2000  }
0x54: {  	[sflag:s21] =	ssyncset.done $0x0  }
0x55: {  	[sflag:s21] =	ssyncadd.s32 $0xFFFFE000  }
0x56: {  	_ =	swait.ge [sflag:s22], $0x2710  }
0x57: {  	[sflag:s22] =	ssyncset.done $0x0  }
0x58: {  	[sflag:s22] =	ssyncadd.s32 $0xFFFFD8F0  }
0x59: {  	_ =	swait.ge [sflag:s23], $0x2710  }
0x5a: {  	[sflag:s23] =	ssyncset.done $0x0  }
0x5b: {  	[sflag:s23] =	ssyncadd.s32 $0xFFFFD8F0  }
0x5c: {  	s1 =	simm.s32 $0x0;
	[bflag:$0x0] =	sbarrier.arrive $0xFFFF  }
0x5d: {  	[tilespmem:s25], [sflag:$0x1] =	stream.indirect.gather [hbm4b:s4+s24], $0x80, s1, s24, $0xb8;
	[tilespmem:$0x1FF00] =	vst v63  }
0x5e: {  	s29 =	simm.s32 $0x50  }
0x5f: {  	[tilespmem:s26], [sflag:$0x2] =	stream.indirect.gather [hbm4b:s4+s24], $0x80, s29, s24, $0xb8;
	[tilespmem:$0x1FF00] =	vst v63  }
0x60: {  	_ =	swait.ge [sflag:s22], $0x2800  }
0x61: {  	[sflag:s22] =	ssyncset.done $0x0  }
0x62: {  	s0 =	simm.s32 $0x2780;
	[sflag:s22] =	ssyncadd.s32 $0xFFFFD800  }
0x63: {  	[spmem:s2] =	stream.indirect.scatter.add.f32 [tilespmem:s25], [sflag:$0x4], $0x80, s0, s24, $0xb8;
	[tilespmem:$0x1FF00] =	vst v63  }
0x64: {  	_ =	swait.ge [sflag:s28], $0x2800  }
0x65: {  	[sflag:s28] =	ssyncset.done $0x0  }
0x66: {  	s19 =	simm.s32 $0xA0;
	[sflag:s28] =	ssyncadd.s32 $0xFFFFD800  }
0x67: {  	[tilespmem:s25], [sflag:$0x1] =	stream.indirect.gather [hbm4b:s4+s24], $0x80, s19, s24, $0xb8;
	[tilespmem:$0x1FF00] =	vst v63  }
0x68: {  	_ =	swait.ge [sflag:s23], $0x2800  }
0x69: {  	[sflag:s23] =	ssyncset.done $0x0  }
0x6a: {  	s29 =	simm.s32 $0x27D0;
	[sflag:s23] =	ssyncadd.s32 $0xFFFFD800  }
0x6b: {  	[spmem:s2] =	stream.indirect.scatter.add.f32 [tilespmem:s26], [sflag:$0x4], $0x80, s29, s24, $0xb8;
	[tilespmem:$0x1FF00] =	vst v63  }
0x6c: {  	_ =	swait.ge [sflag:s28], $0x2800  }
0x6d: {  	s31 =	simm.s32 $0xA0;
	s1 =	simm.s32 $0x500;
	[sflag:s28] =	ssyncset.done $0x0  }
.LBB2_4:
0x6e: {  	s0 =	sadd.s32 $0x50, s31  }
0x6f: {  	[sflag:s28] =	ssyncadd.s32 $0xFFFFD800;
	s19 =	smov.u32 s1;
	s29 =	sadd.s32 $0x280, s1  }
0x70: {  	[tilespmem:s26], [sflag:$0x2] =	stream.indirect.gather [hbm4b:s4+s24], $0x80, s0, s24, $0xb8;
	[tilespmem:$0x1FF00] =	vst v63  }
0x71: {  	p0 =	sne.s32 s1, $0x9880;
	_ =	swait.ge [sflag:s22], $0x2800  }
0x72: {  	[sflag:s22] =	ssyncset.done $0x0  }
0x73: {  	s0 =	sadd.s32 $0x2780, s31;
	[sflag:s22] =	ssyncadd.s32 $0xFFFFD800  }
0x74: {  	[spmem:s2] =	stream.indirect.scatter.add.f32 [tilespmem:s25], [sflag:$0x4], $0x80, s0, s24, $0xb8;
	[tilespmem:$0x1FF00] =	vst v63  }
0x75: {  	_ =	swait.ge [sflag:s28], $0x2800  }
0x76: {  	[sflag:s28] =	ssyncset.done $0x0  }
0x77: {  	s0 =	sadd.s32 $0xA0, s31;
	[sflag:s28] =	ssyncadd.s32 $0xFFFFD800  }
0x78: {  	[tilespmem:s25], [sflag:$0x1] =	stream.indirect.gather [hbm4b:s4+s24], $0x80, s0, s24, $0xb8;
	[tilespmem:$0x1FF00] =	vst v63  }
0x79: {  	_ =	swait.ge [sflag:s23], $0x2800  }
.Ltmp1:
0x7a: {  	[sflag:s23] =	ssyncset.done $0x0;
	(pc) =	sbr.rel @p0 .LBB2_4-.Ltmp1, $4  }
0x7b: {  	s0 =	sadd.s32 $0x27D0, s31;
	[sflag:s23] =	ssyncadd.s32 $0xFFFFD800  }
0x7c: {  	[spmem:s2] =	stream.indirect.scatter.add.f32 [tilespmem:s26], [sflag:$0x4], $0x80, s0, s24, $0xb8;
	[tilespmem:$0x1FF00] =	vst v63  }
0x7d: {  	_ =	swait.ge [sflag:s28], $0x2800  }
0x7e: {  	s1 =	smov.u32 s29;
	s31 =	sshra.s32 s19, $0x2;
	[sflag:s28] =	ssyncset.done $0x0  }
0x7f: {  	s0 =	sadd.s32 $0x50, s31;
	[sflag:s28] =	ssyncadd.s32 $0xFFFFD800  }
0x80: {  	[tilespmem:s26], [sflag:$0x2] =	stream.indirect.gather [hbm4b:s4+s24], $0x80, s0, s24, $0xb8;
	[tilespmem:$0x1FF00] =	vst v63  }
0x81: {  	_ =	swait.ge [sflag:s22], $0x2800  }
0x82: {  	[sflag:s22] =	ssyncset.done $0x0  }
0x83: {  	s29 =	sadd.s32 $0x2780, s31;
	[sflag:s22] =	ssyncadd.s32 $0xFFFFD800  }
0x84: {  	[spmem:s2] =	stream.indirect.scatter.add.f32 [tilespmem:s25], [sflag:$0x4], $0x80, s29, s24, $0xb8;
	[tilespmem:$0x1FF00] =	vst v63  }
0x85: {  	_ =	swait.ge [sflag:s28], $0x2800  }
0x86: {  	[sflag:s28] =	ssyncset.done $0x0  }
0x87: {  	s1 =	sadd.s32 $0xA0, s31;
	[sflag:s28] =	ssyncadd.s32 $0xFFFFD800  }
0x88: {  	[tilespmem:s25], [sflag:$0x1] =	stream.indirect.gather [hbm4b:s4+s24], $0x80, s1, s24, $0xb8;
	[tilespmem:$0x1FF00] =	vst v63  }
0x89: {  	_ =	swait.ge [sflag:s23], $0x2800  }
0x8a: {  	[sflag:s23] =	ssyncset.done $0x0  }
0x8b: {  	s19 =	sadd.s32 $0x27D0, s31;
	[sflag:s23] =	ssyncadd.s32 $0xFFFFD800  }
0x8c: {  	[spmem:s2] =	stream.indirect.scatter.add.f32 [tilespmem:s26], [sflag:$0x4], $0x80, s19, s24, $0xb8;
	[tilespmem:$0x1FF00] =	vst v63  }
0x8d: {  	_ =	swait.ge [sflag:s28], $0x2800  }
0x8e: {  	[sflag:s28] =	ssyncset.done $0x0  }
0x8f: {  	[sflag:s28] =	ssyncadd.s32 $0xFFFFD800  }
0x90: {  	_ =	swait.ge [sflag:s22], $0x2800  }
0x91: {  	[sflag:s22] =	ssyncset.done $0x0  }
0x92: {  	s29 =	simm.s32 $0x4E40;
	[sflag:s22] =	ssyncadd.s32 $0xFFFFD800  }
0x93: {  	[spmem:s2] =	stream.indirect.scatter.add.f32 [tilespmem:s25], [sflag:$0x4], $0x80, s29, s24, $0xb8;
	[tilespmem:$0x1FF00] =	vst v63  }
0x94: {  	s31 =	stileid.u32;
	_ =	swait.ge [sflag:s28], $0x2800  }
0x95: {  	s30 =	sadd.s32 $0x1, s30;
	s0 =	sshll.u32 s31, $0x6;
	[sflag:s28] =	ssyncset.done $0x0  }
0x96: {  	p0 =	sne.s32 s30, s18;
	s0 =	sor.u32 $0x1C04, s0;
	[sflag:s28] =	ssyncadd.s32 $0xFFFFD800  }
.Ltmp2:
0x97: {  	s1 =	sshrl.u32 s6, $0x3;
	[bflag:$0x0] =	sbarrier.arrive $0xFFFF;
	(pc) =	sbr.rel @p0 .LBB2_1-.Ltmp2, $4  }
0x98: {  	[hbm:s17], [sflag:s0] =	dma.local [spmem:s1], $0x2800  }
0x99: {  	_ =	swait.ge [sflag:s28], $0x2800  }
0x9a: {  	[sflag:s28] =	ssyncset.done $0x0  }
0x9b: {  	[sflag:s28] =	ssyncadd.s32 $0xFFFFD800  }
0x9c: {  	_ =	sfence.sel $0x180000  }
0x9d: {  	[bflag:$0x0] =	sbarrier.arrive $0xFFFF  }
0x9e: {  	_ =	strace $0x9000004A  }
0x9f: {  	s0 =	stileid.u32;
	[bflag:$0x2] =	sbarrier.arrive $0xFFFF  }
0xa0: {  	p0 =	sne.s32 s0, $0x0;
	s0 =	rddreg [dreg:$0x3]  }
0xa1: {  	s0 =	sadd.s32 @!p0 $0x100000, s0  }
0xa2: {  	[sflag:s0] =	ssyncadd.tile.s32 @!p0 $0x1;
	_ =	shalt  }
.Lfunc_end2:
_tile_overlayer_lowered:
.L_overlay_start_2:
0xa3: {  	(tag) =	ssettag $0x2  }
0xa4: {  	s0 =	rddreg [dreg:$0x0];
	s2 =	stileid.u32  }
0xa5: {  	s1 =	rddreg [dreg:$0x1];
	p0 =	sne.s32 s2, $0x0  }
0xa6: {  	s3 =	rddreg [dreg:$0x2];
	[bflag:$0x3] =	sbarrier.arrive $0xFFFF;
	s2 =	simm.s32 @!p0 $0x1C04  }
0xa7: {  	[timem:s3], [sflag:s2] =	dma.local @!p0 [hbm:s0], s1  }
0xa8: {  	s0 =	simm.s32 @!p0 $0x4  }
0xa9: {  	_ =	swait.ge @!p0 [sflag:s0], s1  }
0xaa: {  	s1 =	ssub.s32 @!p0 $0x0, s1;
	[sflag:s0] =	ssyncset.done @!p0 $0x0  }
0xab: {  	[sflag:s0] =	ssyncadd.s32 @!p0 s1  }
0xac: {  	[bflag:$0x3] =	sbarrier.arrive $0xFFFF  }
0xad: {  	_ =	shalt  }

// kernel: kernel.14.cloned.1.call-start
scs
__scs_entry_jumppad:
0x0: {  	(pc) =	sbr.rel $0x88, $3  }
0x1: {  	(tag) =	ssettag $0x0;
	lr =	simm.s32 $0x1  }
0x2: {  	[smem:$0x3F99] =	sst lr;
	_ =	strace $0xD0000000  }
0x3: {  	_ = 	snop  }
0x4: {  	_ = 	snop  }
0x5: {  	_ = 	snop  }
0x6: {  	_ = 	snop  }
0x7: {  	_ = 	snop  }
__scs_overlays_trampoline_lowered:
0x8: {  	[smem:$0x3FA8] =	sst s0  }
0x9: {  	[smem:$0x3FA9] =	sst s1  }
0xa: {  	[smem:$0x3FAA] =	sst s2  }
0xb: {  	[smem:$0x3FAB] =	sst s3  }
0xc: {  	[smem:$0x3FAC] =	sst s4  }
0xd: {  	[smem:$0x3FAD] =	sst s5  }
0xe: {  	[smem:$0x3FAE] =	sst s6  }
0xf: {  	[smem:$0x3FAF] =	sst s7  }
0x10: {  	[smem:$0x3FB0] =	sst s8  }
0x11: {  	[smem:$0x3FB1] =	sst s9;
	s0 =	simm.s32 @!p0 $0x0  }
0x12: {  	s1 =	sld [smem:$0x3F97];
	s0 =	simm.s32 @p0 $0x1  }
0x13: {  	[smem:$0x3FB2] =	sst s0;
	s0 =	simm.s32 @!p1 $0x0  }
0x14: {  	s2 =	sld [smem:$0x3F96];
	s0 =	simm.s32 @p1 $0x1  }
0x15: {  	[smem:$0x3FB3] =	sst s0;
	s0 =	simm.s32 @!p2 $0x0  }
0x16: {  	s3 =	sld [smem:$0x3FDB];
	s0 =	simm.s32 @p2 $0x1  }
0x17: {  	s4 =	simm.s32 $0x1BF5;
	[smem:$0x3FB5] =	sst s0  }
0x18: {  	s0 =	sld [smem:$0x3F98];
	_ =	swait.ge [sflag:s4], $0x0  }
0x19: {  	s7 =	sld [smem:$0x3F99]  }
0x1a: {  	s8 =	sadd.s32 $0xFFFFE003, lr  }
0x1b: {  	s9 =	sadd.s32 $0xFFFFFEF7, lr;
	s5 =	simm.s32 $0xFFFFFFFF;
	p2 =	slt.u32 s8, $0xFFFFF086  }
0x1c: {  	p1 =	slt.u32 s9, $0xF7A;
	s5 =	simm.s32 @!p2 $0x0  }
0x1d: {  	s5 =	simm.s32 @p1 $0x1;
	p0 =	seq.s32 s7, s2  }
0x1e: {  	s7 =	smul.u32 @!p0 $0xF7A, s2;
	p2 =	seq.s32 @!p0 s5, $0x0  }
0x1f: {  	s9 =	smul.u32 $0xF7A, s1;
	s8 =	simm.s32 @!p0 $0x1BF5;
	p2 =	por !p2, p0  }
0x20: {  	[sflag:s8] =	ssyncset.s32 @!p0 $0xFFFFF086;
	s6 =	sadd.s32 @!p0 s3, s7;
	s7 =	simm.s32 @!p0 $0x108  }
0x21: {  	s3 =	sadd.s32 s3, s9;
	s6 =	sadd.s32 @!p0 $0x88, s6;
	s7 =	simm.s32 @p2 $0x1082  }
0x22: {  	[simem:s7], [sflag:s8] =	dma.local @!p0 [hbm:s6], $0xF7A  }
0x23: {  	s9 =	sor.u32 $0xD0000000, s2;
	s6 =	simm.s32 $0x108;
	_ =	swait.ge @!p0 [sflag:s8], $0x0  }
0x24: {  	s3 =	sadd.s32 $0x88, s3;
	s6 =	simm.s32 @!p1 $0x1082;
	[sflag:s4] =	ssyncset.s32 $0xFFFFF086  }
0x25: {  	[simem:s6], [sflag:s4] =	dma.local [hbm:s3], $0xF7A  }
0x26: {  	[smem:$0x3F99] =	sst s1;
	(tag) =	ssettag s2;
	_ =	strace s9  }
0x27: {  	s1 =	sld [smem:$0x3FA9]  }
0x28: {  	s2 =	sld [smem:$0x3FAA]  }
0x29: {  	s4 =	sld [smem:$0x3FAC]  }
0x2a: {  	p0 =	seq.s32 s5, $0x0;
	s5 =	sld [smem:$0x3FAD]  }
0x2b: {  	s6 =	sld [smem:$0x3FAE]  }
0x2c: {  	s7 =	sld [smem:$0x3FAF]  }
0x2d: {  	s3 =	simm.s32 $0x108;
	s8 =	sld [smem:$0x3FB0]  }
0x2e: {  	s3 =	simm.s32 @!p0 $0x1082;
	s9 =	sld [smem:$0x3FB1]  }
0x2f: {  	lr =	sadd.s32 s0, s3;
	s0 =	sld [smem:$0x3FA8]  }
0x30: {  	s3 =	sld [smem:$0x3FAB]  }
0x31: {  	[smem:$0x3FB4] =	sst s10  }
0x32: {  	s10 =	sld [smem:$0x3FB2];
	_ =	sdelay $0x3  }
0x33: {  	p0 =	seq.s32 s10, $0x1;
	s10 =	sld [smem:$0x3FB4];
	_ =	sdelay $0x3  }
0x34: {  	[smem:$0x3FB4] =	sst s10  }
0x35: {  	s10 =	sld [smem:$0x3FB3];
	_ =	sdelay $0x3  }
0x36: {  	p1 =	seq.s32 s10, $0x1;
	s10 =	sld [smem:$0x3FB4];
	_ =	sdelay $0x3  }
0x37: {  	[smem:$0x3FB4] =	sst s10  }
0x38: {  	s10 =	sld [smem:$0x3FB5]  }
0x39: {  	_ = 	snop;
	(pc) =	sbr.ind lr, $3  }
0x3a: {  	_ = 	snop  }
0x3b: {  	_ = 	snop  }
0x3c: {  	p2 =	seq.s32 s10, $0x1;
	s10 =	sld [smem:$0x3FB4]  }
0x3d: {  	_ =	shalt  }
0x3e: {  	_ =	shalt  }
0x3f: {  	_ =	shalt  }
0x40: {  	_ =	shalt  }
0x41: {  	_ =	shalt  }
0x42: {  	_ =	shalt  }
0x43: {  	_ =	shalt  }
0x44: {  	_ =	shalt  }
0x45: {  	_ =	shalt  }
0x46: {  	_ =	shalt  }
0x47: {  	_ =	shalt  }
0x48: {  	_ =	shalt  }
0x49: {  	_ =	shalt  }
0x4a: {  	_ =	shalt  }
0x4b: {  	_ =	shalt  }
0x4c: {  	_ =	shalt  }
0x4d: {  	_ =	shalt  }
0x4e: {  	_ =	shalt  }
0x4f: {  	_ =	shalt  }
0x50: {  	_ =	shalt  }
0x51: {  	_ =	shalt  }
0x52: {  	_ =	shalt  }
0x53: {  	_ =	shalt  }
0x54: {  	_ =	shalt  }
0x55: {  	_ =	shalt  }
0x56: {  	_ =	shalt  }
0x57: {  	_ =	shalt  }
0x58: {  	_ =	shalt  }
0x59: {  	_ =	shalt  }
0x5a: {  	_ =	shalt  }
0x5b: {  	_ =	shalt  }
0x5c: {  	_ =	shalt  }
0x5d: {  	_ =	shalt  }
0x5e: {  	_ =	shalt  }
0x5f: {  	_ =	shalt  }
0x60: {  	_ =	shalt  }
0x61: {  	_ =	shalt  }
0x62: {  	_ =	shalt  }
0x63: {  	_ =	shalt  }
0x64: {  	_ =	shalt  }
0x65: {  	_ =	shalt  }
0x66: {  	_ =	shalt  }
0x67: {  	_ =	shalt  }
0x68: {  	_ =	shalt  }
0x69: {  	_ =	shalt  }
0x6a: {  	_ =	shalt  }
0x6b: {  	_ =	shalt  }
0x6c: {  	_ =	shalt  }
0x6d: {  	_ =	shalt  }
0x6e: {  	_ =	shalt  }
0x6f: {  	_ =	shalt  }
0x70: {  	_ =	shalt  }
0x71: {  	_ =	shalt  }
0x72: {  	_ =	shalt  }
0x73: {  	_ =	shalt  }
0x74: {  	_ =	shalt  }
0x75: {  	_ =	shalt  }
0x76: {  	_ =	shalt  }
0x77: {  	_ =	shalt  }
0x78: {  	_ =	shalt  }
0x79: {  	_ =	shalt  }
0x7a: {  	_ =	shalt  }
0x7b: {  	_ =	shalt  }
0x7c: {  	_ =	shalt  }
0x7d: {  	_ =	shalt  }
0x7e: {  	_ =	shalt  }
0x7f: {  	_ =	shalt  }
0x80: {  	_ =	shalt  }
0x81: {  	_ =	shalt  }
0x82: {  	_ =	shalt  }
0x83: {  	_ =	shalt  }
0x84: {  	_ =	shalt  }
0x85: {  	_ =	shalt  }
0x86: {  	_ =	shalt  }
0x87: {  	_ =	shalt  }
.Lfunc_end0:
.L_simem_size_0:
called_computation.2_lowered:
.L_overlay_start_0:
0x88: {  	s2 =	sld [smem:$0x3FD9]  }
0x89: {  	s3 =	sld [smem:$0x3FFE];
	_ =	sdelay $0x1  }
0x8a: {  	s1 =	srdreg.scid  }
0x8b: {  	s0 =	sand.u32 $0x1, s1  }
0x8c: {  	s14 =	sshll.u32 s0, $0xA;
	s2 =	sadd.s32 s3, s2  }
0x8d: {  	s2 =	sadd.s32 s2, s14  }
0x8e: {  	[smem:$0x3FC0] =	sst s2  }
0x8f: {  	_ = 	snop  }
0x90: {  	s2 =	sld [smem:$0x3FD0];
	_ =	sdelay $0x2  }
0x91: {  	s15 =	simm.s32 $0xA;
	s4 =	simm.s32 $0x10  }
0x92: {  	[smem:s4], [sflag:s15] =	dma.local [hbm:s2], $0x1  }
0x93: {  	_ =	swait.eq [sflag:s15], $0x1  }
0x94: {  	[sflag:s15] =	ssyncset.done $0x0  }
0x95: {  	[sflag:s15] =	ssyncadd.s32 $0xFFFFFFFF  }
0x96: {  	s16 =	sld [smem:$0x11];
	(tm) =	ssettm $0x1  }
0x97: {  	s17 =	sld [smem:$0x3FFB];
	_ =	sdelay $0x3  }
0x98: {  	_ =	strace s17  }
0x99: {  	s3 =	sld [smem:$0x3FFC];
	_ =	sdelay $0x3  }
0x9a: {  	_ =	strace s3  }
0x9b: {  	s3 =	sld [smem:$0x3FFD];
	_ =	sdelay $0x3  }
0x9c: {  	_ =	strace s3  }
0x9d: {  	_ =	strace $0x8FFFFFFF  }
0x9e: {  	s18 =	sld [smem:$0x3FDB];
	_ =	sdelay $0x1  }
0x9f: {  	s19 =	simm.s32 $_scs_section_size  }
0xa0: {  	s5 =	simm.s32 $_size__tile_overlayer_lowered;
	s6 =	simm.s32 $_tile_overlayer_lowered  }
0xa1: {  	s22 =	simm.s32 $0x1BFF;
	s21 =	sshll.u32 s6, $0x1;
	s3 =	sadd.s32 s19, s18  }
0xa2: {  	s7 =	simm.s32 $0x0;
	s20 =	sshll.u32 s5, $0x1;
	s5 =	sadd.s32 s21, s3  }
0xa3: {  	[timem:s7], [sflag:s22] =	dma.local [hbm:s5], s20  }
0xa4: {  	_ =	swait.ge [sflag:s22], s20  }
0xa5: {  	s4 =	ssub.s32 $0x0, s20;
	[sflag:s22] =	ssyncset.done $0x0  }
0xa6: {  	[sflag:s22] =	ssyncadd.s32 s4;
	_ =	sdelay $0x1  }
0xa7: {  	s23 =	simm.s32 $0x1B8B  }
0xa8: {  	_ =	swait.ge [sflag:s23], $0x1  }
0xa9: {  	[sflag:s23] =	ssyncset.done $0x0  }
0xaa: {  	s25 =	simm.s32 $0x1B8E;
	s24 =	sld [smem:$0x3FFE];
	[sflag:s23] =	ssyncadd.s32 $0xFFFFFFFF  }
0xab: {  	s26 =	simm.s32 $execute0_lowered;
	[smem:$0x3FD2] =	sst s25  }
0xac: {  	s5 =	sshll.u32 s26, $0x1;
	_ =	strace $0x8000004C;
	[dreg:$0x1] =	wrdreg $0xFFFFFFFF  }
0xad: {  	s28 =	simm.s32 $_size_execute0_lowered;
	s3 =	sadd.s32 s3, s5;
	[dreg:$0x0] =	wrdreg $0x0  }
0xae: {  	s5 =	sshll.u32 s28, $0x1;
	[dreg:$0x2] =	wrdreg s3  }
0xaf: {  	[dreg:$0x3] =	wrdreg s5  }
0xb0: {  	[dreg:$0x4] =	wrdreg $0xC0  }
0xb1: {  	_ =	task [dreg:s7], $0x5FFFF  }
0xb2: {  	[dreg:$0x1] =	wrdreg $0xFFFFFFFF  }
0xb3: {  	[dreg:$0x0] =	wrdreg $0x60  }
0xb4: {  	[dreg:$0x2] =	wrdreg s24  }
0xb5: {  	[dreg:$0x3] =	wrdreg s16  }
0xb6: {  	[dreg:$0x4] =	wrdreg $0xBF000  }
0xb7: {  	[dreg:$0x5] =	wrdreg $0x9  }
0xb8: {  	_ =	task.clear_ibuf [dreg:s7], $0x6FFFF;
	_ =	strace $0x9000004C  }
0xb9: {  	s29 =	simm.s32 $0x9;
	_ =	strace $0x8000004E  }
0xba: {  	_ =	swait.ge [sflag:s29], $0x1  }
0xbb: {  	[sflag:s29] =	ssyncadd.s32 $0xFFFFFFFF  }
0xbc: {  	_ =	strace $0x9000004E  }
0xbd: {  	_ =	sfence  }
0xbe: {  	s30 =	sld [smem:$0x0];
	_ =	sdelay $0x2  }
0xbf: {  	s31 =	sshll.u32 s1, $0xD;
	s1 =	sshrl.u32 s1, $0x2  }
0xc0: {  	s3 =	sand.u32 $0x4000, s31;
	s1 =	sadd.s32 s1, s30  }
0xc1: {  	s0 =	sor.u32 s3, s0;
	s1 =	sshll.u32 s1, $0x11  }
0xc2: {  	s0 =	sor.u32 s1, s0  }
0xc3: {  	s0 =	sadd.s32 $0x8F2B, s0  }
0xc4: {  	[sflag:s0] =	ssyncadd.remote.s32 $0x1  }
0xc5: {  	_ =	sfence.sel $0xFFFF  }
0xc6: {  	[dreg:$0x0] =	wrdreg $0xFFFFFFFF;
	(pc) =	sbr.abs _section_cstart, $3  }
0xc7: {  	[dreg:$0x1] =	wrdreg $0xFFFFFFFF  }
0xc8: {  	_ =	task.clear_ibuf [dreg:s7], $0x2FFFF;
	_ =	strace $0x9FFFFFFF  }
0xc9: {  	(tm) =	ssettm $0x7FFFFFFF  }
tec
execute0_lowered:
.L_overlay_start_1:
0x0: {  	(tag) =	ssettag $0x1  }
0x1: {  	s1 =	rddreg [dreg:$0x0]  }
0x2: {  	s0 =	srdreg.scid;
	s5 =	rddreg [dreg:$0x1]  }
0x3: {  	s22 =	stileid.u32;
	s2 =	rddreg [dreg:$0x2]  }
0x4: {  	s20 =	simm.s32 $0x9F00;
	s21 =	simm.s32 $0x3;
	s28 =	simm.s32 $0x4  }
0x5: {  	s30 =	simm.s32 $0x0;
	s6 =	sand.u32 $0x1, s0;
	s7 =	smul.u32 $0x14000, s22  }
0x6: {  	s3 =	sshll.u32 s22, $0x1;
	s9 =	smul.u32 $0x50000, s22;
	s22 =	simm.s32 $0x1  }
0x7: {  	s4 =	smul.u32 $0x140000, s6;
	s8 =	sor.u32 s6, s3;
	s3 =	simm.s32 $0x0  }
0x8: {  	s25 =	ssub.s32 $0x2, s6;
	s23 =	smul.u32 $0x2710, s8;
	[smem:$0x7FF] =	sst s3  }
0x9: {  	s29 =	sshrl.u32 s9, $0x2;
	s31 =	sshrl.u32 s25, $0x1;
	s4 =	sadd.s32 s7, s4  }
0xa: {  	_ =	strace $0x8000004D;
	s6 =	sadd.s32 s29, s2;
	s18 =	ssub.s32 s25, s31  }
0xb: {  	s25 =	simm.s32 $0x4F00;
	s24 =	sshrl.u32 s4, $0x3;
	s4 =	sadd.s32 $0x3200, s1  }
0xc: {  	s26 =	sshrl.u32 s23, $0x3;
	s8 =	sadd.s32 $0x2000, s6;
	s9 =	sadd.s32 $0x4000, s6  }
0xd: {  	s10 =	sadd.s32 $0x6000, s6;
	s11 =	sadd.s32 $0x8000, s6;
	s12 =	sadd.s32 $0xA000, s6  }
0xe: {  	s13 =	sadd.s32 $0xC000, s6;
	s14 =	sadd.s32 $0xE000, s6;
	s15 =	sadd.s32 $0x10000, s6  }
0xf: {  	s16 =	sadd.s32 $0x12000, s6;
	s18 =	smax.u32 s18, $0x1;
	s23 =	simm.s32 $0x2  }
0x10: {  	s1 =	sadd.s32 s24, s1;
	s5 =	sadd.s32 s5, s26;
	s24 =	simm.s32 $0x50  }
0x11: {  	v0 =	vimm.f32 $0.0e+00;
	s26 =	simm.s32 $0x7700;
	s7 =	sadd.s32 $0x9C40, s5;
	s17 =	sadd.s32 $0x2B200, s1  }
.LBB2_1:
0x12: {  	[tilespmem:s3], [sflag:$0x1] =	stream.linear.gather [hbm4b:s5+s3], $0x2710, $0x38;
	[tilespmem:$0x1FF00] =	vst v63  }
0x13: {  	s0 =	simm.s32 $0x2780;
	s31 =	simm.s32 $0x0;
	s1 =	simm.s32 $0x200  }
0x14: {  	[tilespmem:s0], [sflag:$0x2] =	stream.linear.gather [hbm4b:s7+s3], $0x2710, $0x38;
	[tilespmem:$0x1FF00] =	vst v63  }
.LBB2_2:
0x15: {  	p0 =	sne.s32 s1, $0x7E00;
	[tilespmem:s31+$0x9F70] =	vst v0  }
0x16: {  	[tilespmem:s31+$0x9F00] =	vst v0  }
0x17: {  	[tilespmem:s31+$0x9F10] =	vst v0  }
.Ltmp0:
0x18: {  	[tilespmem:s31+$0x9F20] =	vst v0;
	(pc) =	sbr.rel @p0 .LBB2_2-.Ltmp0, $4  }
0x19: {  	[tilespmem:s31+$0x9F30] =	vst v0  }
0x1a: {  	[tilespmem:s31+$0x9F40] =	vst v0  }
0x1b: {  	[tilespmem:s31+$0x9F50] =	vst v0  }
0x1c: {  	[tilespmem:s31+$0x9F60] =	vst v0;
	s31 =	sshra.s32 s1, $0x2;
	s1 =	sadd.s32 $0x200, s1  }
0x1d: {  	[tilespmem:s31+$0x9F70] =	vst v0  }
0x1e: {  	[tilespmem:s31+$0x9F00] =	vst v0  }
0x1f: {  	[tilespmem:s31+$0x9F10] =	vst v0  }
0x20: {  	[tilespmem:s31+$0x9F20] =	vst v0  }
0x21: {  	[tilespmem:s31+$0x9F30] =	vst v0  }
0x22: {  	[tilespmem:s31+$0x9F40] =	vst v0  }
0x23: {  	[tilespmem:s31+$0x9F50] =	vst v0  }
0x24: {  	[tilespmem:s31+$0x9F60] =	vst v0  }
0x25: {  	[spmem:s6] =	stream.linear.scatter [tilespmem:s20], [sflag:$0x3], $0x2000, $0x38;
	[tilespmem:$0x1FF00] =	vst v63  }
0x26: {  	_ = 	snop  }
0x27: {  	[spmem:s8] =	stream.linear.scatter [tilespmem:s20], [sflag:$0x3], $0x2000, $0x38;
	[tilespmem:$0x1FF00] =	vst v63  }
0x28: {  	_ = 	snop  }
0x29: {  	[spmem:s9] =	stream.linear.scatter [tilespmem:s20], [sflag:$0x3], $0x2000, $0x38;
	[tilespmem:$0x1FF00] =	vst v63  }
0x2a: {  	_ = 	snop  }
0x2b: {  	[spmem:s10] =	stream.linear.scatter [tilespmem:s20], [sflag:$0x3], $0x2000, $0x38;
	[tilespmem:$0x1FF00] =	vst v63  }
0x2c: {  	_ = 	snop  }
0x2d: {  	[spmem:s11] =	stream.linear.scatter [tilespmem:s20], [sflag:$0x3], $0x2000, $0x38;
	[tilespmem:$0x1FF00] =	vst v63  }
0x2e: {  	_ = 	snop  }
0x2f: {  	[spmem:s12] =	stream.linear.scatter [tilespmem:s20], [sflag:$0x3], $0x2000, $0x38;
	[tilespmem:$0x1FF00] =	vst v63  }
0x30: {  	_ = 	snop  }
0x31: {  	[spmem:s13] =	stream.linear.scatter [tilespmem:s20], [sflag:$0x3], $0x2000, $0x38;
	[tilespmem:$0x1FF00] =	vst v63  }
0x32: {  	_ = 	snop  }
0x33: {  	[spmem:s14] =	stream.linear.scatter [tilespmem:s20], [sflag:$0x3], $0x2000, $0x38;
	[tilespmem:$0x1FF00] =	vst v63  }
0x34: {  	_ = 	snop  }
0x35: {  	[spmem:s15] =	stream.linear.scatter [tilespmem:s20], [sflag:$0x3], $0x2000, $0x38;
	[tilespmem:$0x1FF00] =	vst v63  }
0x36: {  	_ = 	snop  }
0x37: {  	[spmem:s16] =	stream.linear.scatter [tilespmem:s20], [sflag:$0x3], $0x2000, $0x38;
	[tilespmem:$0x1FF00] =	vst v63  }
0x38: {  	_ =	swait.ge [sflag:s21], $0x2000  }
0x39: {  	[sflag:s21] =	ssyncset.done $0x0  }
0x3a: {  	[sflag:s21] =	ssyncadd.s32 $0xFFFFE000  }
0x3b: {  	_ =	swait.ge [sflag:s21], $0x2000  }
0x3c: {  	[sflag:s21] =	ssyncset.done $0x0  }
0x3d: {  	[sflag:s21] =	ssyncadd.s32 $0xFFFFE000  }
0x3e: {  	_ =	swait.ge [sflag:s21], $0x2000  }
0x3f: {  	[sflag:s21] =	ssyncset.done $0x0  }
0x40: {  	[sflag:s21] =	ssyncadd.s32 $0xFFFFE000  }
0x41: {  	_ =	swait.ge [sflag:s21], $0x2000  }
0x42: {  	[sflag:s21] =	ssyncset.done $0x0  }
0x43: {  	[sflag:s21] =	ssyncadd.s32 $0xFFFFE000  }
0x44: {  	_ =	swait.ge [sflag:s21], $0x2000  }
0x45: {  	[sflag:s21] =	ssyncset.done $0x0  }
0x46: {  	[sflag:s21] =	ssyncadd.s32 $0xFFFFE000  }
0x47: {  	_ =	swait.ge [sflag:s21], $0x2000  }
0x48: {  	[sflag:s21] =	ssyncset.done $0x0  }
0x49: {  	[sflag:s21] =	ssyncadd.s32 $0xFFFFE000  }
0x4a: {  	_ =	swait.ge [sflag:s21], $0x2000  }
0x4b: {  	[sflag:s21] =	ssyncset.done $0x0  }
0x4c: {  	[sflag:s21] =	ssyncadd.s32 $0xFFFFE000  }
0x4d: {  	_ =	swait.ge [sflag:s21], $0x2000  }
0x4e: {  	[sflag:s21] =	ssyncset.done $0x0  }
0x4f: {  	[sflag:s21] =	ssyncadd.s32 $0xFFFFE000  }
0x50: {  	_ =	swait.ge [sflag:s21], $0x2000  }
0x51: {  	[sflag:s21] =	ssyncset.done $0x0  }
0x52: {  	[sflag:s21] =	ssyncadd.s32 $0xFFFFE000  }
0x53: {  	_ =	swait.ge [sflag:s21], $0x2000  }
0x54: {  	[sflag:s21] =	ssyncset.done $0x0  }
0x55: {  	[sflag:s21] =	ssyncadd.s32 $0xFFFFE000  }
0x56: {  	_ =	swait.ge [sflag:s22], $0x2710  }
0x57: {  	[sflag:s22] =	ssyncset.done $0x0  }
0x58: {  	[sflag:s22] =	ssyncadd.s32 $0xFFFFD8F0  }
0x59: {  	_ =	swait.ge [sflag:s23], $0x2710  }
0x5a: {  	[sflag:s23] =	ssyncset.done $0x0  }
0x5b: {  	[sflag:s23] =	ssyncadd.s32 $0xFFFFD8F0  }
0x5c: {  	s1 =	simm.s32 $0x0;
	[bflag:$0x0] =	sbarrier.arrive $0xFFFF  }
0x5d: {  	[tilespmem:s25], [sflag:$0x1] =	stream.indirect.gather [hbm4b:s4+s24], $0x80, s1, s24, $0xb8;
	[tilespmem:$0x1FF00] =	vst v63  }
0x5e: {  	s29 =	simm.s32 $0x50  }
0x5f: {  	[tilespmem:s26], [sflag:$0x2] =	stream.indirect.gather [hbm4b:s4+s24], $0x80, s29, s24, $0xb8;
	[tilespmem:$0x1FF00] =	vst v63  }
0x60: {  	_ =	swait.ge [sflag:s22], $0x2800  }
0x61: {  	[sflag:s22] =	ssyncset.done $0x0  }
0x62: {  	s0 =	simm.s32 $0x2780;
	[sflag:s22] =	ssyncadd.s32 $0xFFFFD800  }
0x63: {  	[spmem:s2] =	stream.indirect.scatter.add.f32 [tilespmem:s25], [sflag:$0x4], $0x80, s0, s24, $0xb8;
	[tilespmem:$0x1FF00] =	vst v63  }
0x64: {  	_ =	swait.ge [sflag:s28], $0x2800  }
0x65: {  	[sflag:s28] =	ssyncset.done $0x0  }
0x66: {  	s19 =	simm.s32 $0xA0;
	[sflag:s28] =	ssyncadd.s32 $0xFFFFD800  }
0x67: {  	[tilespmem:s25], [sflag:$0x1] =	stream.indirect.gather [hbm4b:s4+s24], $0x80, s19, s24, $0xb8;
	[tilespmem:$0x1FF00] =	vst v63  }
0x68: {  	_ =	swait.ge [sflag:s23], $0x2800  }
0x69: {  	[sflag:s23] =	ssyncset.done $0x0  }
0x6a: {  	s29 =	simm.s32 $0x27D0;
	[sflag:s23] =	ssyncadd.s32 $0xFFFFD800  }
0x6b: {  	[spmem:s2] =	stream.indirect.scatter.add.f32 [tilespmem:s26], [sflag:$0x4], $0x80, s29, s24, $0xb8;
	[tilespmem:$0x1FF00] =	vst v63  }
0x6c: {  	_ =	swait.ge [sflag:s28], $0x2800  }
0x6d: {  	s31 =	simm.s32 $0xA0;
	s1 =	simm.s32 $0x500;
	[sflag:s28] =	ssyncset.done $0x0  }
.LBB2_4:
0x6e: {  	s0 =	sadd.s32 $0x50, s31  }
0x6f: {  	[sflag:s28] =	ssyncadd.s32 $0xFFFFD800;
	s19 =	smov.u32 s1;
	s29 =	sadd.s32 $0x280, s1  }
0x70: {  	[tilespmem:s26], [sflag:$0x2] =	stream.indirect.gather [hbm4b:s4+s24], $0x80, s0, s24, $0xb8;
	[tilespmem:$0x1FF00] =	vst v63  }
0x71: {  	p0 =	sne.s32 s1, $0x9880;
	_ =	swait.ge [sflag:s22], $0x2800  }
0x72: {  	[sflag:s22] =	ssyncset.done $0x0  }
0x73: {  	s0 =	sadd.s32 $0x2780, s31;
	[sflag:s22] =	ssyncadd.s32 $0xFFFFD800  }
0x74: {  	[spmem:s2] =	stream.indirect.scatter.add.f32 [tilespmem:s25], [sflag:$0x4], $0x80, s0, s24, $0xb8;
	[tilespmem:$0x1FF00] =	vst v63  }
0x75: {  	_ =	swait.ge [sflag:s28], $0x2800  }
0x76: {  	[sflag:s28] =	ssyncset.done $0x0  }
0x77: {  	s0 =	sadd.s32 $0xA0, s31;
	[sflag:s28] =	ssyncadd.s32 $0xFFFFD800  }
0x78: {  	[tilespmem:s25], [sflag:$0x1] =	stream.indirect.gather [hbm4b:s4+s24], $0x80, s0, s24, $0xb8;
	[tilespmem:$0x1FF00] =	vst v63  }
0x79: {  	_ =	swait.ge [sflag:s23], $0x2800  }
.Ltmp1:
0x7a: {  	[sflag:s23] =	ssyncset.done $0x0;
	(pc) =	sbr.rel @p0 .LBB2_4-.Ltmp1, $4  }
0x7b: {  	s0 =	sadd.s32 $0x27D0, s31;
	[sflag:s23] =	ssyncadd.s32 $0xFFFFD800  }
0x7c: {  	[spmem:s2] =	stream.indirect.scatter.add.f32 [tilespmem:s26], [sflag:$0x4], $0x80, s0, s24, $0xb8;
	[tilespmem:$0x1FF00] =	vst v63  }
0x7d: {  	_ =	swait.ge [sflag:s28], $0x2800  }
0x7e: {  	s1 =	smov.u32 s29;
	s31 =	sshra.s32 s19, $0x2;
	[sflag:s28] =	ssyncset.done $0x0  }
0x7f: {  	s0 =	sadd.s32 $0x50, s31;
	[sflag:s28] =	ssyncadd.s32 $0xFFFFD800  }
0x80: {  	[tilespmem:s26], [sflag:$0x2] =	stream.indirect.gather [hbm4b:s4+s24], $0x80, s0, s24, $0xb8;
	[tilespmem:$0x1FF00] =	vst v63  }
0x81: {  	_ =	swait.ge [sflag:s22], $0x2800  }
0x82: {  	[sflag:s22] =	ssyncset.done $0x0  }
0x83: {  	s29 =	sadd.s32 $0x2780, s31;
	[sflag:s22] =	ssyncadd.s32 $0xFFFFD800  }
0x84: {  	[spmem:s2] =	stream.indirect.scatter.add.f32 [tilespmem:s25], [sflag:$0x4], $0x80, s29, s24, $0xb8;
	[tilespmem:$0x1FF00] =	vst v63  }
0x85: {  	_ =	swait.ge [sflag:s28], $0x2800  }
0x86: {  	[sflag:s28] =	ssyncset.done $0x0  }
0x87: {  	s1 =	sadd.s32 $0xA0, s31;
	[sflag:s28] =	ssyncadd.s32 $0xFFFFD800  }
0x88: {  	[tilespmem:s25], [sflag:$0x1] =	stream.indirect.gather [hbm4b:s4+s24], $0x80, s1, s24, $0xb8;
	[tilespmem:$0x1FF00] =	vst v63  }
0x89: {  	_ =	swait.ge [sflag:s23], $0x2800  }
0x8a: {  	[sflag:s23] =	ssyncset.done $0x0  }
0x8b: {  	s19 =	sadd.s32 $0x27D0, s31;
	[sflag:s23] =	ssyncadd.s32 $0xFFFFD800  }
0x8c: {  	[spmem:s2] =	stream.indirect.scatter.add.f32 [tilespmem:s26], [sflag:$0x4], $0x80, s19, s24, $0xb8;
	[tilespmem:$0x1FF00] =	vst v63  }
0x8d: {  	_ =	swait.ge [sflag:s28], $0x2800  }
0x8e: {  	[sflag:s28] =	ssyncset.done $0x0  }
0x8f: {  	[sflag:s28] =	ssyncadd.s32 $0xFFFFD800  }
0x90: {  	_ =	swait.ge [sflag:s22], $0x2800  }
0x91: {  	[sflag:s22] =	ssyncset.done $0x0  }
0x92: {  	s29 =	simm.s32 $0x4E40;
	[sflag:s22] =	ssyncadd.s32 $0xFFFFD800  }
0x93: {  	[spmem:s2] =	stream.indirect.scatter.add.f32 [tilespmem:s25], [sflag:$0x4], $0x80, s29, s24, $0xb8;
	[tilespmem:$0x1FF00] =	vst v63  }
0x94: {  	s31 =	stileid.u32;
	_ =	swait.ge [sflag:s28], $0x2800  }
0x95: {  	s30 =	sadd.s32 $0x1, s30;
	s0 =	sshll.u32 s31, $0x6;
	[sflag:s28] =	ssyncset.done $0x0  }
0x96: {  	p0 =	sne.s32 s30, s18;
	s0 =	sor.u32 $0x1C04, s0;
	[sflag:s28] =	ssyncadd.s32 $0xFFFFD800  }
.Ltmp2:
0x97: {  	s1 =	sshrl.u32 s6, $0x3;
	[bflag:$0x0] =	sbarrier.arrive $0xFFFF;
	(pc) =	sbr.rel @p0 .LBB2_1-.Ltmp2, $4  }
0x98: {  	[hbm:s17], [sflag:s0] =	dma.local [spmem:s1], $0x2800  }
0x99: {  	_ =	swait.ge [sflag:s28], $0x2800  }
0x9a: {  	[sflag:s28] =	ssyncset.done $0x0  }
0x9b: {  	[sflag:s28] =	ssyncadd.s32 $0xFFFFD800  }
0x9c: {  	_ =	sfence.sel $0x180000  }
0x9d: {  	[bflag:$0x0] =	sbarrier.arrive $0xFFFF  }
0x9e: {  	_ =	strace $0x9000004D  }
0x9f: {  	s0 =	stileid.u32;
	[bflag:$0x2] =	sbarrier.arrive $0xFFFF  }
0xa0: {  	p0 =	sne.s32 s0, $0x0;
	s0 =	rddreg [dreg:$0x3]  }
0xa1: {  	s0 =	sadd.s32 @!p0 $0x100000, s0  }
0xa2: {  	[sflag:s0] =	ssyncadd.tile.s32 @!p0 $0x1;
	_ =	shalt  }
.Lfunc_end2:
_tile_overlayer_lowered:
.L_overlay_start_2:
0xa3: {  	(tag) =	ssettag $0x2  }
0xa4: {  	s0 =	rddreg [dreg:$0x0];
	s2 =	stileid.u32  }
0xa5: {  	s1 =	rddreg [dreg:$0x1];
	p0 =	sne.s32 s2, $0x0  }
0xa6: {  	s3 =	rddreg [dreg:$0x2];
	[bflag:$0x3] =	sbarrier.arrive $0xFFFF;
	s2 =	simm.s32 @!p0 $0x1C04  }
0xa7: {  	[timem:s3], [sflag:s2] =	dma.local @!p0 [hbm:s0], s1  }
0xa8: {  	s0 =	simm.s32 @!p0 $0x4  }
0xa9: {  	_ =	swait.ge @!p0 [sflag:s0], s1  }
0xaa: {  	s1 =	ssub.s32 @!p0 $0x0, s1;
	[sflag:s0] =	ssyncset.done @!p0 $0x0  }
0xab: {  	[sflag:s0] =	ssyncadd.s32 @!p0 s1  }
0xac: {  	[bflag:$0x3] =	sbarrier.arrive $0xFFFF  }
0xad: {  	_ =	shalt  }

// kernel: kernel.8.cloned.1.call-start
scs
__scs_entry_jumppad:
0x0: {  	(pc) =	sbr.rel $0x88, $3  }
0x1: {  	(tag) =	ssettag $0x0;
	lr =	simm.s32 $0x1  }
0x2: {  	[smem:$0x3F99] =	sst lr;
	_ =	strace $0xD0000000  }
0x3: {  	_ = 	snop  }
0x4: {  	_ = 	snop  }
0x5: {  	_ = 	snop  }
0x6: {  	_ = 	snop  }
0x7: {  	_ = 	snop  }
__scs_overlays_trampoline_lowered:
0x8: {  	[smem:$0x3FA8] =	sst s0  }
0x9: {  	[smem:$0x3FA9] =	sst s1  }
0xa: {  	[smem:$0x3FAA] =	sst s2  }
0xb: {  	[smem:$0x3FAB] =	sst s3  }
0xc: {  	[smem:$0x3FAC] =	sst s4  }
0xd: {  	[smem:$0x3FAD] =	sst s5  }
0xe: {  	[smem:$0x3FAE] =	sst s6  }
0xf: {  	[smem:$0x3FAF] =	sst s7  }
0x10: {  	[smem:$0x3FB0] =	sst s8  }
0x11: {  	[smem:$0x3FB1] =	sst s9;
	s0 =	simm.s32 @!p0 $0x0  }
0x12: {  	s1 =	sld [smem:$0x3F97];
	s0 =	simm.s32 @p0 $0x1  }
0x13: {  	[smem:$0x3FB2] =	sst s0;
	s0 =	simm.s32 @!p1 $0x0  }
0x14: {  	s2 =	sld [smem:$0x3F96];
	s0 =	simm.s32 @p1 $0x1  }
0x15: {  	[smem:$0x3FB3] =	sst s0;
	s0 =	simm.s32 @!p2 $0x0  }
0x16: {  	s3 =	sld [smem:$0x3FDB];
	s0 =	simm.s32 @p2 $0x1  }
0x17: {  	s4 =	simm.s32 $0x1BF5;
	[smem:$0x3FB5] =	sst s0  }
0x18: {  	s0 =	sld [smem:$0x3F98];
	_ =	swait.ge [sflag:s4], $0x0  }
0x19: {  	s7 =	sld [smem:$0x3F99]  }
0x1a: {  	s8 =	sadd.s32 $0xFFFFE003, lr  }
0x1b: {  	s9 =	sadd.s32 $0xFFFFFEF7, lr;
	s5 =	simm.s32 $0xFFFFFFFF;
	p2 =	slt.u32 s8, $0xFFFFF086  }
0x1c: {  	p1 =	slt.u32 s9, $0xF7A;
	s5 =	simm.s32 @!p2 $0x0  }
0x1d: {  	s5 =	simm.s32 @p1 $0x1;
	p0 =	seq.s32 s7, s2  }
0x1e: {  	s7 =	smul.u32 @!p0 $0xF7A, s2;
	p2 =	seq.s32 @!p0 s5, $0x0  }
0x1f: {  	s9 =	smul.u32 $0xF7A, s1;
	s8 =	simm.s32 @!p0 $0x1BF5;
	p2 =	por !p2, p0  }
0x20: {  	[sflag:s8] =	ssyncset.s32 @!p0 $0xFFFFF086;
	s6 =	sadd.s32 @!p0 s3, s7;
	s7 =	simm.s32 @!p0 $0x108  }
0x21: {  	s3 =	sadd.s32 s3, s9;
	s6 =	sadd.s32 @!p0 $0x88, s6;
	s7 =	simm.s32 @p2 $0x1082  }
0x22: {  	[simem:s7], [sflag:s8] =	dma.local @!p0 [hbm:s6], $0xF7A  }
0x23: {  	s9 =	sor.u32 $0xD0000000, s2;
	s6 =	simm.s32 $0x108;
	_ =	swait.ge @!p0 [sflag:s8], $0x0  }
0x24: {  	s3 =	sadd.s32 $0x88, s3;
	s6 =	simm.s32 @!p1 $0x1082;
	[sflag:s4] =	ssyncset.s32 $0xFFFFF086  }
0x25: {  	[simem:s6], [sflag:s4] =	dma.local [hbm:s3], $0xF7A  }
0x26: {  	[smem:$0x3F99] =	sst s1;
	(tag) =	ssettag s2;
	_ =	strace s9  }
0x27: {  	s1 =	sld [smem:$0x3FA9]  }
0x28: {  	s2 =	sld [smem:$0x3FAA]  }
0x29: {  	s4 =	sld [smem:$0x3FAC]  }
0x2a: {  	p0 =	seq.s32 s5, $0x0;
	s5 =	sld [smem:$0x3FAD]  }
0x2b: {  	s6 =	sld [smem:$0x3FAE]  }
0x2c: {  	s7 =	sld [smem:$0x3FAF]  }
0x2d: {  	s3 =	simm.s32 $0x108;
	s8 =	sld [smem:$0x3FB0]  }
0x2e: {  	s3 =	simm.s32 @!p0 $0x1082;
	s9 =	sld [smem:$0x3FB1]  }
0x2f: {  	lr =	sadd.s32 s0, s3;
	s0 =	sld [smem:$0x3FA8]  }
0x30: {  	s3 =	sld [smem:$0x3FAB]  }
0x31: {  	[smem:$0x3FB4] =	sst s10  }
0x32: {  	s10 =	sld [smem:$0x3FB2];
	_ =	sdelay $0x3  }
0x33: {  	p0 =	seq.s32 s10, $0x1;
	s10 =	sld [smem:$0x3FB4];
	_ =	sdelay $0x3  }
0x34: {  	[smem:$0x3FB4] =	sst s10  }
0x35: {  	s10 =	sld [smem:$0x3FB3];
	_ =	sdelay $0x3  }
0x36: {  	p1 =	seq.s32 s10, $0x1;
	s10 =	sld [smem:$0x3FB4];
	_ =	sdelay $0x3  }
0x37: {  	[smem:$0x3FB4] =	sst s10  }
0x38: {  	s10 =	sld [smem:$0x3FB5]  }
0x39: {  	_ = 	snop;
	(pc) =	sbr.ind lr, $3  }
0x3a: {  	_ = 	snop  }
0x3b: {  	_ = 	snop  }
0x3c: {  	p2 =	seq.s32 s10, $0x1;
	s10 =	sld [smem:$0x3FB4]  }
0x3d: {  	_ =	shalt  }
0x3e: {  	_ =	shalt  }
0x3f: {  	_ =	shalt  }
0x40: {  	_ =	shalt  }
0x41: {  	_ =	shalt  }
0x42: {  	_ =	shalt  }
0x43: {  	_ =	shalt  }
0x44: {  	_ =	shalt  }
0x45: {  	_ =	shalt  }
0x46: {  	_ =	shalt  }
0x47: {  	_ =	shalt  }
0x48: {  	_ =	shalt  }
0x49: {  	_ =	shalt  }
0x4a: {  	_ =	shalt  }
0x4b: {  	_ =	shalt  }
0x4c: {  	_ =	shalt  }
0x4d: {  	_ =	shalt  }
0x4e: {  	_ =	shalt  }
0x4f: {  	_ =	shalt  }
0x50: {  	_ =	shalt  }
0x51: {  	_ =	shalt  }
0x52: {  	_ =	shalt  }
0x53: {  	_ =	shalt  }
0x54: {  	_ =	shalt  }
0x55: {  	_ =	shalt  }
0x56: {  	_ =	shalt  }
0x57: {  	_ =	shalt  }
0x58: {  	_ =	shalt  }
0x59: {  	_ =	shalt  }
0x5a: {  	_ =	shalt  }
0x5b: {  	_ =	shalt  }
0x5c: {  	_ =	shalt  }
0x5d: {  	_ =	shalt  }
0x5e: {  	_ =	shalt  }
0x5f: {  	_ =	shalt  }
0x60: {  	_ =	shalt  }
0x61: {  	_ =	shalt  }
0x62: {  	_ =	shalt  }
0x63: {  	_ =	shalt  }
0x64: {  	_ =	shalt  }
0x65: {  	_ =	shalt  }
0x66: {  	_ =	shalt  }
0x67: {  	_ =	shalt  }
0x68: {  	_ =	shalt  }
0x69: {  	_ =	shalt  }
0x6a: {  	_ =	shalt  }
0x6b: {  	_ =	shalt  }
0x6c: {  	_ =	shalt  }
0x6d: {  	_ =	shalt  }
0x6e: {  	_ =	shalt  }
0x6f: {  	_ =	shalt  }
0x70: {  	_ =	shalt  }
0x71: {  	_ =	shalt  }
0x72: {  	_ =	shalt  }
0x73: {  	_ =	shalt  }
0x74: {  	_ =	shalt  }
0x75: {  	_ =	shalt  }
0x76: {  	_ =	shalt  }
0x77: {  	_ =	shalt  }
0x78: {  	_ =	shalt  }
0x79: {  	_ =	shalt  }
0x7a: {  	_ =	shalt  }
0x7b: {  	_ =	shalt  }
0x7c: {  	_ =	shalt  }
0x7d: {  	_ =	shalt  }
0x7e: {  	_ =	shalt  }
0x7f: {  	_ =	shalt  }
0x80: {  	_ =	shalt  }
0x81: {  	_ =	shalt  }
0x82: {  	_ =	shalt  }
0x83: {  	_ =	shalt  }
0x84: {  	_ =	shalt  }
0x85: {  	_ =	shalt  }
0x86: {  	_ =	shalt  }
0x87: {  	_ =	shalt  }
.Lfunc_end0:
.L_simem_size_0:
called_computation_lowered:
.L_overlay_start_0:
0x88: {  	s2 =	sld [smem:$0x3FD9]  }
0x89: {  	s3 =	sld [smem:$0x3FFE];
	_ =	sdelay $0x1  }
0x8a: {  	s1 =	srdreg.scid  }
0x8b: {  	s0 =	sand.u32 $0x1, s1  }
0x8c: {  	s14 =	sshll.u32 s0, $0xA;
	s2 =	sadd.s32 s3, s2  }
0x8d: {  	s2 =	sadd.s32 s2, s14  }
0x8e: {  	[smem:$0x3FC0] =	sst s2  }
0x8f: {  	_ = 	snop  }
0x90: {  	s2 =	sld [smem:$0x3FD0];
	_ =	sdelay $0x2  }
0x91: {  	s15 =	simm.s32 $0xA;
	s4 =	simm.s32 $0x10  }
0x92: {  	[smem:s4], [sflag:s15] =	dma.local [hbm:s2], $0x1  }
0x93: {  	_ =	swait.eq [sflag:s15], $0x1  }
0x94: {  	[sflag:s15] =	ssyncset.done $0x0  }
0x95: {  	s16 =	sld [smem:$0x10];
	[sflag:s15] =	ssyncadd.s32 $0xFFFFFFFF  }
0x96: {  	s17 =	sld [smem:$0x11];
	(tm) =	ssettm $0x1  }
0x97: {  	s18 =	sld [smem:$0x3FFB];
	_ =	sdelay $0x3  }
0x98: {  	_ =	strace s18  }
0x99: {  	s4 =	sld [smem:$0x3FFC];
	_ =	sdelay $0x3  }
0x9a: {  	_ =	strace s4  }
0x9b: {  	s4 =	sld [smem:$0x3FFD];
	_ =	sdelay $0x3  }
0x9c: {  	_ =	strace s4  }
0x9d: {  	_ =	strace $0x8FFFFFFF  }
0x9e: {  	s19 =	sld [smem:$0x3FDB];
	_ =	sdelay $0x1  }
0x9f: {  	s5 =	simm.s32 $_scs_section_size  }
0xa0: {  	s6 =	simm.s32 $_size__tile_overlayer_lowered;
	s7 =	simm.s32 $_tile_overlayer_lowered  }
0xa1: {  	s22 =	simm.s32 $0x1BFF;
	s21 =	sshll.u32 s7, $0x1;
	s4 =	sadd.s32 s5, s19  }
0xa2: {  	s8 =	simm.s32 $0x0;
	s20 =	sshll.u32 s6, $0x1;
	s6 =	sadd.s32 s21, s4  }
0xa3: {  	[timem:s8], [sflag:s22] =	dma.local [hbm:s6], s20  }
0xa4: {  	_ =	swait.ge [sflag:s22], s20  }
0xa5: {  	s5 =	ssub.s32 $0x0, s20;
	[sflag:s22] =	ssyncset.done $0x0  }
0xa6: {  	[sflag:s22] =	ssyncadd.s32 s5;
	_ =	sdelay $0x1  }
0xa7: {  	s23 =	simm.s32 $0x1B8B  }
0xa8: {  	_ =	swait.ge [sflag:s23], $0x1  }
0xa9: {  	[sflag:s23] =	ssyncset.done $0x0  }
0xaa: {  	s25 =	simm.s32 $0x1B8E;
	s24 =	sld [smem:$0x3FFE];
	[sflag:s23] =	ssyncadd.s32 $0xFFFFFFFF  }
0xab: {  	s26 =	simm.s32 $execute0_lowered;
	[smem:$0x3FD2] =	sst s25  }
0xac: {  	s6 =	sshll.u32 s26, $0x1;
	_ =	strace $0x80000046;
	[dreg:$0x1] =	wrdreg $0xFFFFFFFF  }
0xad: {  	s28 =	simm.s32 $_size_execute0_lowered;
	s4 =	sadd.s32 s4, s6;
	[dreg:$0x0] =	wrdreg $0x0  }
0xae: {  	s6 =	sshll.u32 s28, $0x1;
	[dreg:$0x2] =	wrdreg s4  }
0xaf: {  	[dreg:$0x3] =	wrdreg s6  }
0xb0: {  	[dreg:$0x4] =	wrdreg $0xC0  }
0xb1: {  	_ =	task [dreg:s8], $0x5FFFF  }
0xb2: {  	[dreg:$0x1] =	wrdreg $0xFFFFFFFF  }
0xb3: {  	[dreg:$0x0] =	wrdreg $0x60  }
0xb4: {  	[dreg:$0x2] =	wrdreg s17  }
0xb5: {  	[dreg:$0x3] =	wrdreg s16  }
0xb6: {  	[dreg:$0x4] =	wrdreg s24  }
0xb7: {  	[dreg:$0x5] =	wrdreg $0x7A000  }
0xb8: {  	[dreg:$0x6] =	wrdreg $0x9  }
0xb9: {  	_ =	task.clear_ibuf [dreg:s8], $0x7FFFF;
	_ =	strace $0x90000046  }
0xba: {  	s29 =	simm.s32 $0x9;
	_ =	strace $0x80000048  }
0xbb: {  	_ =	swait.ge [sflag:s29], $0x1  }
0xbc: {  	[sflag:s29] =	ssyncadd.s32 $0xFFFFFFFF  }
0xbd: {  	_ =	strace $0x90000048  }
0xbe: {  	_ =	sfence  }
0xbf: {  	s30 =	sld [smem:$0x0];
	_ =	sdelay $0x2  }
0xc0: {  	s31 =	sshll.u32 s1, $0xD;
	s1 =	sshrl.u32 s1, $0x2  }
0xc1: {  	s3 =	sand.u32 $0x4000, s31;
	s1 =	sadd.s32 s1, s30  }
0xc2: {  	s0 =	sor.u32 s3, s0;
	s1 =	sshll.u32 s1, $0x11  }
0xc3: {  	s0 =	sor.u32 s1, s0  }
0xc4: {  	s0 =	sadd.s32 $0x8F2B, s0  }
0xc5: {  	[sflag:s0] =	ssyncadd.remote.s32 $0x1  }
0xc6: {  	_ =	sfence.sel $0xFFFF  }
0xc7: {  	[dreg:$0x0] =	wrdreg $0xFFFFFFFF;
	(pc) =	sbr.abs _section_cstart, $3  }
0xc8: {  	[dreg:$0x1] =	wrdreg $0xFFFFFFFF  }
0xc9: {  	_ =	task.clear_ibuf [dreg:s8], $0x2FFFF;
	_ =	strace $0x9FFFFFFF  }
0xca: {  	(tm) =	ssettm $0x7FFFFFFF  }
0xcb: {  	_ =	shalt  }
tec
execute0_lowered:
.L_overlay_start_1:
0x0: {  	(tag) =	ssettag $0x1  }
0x1: {  	s0 =	rddreg [dreg:$0x0]  }
0x2: {  	s1 =	rddreg [dreg:$0x1]  }
0x3: {  	s2 =	rddreg [dreg:$0x2];
	s3 =	srdreg.scid  }
0x4: {  	s9 =	stileid.u32;
	s6 =	simm.s32 $0x0;
	s3 =	sand.u32 $0x1, s3  }
0x5: {  	s5 =	sshll.u32 s9, $0x1;
	s13 =	sshrl.u32 s9, $0x3;
	s14 =	smul.u32 $0x5000, s9  }
0x6: {  	[smem:$0x7FF] =	sst s6;
	s5 =	sor.u32 s3, s5;
	s6 =	smul.u32 $0x50000, s13  }
0x7: {  	s4 =	rddreg [dreg:$0x3];
	s7 =	ssub.s32 $0x2, s3;
	s5 =	smul.u32 $0x2710, s5  }
0x8: {  	_ =	strace $0x80000047;
	s8 =	sshrl.u32 s7, $0x1;
	s6 =	sshrl.u32 s6, $0x2  }
0x9: {  	s7 =	ssub.s32 s7, s8;
	s5 =	sshrl.u32 s5, $0x3;
	s6 =	sadd.s32 s6, s4  }
0xa: {  	s11 =	smax.u32 s7, $0x1;
	s0 =	sadd.s32 s0, s5;
	s5 =	sshrl.u32 s14, $0x2  }
0xb: {  	[dreg:$0x16] =	wrdreg s11;
	s0 =	sadd.s32 $0x9C40, s0;
	s4 =	sadd.s32 s5, s4  }
0xc: {  	[dreg:$0x5] =	wrdreg s0;
	s16 =	sadd.s32 $0x80, s4  }
0xd: {  	s17 =	sadd.s32 $0x100, s4;
	[dreg:$0x7] =	wrdreg s16  }
0xe: {  	s18 =	sadd.s32 $0x180, s4;
	[dreg:$0x8] =	wrdreg s17  }
0xf: {  	s19 =	sadd.s32 $0x200, s4;
	[dreg:$0x9] =	wrdreg s18  }
0x10: {  	s20 =	sadd.s32 $0x280, s4;
	[dreg:$0xa] =	wrdreg s19  }
0x11: {  	s21 =	sadd.s32 $0x300, s4;
	[dreg:$0xb] =	wrdreg s20  }
0x12: {  	s22 =	sadd.s32 $0x380, s4;
	[dreg:$0xc] =	wrdreg s21  }
0x13: {  	s23 =	sadd.s32 $0x14000, s4;
	[dreg:$0xd] =	wrdreg s22  }
0x14: {  	s24 =	sadd.s32 $0x14080, s4;
	[dreg:$0xe] =	wrdreg s23  }
0x15: {  	s25 =	sadd.s32 $0x14100, s4;
	[dreg:$0xf] =	wrdreg s24  }
0x16: {  	s26 =	sadd.s32 $0x14180, s4;
	[dreg:$0x10] =	wrdreg s25  }
0x17: {  	s31 =	sadd.s32 $0x14200, s4;
	[dreg:$0x11] =	wrdreg s26  }
0x18: {  	s5 =	sadd.s32 $0x14280, s4;
	[dreg:$0x12] =	wrdreg s31  }
0x19: {  	s8 =	sadd.s32 $0x14380, s4;
	[dreg:$0x13] =	wrdreg s5  }
0x1a: {  	s2 =	sadd.s32 $0x3200, s2;
	s12 =	sadd.s32 $0x400, s4;
	[dreg:$0x15] =	wrdreg s8  }
0x1b: {  	s15 =	sshll.u32 s9, $0x7;
	s13 =	sadd.s32 $0x800, s4;
	[dreg:$0x17] =	wrdreg s12  }
0x1c: {  	p0 =	seq.s32 s3, $0x1;
	s14 =	sadd.s32 $0xC00, s4;
	[dreg:$0x18] =	wrdreg s13  }
0x1d: {  	s0 =	sand.u32 $0x380, s15;
	s15 =	sadd.s32 $0x1000, s4;
	[dreg:$0x1a] =	wrdreg s14  }
0x1e: {  	s1 =	smov.u32 @p0 s2;
	s2 =	sadd.s32 $0xA00, s4;
	[dreg:$0x1b] =	wrdreg s15  }
0x1f: {  	s3 =	sadd.s32 $0xE00, s4;
	[smem:$0x7E5] =	sst s2  }
0x20: {  	s7 =	sadd.s32 $0xA80, s4;
	[smem:$0x7E6] =	sst s3  }
0x21: {  	s10 =	smul.u32 $0x50, s9;
	s9 =	sadd.s32 $0x1280, s4;
	[smem:$0x7E9] =	sst s7  }
0x22: {  	s11 =	sadd.s32 $0xB00, s4;
	[smem:$0x7EB] =	sst s9  }
0x23: {  	s0 =	sadd.s32 s0, s6;
	[smem:$0x7ED] =	sst s11  }
0x24: {  	s6 =	sadd.s32 $0x14300, s4;
	[dreg:$0x6] =	wrdreg s0  }
0x25: {  	s16 =	sadd.s32 $0x480, s4;
	[dreg:$0x14] =	wrdreg s6  }
0x26: {  	s17 =	sadd.s32 $0x880, s4;
	[dreg:$0x1c] =	wrdreg s16  }
0x27: {  	s18 =	sadd.s32 $0xC80, s4;
	[dreg:$0x1d] =	wrdreg s17  }
0x28: {  	s19 =	sadd.s32 $0x1080, s4;
	[dreg:$0x1e] =	wrdreg s18  }
0x29: {  	s20 =	sadd.s32 $0x500, s4;
	[dreg:$0x1f] =	wrdreg s19  }
0x2a: {  	s21 =	sadd.s32 $0x900, s4;
	[smem:$0x7DC] =	sst s20  }
0x2b: {  	s22 =	sadd.s32 $0xD00, s4;
	[smem:$0x7DD] =	sst s21  }
0x2c: {  	s23 =	sadd.s32 $0x1100, s4;
	[smem:$0x7DE] =	sst s22  }
0x2d: {  	s24 =	sadd.s32 $0x580, s4;
	[smem:$0x7DF] =	sst s23  }
0x2e: {  	s25 =	sadd.s32 $0x980, s4;
	[smem:$0x7E0] =	sst s24  }
0x2f: {  	s26 =	sadd.s32 $0xD80, s4;
	[smem:$0x7E1] =	sst s25  }
0x30: {  	s31 =	sadd.s32 $0x1180, s4;
	[smem:$0x7E2] =	sst s26  }
0x31: {  	s5 =	sadd.s32 $0x1200, s4;
	[smem:$0x7E3] =	sst s31  }
0x32: {  	s8 =	sadd.s32 $0xE80, s4;
	[smem:$0x7E7] =	sst s5  }
0x33: {  	s12 =	sadd.s32 $0xF00, s4;
	[smem:$0x7EA] =	sst s8  }
0x34: {  	s13 =	sadd.s32 $0x1300, s4;
	[smem:$0x7EE] =	sst s12  }
0x35: {  	s14 =	sadd.s32 $0x780, s4;
	[smem:$0x7EF] =	sst s13  }
0x36: {  	s15 =	sadd.s32 $0xB80, s4;
	[smem:$0x7F0] =	sst s14  }
0x37: {  	s0 =	sadd.s32 s1, s10;
	[smem:$0x7F1] =	sst s15  }
0x38: {  	s1 =	sadd.s32 $0x600, s4;
	[dreg:$0x19] =	wrdreg s0  }
0x39: {  	s6 =	sadd.s32 $0x680, s4;
	[smem:$0x7E4] =	sst s1  }
0x3a: {  	s10 =	sadd.s32 $0x700, s4;
	[smem:$0x7E8] =	sst s6  }
0x3b: {  	s16 =	sadd.s32 $0xF80, s4;
	[smem:$0x7EC] =	sst s10  }
0x3c: {  	s28 =	simm.s32 $0x1;
	s17 =	sadd.s32 $0x1380, s4;
	[smem:$0x7F2] =	sst s16  }
0x3d: {  	s29 =	simm.s32 $0x2780;
	s18 =	sadd.s32 $0x14400, s4;
	[smem:$0x7F3] =	sst s17  }
0x3e: {  	s30 =	simm.s32 $0x0;
	s19 =	sadd.s32 $0x14800, s4;
	[smem:$0x7F4] =	sst s18  }
0x3f: {  	s7 =	sadd.s32 $0x14580, s4;
	s20 =	sadd.s32 $0x14C00, s4;
	[smem:$0x7F5] =	sst s19  }
0x40: {  	s9 =	sadd.s32 $0x14D80, s4;
	s21 =	sadd.s32 $0x15000, s4;
	[smem:$0x7F6] =	sst s20  }
0x41: {  	s11 =	sadd.s32 $0x14600, s4;
	s22 =	sadd.s32 $0x14480, s4;
	[smem:$0x7F7] =	sst s21  }
0x42: {  	s23 =	sadd.s32 $0x14880, s4;
	s24 =	sadd.s32 $0x14C80, s4;
	[smem:$0x7F8] =	sst s22  }
0x43: {  	s25 =	sadd.s32 $0x15080, s4;
	s26 =	sadd.s32 $0x14500, s4;
	[smem:$0x7F9] =	sst s23  }
0x44: {  	s31 =	sadd.s32 $0x14900, s4;
	s5 =	sadd.s32 $0x14D00, s4;
	[smem:$0x7FA] =	sst s24  }
0x45: {  	s8 =	sadd.s32 $0x14980, s4;
	s12 =	sadd.s32 $0x14A00, s4;
	[smem:$0x7FB] =	sst s25  }
0x46: {  	s13 =	sadd.s32 $0x14E00, s4;
	s14 =	sadd.s32 $0x15200, s4;
	[smem:$0x7FC] =	sst s26  }
0x47: {  	s15 =	sadd.s32 $0x14680, s4;
	[smem:$0x7FD] =	sst s31;
	s6 =	sadd.s32 $0x15100, s4  }
0x48: {  	s10 =	sadd.s32 $0x15180, s4;
	s16 =	sadd.s32 $0x14A80, s4;
	s17 =	sadd.s32 $0x14E80, s4  }
0x49: {  	s18 =	sadd.s32 $0x15280, s4;
	s19 =	sadd.s32 $0x14700, s4;
	s20 =	sadd.s32 $0x14B00, s4  }
0x4a: {  	s21 =	sadd.s32 $0x14F00, s4;
	s22 =	sadd.s32 $0x15300, s4;
	s23 =	sadd.s32 $0x14780, s4  }
0x4b: {  	v0 =	vimm.f32 $0.0e+00;
	v1 =	vimm.f32 $1.000000000e+00;
	s24 =	sadd.s32 $0x14B80, s4;
	s25 =	sadd.s32 $0x14F80, s4;
	s26 =	sadd.s32 $0x15380, s4  }
.LBB2_1:
0x4c: {  	s0 =	simm.s32 $0x40;
	s1 =	simm.s32 $0x0  }
.LBB2_2:
0x4d: {  	p0 =	sne.s32 s0, $0x9FC0;
	[tilespmem:s1+$0x2780] =	vst v0;
	s1 =	smov.u32 s0;
	s0 =	sadd.s32 $0x40, s0  }
.Ltmp0:
0x4e: {  	(pc) =	sbr.rel @p0 .LBB2_2-.Ltmp0, $2  }
0x4f: {  	_ =	sdelay $0x2  }
0x50: {  	s1 =	sshra.s32 s1, $0x2  }
0x51: {  	[tilespmem:s1+$0x2780] =	vst v0;
	s0 =	simm.s32 $0x0;
	s31 =	rddreg [dreg:$0x5]  }
0x52: {  	[tilespmem:s0], [sflag:$0x1] =	stream.linear.gather [hbm4b:s31+s0], $0x2710, $0x38;
	[tilespmem:$0xA200] =	vst v63  }
0x53: {  	_ =	swait.ge [sflag:s28], $0x2710  }
0x54: {  	[sflag:s28] =	ssyncset.done $0x0  }
0x55: {  	s1 =	simm.s32 $0x0;
	s0 =	simm.s32 $0x40;
	[sflag:s28] =	ssyncadd.s32 $0xFFFFD8F0  }
.LBB2_4:
0x56: {  	p0 =	sne.s32 s0, $0x9C00;
	v2 =	vld [tilespmem:s1+$0x0];
	_ =	sdelay $0x3  }
.Ltmp1:
0x57: {  	(pc) =	sbr.rel @p0 .LBB2_4-.Ltmp1, $2  }
0x58: {  	_ =	sdelay $0x2  }
0x59: {  	s1 =	sshra.s32 s0, $0x2;
	s0 =	sadd.s32 $0x40, s0;
	[tilespmem:v2+s29+$0x0] =	vst.idx.add.f32.msk $0xffff, v1  }
0x5a: {  	v2 =	vld [tilespmem:s1+$0x0];
	_ =	sdelay $0x7  }
0x5b: {  	s0 =	rddreg [dreg:$0x6];
	s3 =	simm.s32 $0x80;
	s2 =	simm.s32 $0x400;
	[tilespmem:v2+s29+$0x0] =	vst.idx.add.f32.msk $0xffff, v1  }
0x5c: {  	[spmem:s0] =	stream.strided.scatter [tilespmem:s29], [sflag:$0x1], $0x2800, s2, s3, $0x38;
	[tilespmem:$0xA200] =	vst v63  }
0x5d: {  	_ =	swait.ge [sflag:s28], $0x2800  }
0x5e: {  	[sflag:s28] =	ssyncset.done $0x0  }
0x5f: {  	[sflag:s28] =	ssyncadd.s32 $0xFFFFD800  }
0x60: {  	s1 =	simm.s32 $0x4F80;
	[bflag:$0x0] =	sbarrier.arrive $0xFFFF  }
0x61: {  	[tilespmem:s1], [sflag:$0x1] =	stream.linear.gather [spmem:s4], $0x80, $0x38;
	[tilespmem:$0xA200] =	vst v63  }
0x62: {  	s3 =	simm.s32 $0x5380;
	s2 =	rddreg [dreg:$0x17]  }
0x63: {  	[tilespmem:s3], [sflag:$0x1] =	stream.linear.gather [spmem:s2], $0x80, $0x38;
	[tilespmem:$0xA200] =	vst v63  }
0x64: {  	s2 =	rddreg [dreg:$0x18];
	s3 =	simm.s32 $0x5780  }
0x65: {  	[tilespmem:s3], [sflag:$0x1] =	stream.linear.gather [spmem:s2], $0x80, $0x38;
	[tilespmem:$0xA200] =	vst v63  }
0x66: {  	s2 =	rddreg [dreg:$0x1a];
	s3 =	simm.s32 $0x5B80  }
0x67: {  	[tilespmem:s3], [sflag:$0x1] =	stream.linear.gather [spmem:s2], $0x80, $0x38;
	[tilespmem:$0xA200] =	vst v63  }
0x68: {  	s2 =	rddreg [dreg:$0x1b];
	s3 =	simm.s32 $0x5F80  }
0x69: {  	[tilespmem:s3], [sflag:$0x1] =	stream.linear.gather [spmem:s2], $0x80, $0x38;
	[tilespmem:$0xA200] =	vst v63  }
0x6a: {  	_ =	swait.ge [sflag:s28], $0x280  }
0x6b: {  	[sflag:s28] =	ssyncset.done $0x0  }
0x6c: {  	s3 =	simm.s32 $0x5000;
	s2 =	rddreg [dreg:$0x7];
	[sflag:s28] =	ssyncadd.s32 $0xFFFFFD80  }
0x6d: {  	[tilespmem:s3], [sflag:$0x1] =	stream.linear.gather [spmem:s2], $0x80, $0x38;
	[tilespmem:$0xA200] =	vst v63  }
0x6e: {  	s2 =	rddreg [dreg:$0x1c];
	s3 =	simm.s32 $0x5400  }
0x6f: {  	[tilespmem:s3], [sflag:$0x1] =	stream.linear.gather [spmem:s2], $0x80, $0x38;
	[tilespmem:$0xA200] =	vst v63  }
0x70: {  	s2 =	rddreg [dreg:$0x1d];
	s3 =	simm.s32 $0x5800  }
0x71: {  	[tilespmem:s3], [sflag:$0x1] =	stream.linear.gather [spmem:s2], $0x80, $0x38;
	[tilespmem:$0xA200] =	vst v63  }
0x72: {  	s2 =	rddreg [dreg:$0x1e];
	s3 =	simm.s32 $0x5C00  }
0x73: {  	[tilespmem:s3], [sflag:$0x1] =	stream.linear.gather [spmem:s2], $0x80, $0x38;
	[tilespmem:$0xA200] =	vst v63  }
0x74: {  	s2 =	rddreg [dreg:$0x1f];
	s3 =	simm.s32 $0x6000  }
0x75: {  	[tilespmem:s3], [sflag:$0x1] =	stream.linear.gather [spmem:s2], $0x80, $0x38;
	[tilespmem:$0xA200] =	vst v63  }
0x76: {  	_ =	swait.ge [sflag:s28], $0x280  }
0x77: {  	[sflag:s28] =	ssyncset.done $0x0  }
0x78: {  	s3 =	simm.s32 $0x5080;
	s2 =	rddreg [dreg:$0x8];
	[sflag:s28] =	ssyncadd.s32 $0xFFFFFD80  }
0x79: {  	[tilespmem:s3], [sflag:$0x1] =	stream.linear.gather [spmem:s2], $0x80, $0x38;
	[tilespmem:$0xA200] =	vst v63  }
0x7a: {  	s2 =	sld [smem:$0x7DC];
	_ =	sdelay $0x1  }
0x7b: {  	s3 =	simm.s32 $0x5480  }
0x7c: {  	[tilespmem:s3], [sflag:$0x1] =	stream.linear.gather [spmem:s2], $0x80, $0x38;
	[tilespmem:$0xA200] =	vst v63  }
0x7d: {  	s2 =	sld [smem:$0x7DD];
	_ =	sdelay $0x1  }
0x7e: {  	s3 =	simm.s32 $0x5880  }
0x7f: {  	[tilespmem:s3], [sflag:$0x1] =	stream.linear.gather [spmem:s2], $0x80, $0x38;
	[tilespmem:$0xA200] =	vst v63  }
0x80: {  	s2 =	sld [smem:$0x7DE];
	_ =	sdelay $0x1  }
0x81: {  	s3 =	simm.s32 $0x5C80  }
0x82: {  	[tilespmem:s3], [sflag:$0x1] =	stream.linear.gather [spmem:s2], $0x80, $0x38;
	[tilespmem:$0xA200] =	vst v63  }
0x83: {  	s2 =	sld [smem:$0x7DF];
	_ =	sdelay $0x1  }
0x84: {  	s3 =	simm.s32 $0x6080  }
0x85: {  	[tilespmem:s3], [sflag:$0x1] =	stream.linear.gather [spmem:s2], $0x80, $0x38;
	[tilespmem:$0xA200] =	vst v63  }
0x86: {  	_ =	swait.ge [sflag:s28], $0x280  }
0x87: {  	[sflag:s28] =	ssyncset.done $0x0  }
0x88: {  	s3 =	simm.s32 $0x5100;
	s2 =	rddreg [dreg:$0x9];
	[sflag:s28] =	ssyncadd.s32 $0xFFFFFD80  }
0x89: {  	[tilespmem:s3], [sflag:$0x1] =	stream.linear.gather [spmem:s2], $0x80, $0x38;
	[tilespmem:$0xA200] =	vst v63  }
0x8a: {  	s2 =	sld [smem:$0x7E0];
	_ =	sdelay $0x1  }
0x8b: {  	s3 =	simm.s32 $0x5500  }
0x8c: {  	[tilespmem:s3], [sflag:$0x1] =	stream.linear.gather [spmem:s2], $0x80, $0x38;
	[tilespmem:$0xA200] =	vst v63  }
0x8d: {  	s2 =	sld [smem:$0x7E1];
	_ =	sdelay $0x1  }
0x8e: {  	s3 =	simm.s32 $0x5900  }
0x8f: {  	[tilespmem:s3], [sflag:$0x1] =	stream.linear.gather [spmem:s2], $0x80, $0x38;
	[tilespmem:$0xA200] =	vst v63  }
0x90: {  	s2 =	sld [smem:$0x7E2];
	_ =	sdelay $0x1  }
0x91: {  	s3 =	simm.s32 $0x5D00  }
0x92: {  	[tilespmem:s3], [sflag:$0x1] =	stream.linear.gather [spmem:s2], $0x80, $0x38;
	[tilespmem:$0xA200] =	vst v63  }
0x93: {  	s2 =	sld [smem:$0x7E3];
	_ =	sdelay $0x1  }
0x94: {  	s3 =	simm.s32 $0x6100  }
0x95: {  	[tilespmem:s3], [sflag:$0x1] =	stream.linear.gather [spmem:s2], $0x80, $0x38;
	[tilespmem:$0xA200] =	vst v63  }
0x96: {  	_ =	swait.ge [sflag:s28], $0x280  }
0x97: {  	[sflag:s28] =	ssyncset.done $0x0  }
0x98: {  	s3 =	simm.s32 $0x5180;
	s2 =	rddreg [dreg:$0xa];
	[sflag:s28] =	ssyncadd.s32 $0xFFFFFD80  }
0x99: {  	[tilespmem:s3], [sflag:$0x1] =	stream.linear.gather [spmem:s2], $0x80, $0x38;
	[tilespmem:$0xA200] =	vst v63  }
0x9a: {  	s2 =	sld [smem:$0x7E4];
	_ =	sdelay $0x1  }
0x9b: {  	s3 =	simm.s32 $0x5580  }
0x9c: {  	[tilespmem:s3], [sflag:$0x1] =	stream.linear.gather [spmem:s2], $0x80, $0x38;
	[tilespmem:$0xA200] =	vst v63  }
0x9d: {  	s2 =	sld [smem:$0x7E5];
	_ =	sdelay $0x1  }
0x9e: {  	s3 =	simm.s32 $0x5980  }
0x9f: {  	[tilespmem:s3], [sflag:$0x1] =	stream.linear.gather [spmem:s2], $0x80, $0x38;
	[tilespmem:$0xA200] =	vst v63  }
0xa0: {  	s2 =	sld [smem:$0x7E6];
	_ =	sdelay $0x1  }
0xa1: {  	s3 =	simm.s32 $0x5D80  }
0xa2: {  	[tilespmem:s3], [sflag:$0x1] =	stream.linear.gather [spmem:s2], $0x80, $0x38;
	[tilespmem:$0xA200] =	vst v63  }
0xa3: {  	s2 =	sld [smem:$0x7E7];
	_ =	sdelay $0x1  }
0xa4: {  	s3 =	simm.s32 $0x6180  }
0xa5: {  	[tilespmem:s3], [sflag:$0x1] =	stream.linear.gather [spmem:s2], $0x80, $0x38;
	[tilespmem:$0xA200] =	vst v63  }
0xa6: {  	_ =	swait.ge [sflag:s28], $0x280  }
0xa7: {  	[sflag:s28] =	ssyncset.done $0x0  }
0xa8: {  	s3 =	simm.s32 $0x5200;
	s2 =	rddreg [dreg:$0xb];
	[sflag:s28] =	ssyncadd.s32 $0xFFFFFD80  }
0xa9: {  	[tilespmem:s3], [sflag:$0x1] =	stream.linear.gather [spmem:s2], $0x80, $0x38;
	[tilespmem:$0xA200] =	vst v63  }
0xaa: {  	s2 =	sld [smem:$0x7E8];
	_ =	sdelay $0x1  }
0xab: {  	s3 =	simm.s32 $0x5600  }
0xac: {  	[tilespmem:s3], [sflag:$0x1] =	stream.linear.gather [spmem:s2], $0x80, $0x38;
	[tilespmem:$0xA200] =	vst v63  }
0xad: {  	s2 =	sld [smem:$0x7E9];
	_ =	sdelay $0x1  }
0xae: {  	s3 =	simm.s32 $0x5A00  }
0xaf: {  	[tilespmem:s3], [sflag:$0x1] =	stream.linear.gather [spmem:s2], $0x80, $0x38;
	[tilespmem:$0xA200] =	vst v63  }
0xb0: {  	s2 =	sld [smem:$0x7EA];
	_ =	sdelay $0x1  }
0xb1: {  	s3 =	simm.s32 $0x5E00  }
0xb2: {  	[tilespmem:s3], [sflag:$0x1] =	stream.linear.gather [spmem:s2], $0x80, $0x38;
	[tilespmem:$0xA200] =	vst v63  }
0xb3: {  	s2 =	sld [smem:$0x7EB];
	_ =	sdelay $0x1  }
0xb4: {  	s3 =	simm.s32 $0x6200  }
0xb5: {  	[tilespmem:s3], [sflag:$0x1] =	stream.linear.gather [spmem:s2], $0x80, $0x38;
	[tilespmem:$0xA200] =	vst v63  }
0xb6: {  	_ =	swait.ge [sflag:s28], $0x280  }
0xb7: {  	[sflag:s28] =	ssyncset.done $0x0  }
0xb8: {  	s3 =	simm.s32 $0x5280;
	s2 =	rddreg [dreg:$0xc];
	[sflag:s28] =	ssyncadd.s32 $0xFFFFFD80  }
0xb9: {  	[tilespmem:s3], [sflag:$0x1] =	stream.linear.gather [spmem:s2], $0x80, $0x38;
	[tilespmem:$0xA200] =	vst v63  }
0xba: {  	s2 =	sld [smem:$0x7EC];
	_ =	sdelay $0x1  }
0xbb: {  	s3 =	simm.s32 $0x5680  }
0xbc: {  	[tilespmem:s3], [sflag:$0x1] =	stream.linear.gather [spmem:s2], $0x80, $0x38;
	[tilespmem:$0xA200] =	vst v63  }
0xbd: {  	s2 =	sld [smem:$0x7ED];
	_ =	sdelay $0x1  }
0xbe: {  	s3 =	simm.s32 $0x5A80  }
0xbf: {  	[tilespmem:s3], [sflag:$0x1] =	stream.linear.gather [spmem:s2], $0x80, $0x38;
	[tilespmem:$0xA200] =	vst v63  }
0xc0: {  	s2 =	sld [smem:$0x7EE];
	_ =	sdelay $0x1  }
0xc1: {  	s3 =	simm.s32 $0x5E80  }
0xc2: {  	[tilespmem:s3], [sflag:$0x1] =	stream.linear.gather [spmem:s2], $0x80, $0x38;
	[tilespmem:$0xA200] =	vst v63  }
0xc3: {  	s2 =	sld [smem:$0x7EF];
	_ =	sdelay $0x1  }
0xc4: {  	s3 =	simm.s32 $0x6280  }
0xc5: {  	[tilespmem:s3], [sflag:$0x1] =	stream.linear.gather [spmem:s2], $0x80, $0x38;
	[tilespmem:$0xA200] =	vst v63  }
0xc6: {  	_ =	swait.ge [sflag:s28], $0x280  }
0xc7: {  	[sflag:s28] =	ssyncset.done $0x0  }
0xc8: {  	s3 =	simm.s32 $0x5300;
	s2 =	rddreg [dreg:$0xd];
	[sflag:s28] =	ssyncadd.s32 $0xFFFFFD80  }
0xc9: {  	[tilespmem:s3], [sflag:$0x1] =	stream.linear.gather [spmem:s2], $0x80, $0x38;
	[tilespmem:$0xA200] =	vst v63  }
0xca: {  	s2 =	sld [smem:$0x7F0];
	_ =	sdelay $0x1  }
0xcb: {  	s3 =	simm.s32 $0x5700  }
0xcc: {  	[tilespmem:s3], [sflag:$0x1] =	stream.linear.gather [spmem:s2], $0x80, $0x38;
	[tilespmem:$0xA200] =	vst v63  }
0xcd: {  	s2 =	sld [smem:$0x7F1];
	_ =	sdelay $0x1  }
0xce: {  	s3 =	simm.s32 $0x5B00  }
0xcf: {  	[tilespmem:s3], [sflag:$0x1] =	stream.linear.gather [spmem:s2], $0x80, $0x38;
	[tilespmem:$0xA200] =	vst v63  }
0xd0: {  	s2 =	sld [smem:$0x7F2];
	_ =	sdelay $0x1  }
0xd1: {  	s3 =	simm.s32 $0x5F00  }
0xd2: {  	[tilespmem:s3], [sflag:$0x1] =	stream.linear.gather [spmem:s2], $0x80, $0x38;
	[tilespmem:$0xA200] =	vst v63  }
0xd3: {  	s2 =	sld [smem:$0x7F3];
	_ =	sdelay $0x1  }
0xd4: {  	s3 =	simm.s32 $0x6300  }
0xd5: {  	[tilespmem:s3], [sflag:$0x1] =	stream.linear.gather [spmem:s2], $0x80, $0x38;
	[tilespmem:$0xA200] =	vst v63  }
0xd6: {  	_ =	swait.ge [sflag:s28], $0x280  }
0xd7: {  	[sflag:s28] =	ssyncset.done $0x0  }
0xd8: {  	s3 =	simm.s32 $0x6380;
	s2 =	rddreg [dreg:$0xe];
	[sflag:s28] =	ssyncadd.s32 $0xFFFFFD80  }
0xd9: {  	[tilespmem:s3], [sflag:$0x1] =	stream.linear.gather [spmem:s2], $0x80, $0x38;
	[tilespmem:$0xA200] =	vst v63  }
0xda: {  	s2 =	sld [smem:$0x7F4];
	_ =	sdelay $0x1  }
0xdb: {  	s3 =	simm.s32 $0x6780  }
0xdc: {  	[tilespmem:s3], [sflag:$0x1] =	stream.linear.gather [spmem:s2], $0x80, $0x38;
	[tilespmem:$0xA200] =	vst v63  }
0xdd: {  	s2 =	sld [smem:$0x7F5];
	_ =	sdelay $0x1  }
0xde: {  	s3 =	simm.s32 $0x6B80  }
0xdf: {  	[tilespmem:s3], [sflag:$0x1] =	stream.linear.gather [spmem:s2], $0x80, $0x38;
	[tilespmem:$0xA200] =	vst v63  }
0xe0: {  	s2 =	sld [smem:$0x7F6];
	_ =	sdelay $0x1  }
0xe1: {  	s3 =	simm.s32 $0x6F80  }
0xe2: {  	[tilespmem:s3], [sflag:$0x1] =	stream.linear.gather [spmem:s2], $0x80, $0x38;
	[tilespmem:$0xA200] =	vst v63  }
0xe3: {  	s2 =	sld [smem:$0x7F7];
	_ =	sdelay $0x1  }
0xe4: {  	s3 =	simm.s32 $0x7380  }
0xe5: {  	[tilespmem:s3], [sflag:$0x1] =	stream.linear.gather [spmem:s2], $0x80, $0x38;
	[tilespmem:$0xA200] =	vst v63  }
0xe6: {  	_ =	swait.ge [sflag:s28], $0x280  }
0xe7: {  	[sflag:s28] =	ssyncset.done $0x0  }
0xe8: {  	s3 =	simm.s32 $0x6400;
	s2 =	rddreg [dreg:$0xf];
	[sflag:s28] =	ssyncadd.s32 $0xFFFFFD80  }
0xe9: {  	[tilespmem:s3], [sflag:$0x1] =	stream.linear.gather [spmem:s2], $0x80, $0x38;
	[tilespmem:$0xA200] =	vst v63  }
0xea: {  	s2 =	sld [smem:$0x7F8];
	_ =	sdelay $0x1  }
0xeb: {  	s3 =	simm.s32 $0x6800  }
0xec: {  	[tilespmem:s3], [sflag:$0x1] =	stream.linear.gather [spmem:s2], $0x80, $0x38;
	[tilespmem:$0xA200] =	vst v63  }
0xed: {  	s2 =	sld [smem:$0x7F9];
	_ =	sdelay $0x1  }
0xee: {  	s3 =	simm.s32 $0x6C00  }
0xef: {  	[tilespmem:s3], [sflag:$0x1] =	stream.linear.gather [spmem:s2], $0x80, $0x38;
	[tilespmem:$0xA200] =	vst v63  }
0xf0: {  	s2 =	sld [smem:$0x7FA];
	_ =	sdelay $0x1  }
0xf1: {  	s3 =	simm.s32 $0x7000  }
0xf2: {  	[tilespmem:s3], [sflag:$0x1] =	stream.linear.gather [spmem:s2], $0x80, $0x38;
	[tilespmem:$0xA200] =	vst v63  }
0xf3: {  	s2 =	sld [smem:$0x7FB];
	_ =	sdelay $0x1  }
0xf4: {  	s3 =	simm.s32 $0x7400  }
0xf5: {  	[tilespmem:s3], [sflag:$0x1] =	stream.linear.gather [spmem:s2], $0x80, $0x38;
	[tilespmem:$0xA200] =	vst v63  }
0xf6: {  	_ =	swait.ge [sflag:s28], $0x280  }
0xf7: {  	[sflag:s28] =	ssyncset.done $0x0  }
0xf8: {  	s3 =	simm.s32 $0x6480;
	s2 =	rddreg [dreg:$0x10];
	[sflag:s28] =	ssyncadd.s32 $0xFFFFFD80  }
0xf9: {  	[tilespmem:s3], [sflag:$0x1] =	stream.linear.gather [spmem:s2], $0x80, $0x38;
	[tilespmem:$0xA200] =	vst v63  }
0xfa: {  	s2 =	sld [smem:$0x7FC];
	_ =	sdelay $0x1  }
0xfb: {  	s1 =	sld [smem:$0x7FD];
	s3 =	simm.s32 $0x6880  }
0xfc: {  	[tilespmem:s3], [sflag:$0x1] =	stream.linear.gather [spmem:s2], $0x80, $0x38;
	[tilespmem:$0xA200] =	vst v63  }
0xfd: {  	s2 =	simm.s32 $0x6C80  }
0xfe: {  	[tilespmem:s2], [sflag:$0x1] =	stream.linear.gather [spmem:s1], $0x80, $0x38;
	[tilespmem:$0xA200] =	vst v63  }
0xff: {  	s3 =	simm.s32 $0x7080  }
0x100: {  	[tilespmem:s3], [sflag:$0x1] =	stream.linear.gather [spmem:s5], $0x80, $0x38;
	[tilespmem:$0xA200] =	vst v63  }
0x101: {  	s1 =	simm.s32 $0x7480  }
0x102: {  	[tilespmem:s1], [sflag:$0x1] =	stream.linear.gather [spmem:s6], $0x80, $0x38;
	[tilespmem:$0xA200] =	vst v63  }
0x103: {  	_ =	swait.ge [sflag:s28], $0x280  }
0x104: {  	[sflag:s28] =	ssyncset.done $0x0  }
0x105: {  	s3 =	simm.s32 $0x6500;
	s2 =	rddreg [dreg:$0x11];
	[sflag:s28] =	ssyncadd.s32 $0xFFFFFD80  }
0x106: {  	[tilespmem:s3], [sflag:$0x1] =	stream.linear.gather [spmem:s2], $0x80, $0x38;
	[tilespmem:$0xA200] =	vst v63  }
0x107: {  	s1 =	simm.s32 $0x6900  }
0x108: {  	[tilespmem:s1], [sflag:$0x1] =	stream.linear.gather [spmem:s7], $0x80, $0x38;
	[tilespmem:$0xA200] =	vst v63  }
0x109: {  	s2 =	simm.s32 $0x6D00  }
0x10a: {  	[tilespmem:s2], [sflag:$0x1] =	stream.linear.gather [spmem:s8], $0x80, $0x38;
	[tilespmem:$0xA200] =	vst v63  }
0x10b: {  	s3 =	simm.s32 $0x7100  }
0x10c: {  	[tilespmem:s3], [sflag:$0x1] =	stream.linear.gather [spmem:s9], $0x80, $0x38;
	[tilespmem:$0xA200] =	vst v63  }
0x10d: {  	s1 =	simm.s32 $0x7500  }
0x10e: {  	[tilespmem:s1], [sflag:$0x1] =	stream.linear.gather [spmem:s10], $0x80, $0x38;
	[tilespmem:$0xA200] =	vst v63  }
0x10f: {  	_ =	swait.ge [sflag:s28], $0x280  }
0x110: {  	[sflag:s28] =	ssyncset.done $0x0  }
0x111: {  	s3 =	simm.s32 $0x6580;
	s2 =	rddreg [dreg:$0x12];
	[sflag:s28] =	ssyncadd.s32 $0xFFFFFD80  }
0x112: {  	[tilespmem:s3], [sflag:$0x1] =	stream.linear.gather [spmem:s2], $0x80, $0x38;
	[tilespmem:$0xA200] =	vst v63  }
0x113: {  	s1 =	simm.s32 $0x6980  }
0x114: {  	[tilespmem:s1], [sflag:$0x1] =	stream.linear.gather [spmem:s11], $0x80, $0x38;
	[tilespmem:$0xA200] =	vst v63  }
0x115: {  	s2 =	simm.s32 $0x6D80  }
0x116: {  	[tilespmem:s2], [sflag:$0x1] =	stream.linear.gather [spmem:s12], $0x80, $0x38;
	[tilespmem:$0xA200] =	vst v63  }
0x117: {  	s3 =	simm.s32 $0x7180  }
0x118: {  	[tilespmem:s3], [sflag:$0x1] =	stream.linear.gather [spmem:s13], $0x80, $0x38;
	[tilespmem:$0xA200] =	vst v63  }
0x119: {  	s1 =	simm.s32 $0x7580  }
0x11a: {  	[tilespmem:s1], [sflag:$0x1] =	stream.linear.gather [spmem:s14], $0x80, $0x38;
	[tilespmem:$0xA200] =	vst v63  }
0x11b: {  	_ =	swait.ge [sflag:s28], $0x280  }
0x11c: {  	[sflag:s28] =	ssyncset.done $0x0  }
0x11d: {  	s3 =	simm.s32 $0x6600;
	s2 =	rddreg [dreg:$0x13];
	[sflag:s28] =	ssyncadd.s32 $0xFFFFFD80  }
0x11e: {  	[tilespmem:s3], [sflag:$0x1] =	stream.linear.gather [spmem:s2], $0x80, $0x38;
	[tilespmem:$0xA200] =	vst v63  }
0x11f: {  	s1 =	simm.s32 $0x6A00  }
0x120: {  	[tilespmem:s1], [sflag:$0x1] =	stream.linear.gather [spmem:s15], $0x80, $0x38;
	[tilespmem:$0xA200] =	vst v63  }
0x121: {  	s2 =	simm.s32 $0x6E00  }
0x122: {  	[tilespmem:s2], [sflag:$0x1] =	stream.linear.gather [spmem:s16], $0x80, $0x38;
	[tilespmem:$0xA200] =	vst v63  }
0x123: {  	s3 =	simm.s32 $0x7200  }
0x124: {  	[tilespmem:s3], [sflag:$0x1] =	stream.linear.gather [spmem:s17], $0x80, $0x38;
	[tilespmem:$0xA200] =	vst v63  }
0x125: {  	s1 =	simm.s32 $0x7600  }
0x126: {  	[tilespmem:s1], [sflag:$0x1] =	stream.linear.gather [spmem:s18], $0x80, $0x38;
	[tilespmem:$0xA200] =	vst v63  }
0x127: {  	_ =	swait.ge [sflag:s28], $0x280  }
0x128: {  	[sflag:s28] =	ssyncset.done $0x0  }
0x129: {  	s3 =	simm.s32 $0x6680;
	s2 =	rddreg [dreg:$0x14];
	[sflag:s28] =	ssyncadd.s32 $0xFFFFFD80  }
0x12a: {  	[tilespmem:s3], [sflag:$0x1] =	stream.linear.gather [spmem:s2], $0x80, $0x38;
	[tilespmem:$0xA200] =	vst v63  }
0x12b: {  	s1 =	simm.s32 $0x6A80  }
0x12c: {  	[tilespmem:s1], [sflag:$0x1] =	stream.linear.gather [spmem:s19], $0x80, $0x38;
	[tilespmem:$0xA200] =	vst v63  }
0x12d: {  	s2 =	simm.s32 $0x6E80  }
0x12e: {  	[tilespmem:s2], [sflag:$0x1] =	stream.linear.gather [spmem:s20], $0x80, $0x38;
	[tilespmem:$0xA200] =	vst v63  }
0x12f: {  	s3 =	simm.s32 $0x7280  }
0x130: {  	[tilespmem:s3], [sflag:$0x1] =	stream.linear.gather [spmem:s21], $0x80, $0x38;
	[tilespmem:$0xA200] =	vst v63  }
0x131: {  	s1 =	simm.s32 $0x7680  }
0x132: {  	[tilespmem:s1], [sflag:$0x1] =	stream.linear.gather [spmem:s22], $0x80, $0x38;
	[tilespmem:$0xA200] =	vst v63  }
0x133: {  	_ =	swait.ge [sflag:s28], $0x280  }
0x134: {  	[sflag:s28] =	ssyncset.done $0x0  }
0x135: {  	s3 =	simm.s32 $0x6700;
	s2 =	rddreg [dreg:$0x15];
	[sflag:s28] =	ssyncadd.s32 $0xFFFFFD80  }
0x136: {  	[tilespmem:s3], [sflag:$0x1] =	stream.linear.gather [spmem:s2], $0x80, $0x38;
	[tilespmem:$0xA200] =	vst v63  }
0x137: {  	s1 =	simm.s32 $0x6B00  }
0x138: {  	[tilespmem:s1], [sflag:$0x1] =	stream.linear.gather [spmem:s23], $0x80, $0x38;
	[tilespmem:$0xA200] =	vst v63  }
0x139: {  	s2 =	simm.s32 $0x6F00  }
0x13a: {  	[tilespmem:s2], [sflag:$0x1] =	stream.linear.gather [spmem:s24], $0x80, $0x38;
	[tilespmem:$0xA200] =	vst v63  }
0x13b: {  	s3 =	simm.s32 $0x7300  }
0x13c: {  	[tilespmem:s3], [sflag:$0x1] =	stream.linear.gather [spmem:s25], $0x80, $0x38;
	[tilespmem:$0xA200] =	vst v63  }
0x13d: {  	s1 =	simm.s32 $0x7700  }
0x13e: {  	[tilespmem:s1], [sflag:$0x1] =	stream.linear.gather [spmem:s26], $0x80, $0x38;
	[tilespmem:$0xA200] =	vst v63  }
0x13f: {  	s2 =	simm.s32 $0x0;
	_ =	swait.ge [sflag:s28], $0x280  }
0x140: {  	s0 =	sand.u32 $0x1C00, s2;
	s3 =	sand.u32 $0x70, s2;
	[sflag:s28] =	ssyncset.done $0x0  }
0x141: {  	s0 =	sor.u32 s3, s0;
	[sflag:s28] =	ssyncadd.s32 $0xFFFFFD80  }
0x142: {  	v2 =	vld [tilespmem:s0+$0x5000]  }
0x143: {  	v3 =	vld [tilespmem:s0+$0x4F80];
	_ =	sdelay $0x1  }
0x144: {  	v4 =	vld [tilespmem:s0+$0x5080];
	_ =	sdelay $0x1  }
0x145: {  	v5 =	vld [tilespmem:s0+$0x5100]  }
0x146: {  	v2 =	vadd.f32 v2, v3  }
0x147: {  	v3 =	vld [tilespmem:s0+$0x5180]  }
0x148: {  	v2 =	vadd.f32 v4, v2  }
0x149: {  	v56 =	vld [tilespmem:s0+$0x5200]  }
0x14a: {  	v2 =	vadd.f32 v5, v2  }
0x14b: {  	v57 =	vld [tilespmem:s0+$0x5280]  }
0x14c: {  	v2 =	vadd.f32 v3, v2  }
0x14d: {  	v3 =	vld [tilespmem:s0+$0x5300]  }
0x14e: {  	v2 =	vadd.f32 v56, v2  }
0x14f: {  	v58 =	vld [tilespmem:s0+$0x6380]  }
0x150: {  	v2 =	vadd.f32 v57, v2  }
0x151: {  	v59 =	vld [tilespmem:s0+$0x6400]  }
0x152: {  	v2 =	vadd.f32 v3, v2  }
0x153: {  	v3 =	vld [tilespmem:s0+$0x6480]  }
0x154: {  	v2 =	vadd.f32 v58, v2  }
0x155: {  	v60 =	vld [tilespmem:s0+$0x6500]  }
0x156: {  	v2 =	vadd.f32 v59, v2  }
0x157: {  	v61 =	vld [tilespmem:s0+$0x6580]  }
0x158: {  	v2 =	vadd.f32 v3, v2  }
0x159: {  	v3 =	vld [tilespmem:s0+$0x6600]  }
0x15a: {  	v2 =	vadd.f32 v60, v2  }
0x15b: {  	v62 =	vld [tilespmem:s0+$0x6680]  }
0x15c: {  	v2 =	vadd.f32 v61, v2  }
0x15d: {  	v63 =	vld [tilespmem:s0+$0x6700]  }
0x15e: {  	v2 =	vadd.f32 v3, v2;
	_ =	sdelay $0x1  }
0x15f: {  	v2 =	vadd.f32 v62, v2;
	_ =	sdelay $0x1  }
0x160: {  	s2 =	simm.s32 $0x10;
	s0 =	simm.s32 $0x80;
	v2 =	vadd.f32 v63, v2  }
0x161: {  	s31 =	simm.s32 $0x7780;
	s1 =	sand.u32 $0x70, s2;
	s3 =	sand.u32 $0x1C00, s0  }
0x162: {  	s2 =	simm.s32 $0x20;
	s1 =	sor.u32 s1, s3;
	[tilespmem:s31+$0x0] =	vst v2  }
.LBB2_6:
0x163: {  	p0 =	sne.s32 s2, $0x270;
	v2 =	vld [tilespmem:s1+$0x5000]  }
0x164: {  	v3 =	vld [tilespmem:s1+$0x4F80];
	_ =	sdelay $0x1  }
0x165: {  	v4 =	vld [tilespmem:s1+$0x5080];
	_ =	sdelay $0x1  }
0x166: {  	v5 =	vld [tilespmem:s1+$0x5100]  }
0x167: {  	v2 =	vadd.f32 v2, v3  }
0x168: {  	v3 =	vld [tilespmem:s1+$0x5180]  }
0x169: {  	v2 =	vadd.f32 v4, v2  }
0x16a: {  	v4 =	vld [tilespmem:s1+$0x5200]  }
0x16b: {  	v2 =	vadd.f32 v5, v2  }
0x16c: {  	v5 =	vld [tilespmem:s1+$0x5280]  }
0x16d: {  	v2 =	vadd.f32 v3, v2  }
0x16e: {  	v3 =	vld [tilespmem:s1+$0x5300]  }
0x16f: {  	v2 =	vadd.f32 v4, v2  }
0x170: {  	v4 =	vld [tilespmem:s1+$0x6380]  }
0x171: {  	v2 =	vadd.f32 v5, v2  }
0x172: {  	v5 =	vld [tilespmem:s1+$0x6400]  }
0x173: {  	v2 =	vadd.f32 v3, v2  }
0x174: {  	v3 =	vld [tilespmem:s1+$0x6480]  }
0x175: {  	v2 =	vadd.f32 v4, v2  }
0x176: {  	v4 =	vld [tilespmem:s1+$0x6500]  }
0x177: {  	v2 =	vadd.f32 v5, v2  }
0x178: {  	v5 =	vld [tilespmem:s1+$0x6580]  }
0x179: {  	v2 =	vadd.f32 v3, v2  }
0x17a: {  	v3 =	vld [tilespmem:s1+$0x6600]  }
0x17b: {  	v2 =	vadd.f32 v4, v2  }
0x17c: {  	v4 =	vld [tilespmem:s1+$0x6680]  }
0x17d: {  	v2 =	vadd.f32 v5, v2  }
0x17e: {  	v5 =	vld [tilespmem:s1+$0x6700]  }
0x17f: {  	v2 =	vadd.f32 v3, v2;
	_ =	sdelay $0x1  }
.Ltmp2:
0x180: {  	v2 =	vadd.f32 v4, v2;
	(pc) =	sbr.rel @p0 .LBB2_6-.Ltmp2, $4  }
0x181: {  	_ = 	snop  }
0x182: {  	s0 =	sadd.s32 $0x80, s0;
	v2 =	vadd.f32 v5, v2  }
0x183: {  	s31 =	sadd.s32 $0x10, s31;
	s3 =	sand.u32 $0x1C00, s0;
	s1 =	sand.u32 $0x70, s2  }
0x184: {  	s2 =	sadd.s32 $0x10, s2;
	s1 =	sor.u32 s1, s3;
	[tilespmem:s31+$0x0] =	vst v2  }
0x185: {  	v2 =	vld [tilespmem:s1+$0x5000]  }
0x186: {  	v3 =	vld [tilespmem:s1+$0x4F80];
	_ =	sdelay $0x1  }
0x187: {  	v4 =	vld [tilespmem:s1+$0x5080];
	_ =	sdelay $0x1  }
0x188: {  	v5 =	vld [tilespmem:s1+$0x5100]  }
0x189: {  	v2 =	vadd.f32 v2, v3  }
0x18a: {  	v3 =	vld [tilespmem:s1+$0x5180]  }
0x18b: {  	v2 =	vadd.f32 v4, v2  }
0x18c: {  	v56 =	vld [tilespmem:s1+$0x5200]  }
0x18d: {  	v2 =	vadd.f32 v5, v2  }
0x18e: {  	v57 =	vld [tilespmem:s1+$0x5280]  }
0x18f: {  	v2 =	vadd.f32 v3, v2  }
0x190: {  	v3 =	vld [tilespmem:s1+$0x5300]  }
0x191: {  	v2 =	vadd.f32 v56, v2  }
0x192: {  	v58 =	vld [tilespmem:s1+$0x6380]  }
0x193: {  	v2 =	vadd.f32 v57, v2  }
0x194: {  	v59 =	vld [tilespmem:s1+$0x6400]  }
0x195: {  	v2 =	vadd.f32 v3, v2  }
0x196: {  	v3 =	vld [tilespmem:s1+$0x6480]  }
0x197: {  	v2 =	vadd.f32 v58, v2  }
0x198: {  	v60 =	vld [tilespmem:s1+$0x6500]  }
0x199: {  	v2 =	vadd.f32 v59, v2  }
0x19a: {  	v61 =	vld [tilespmem:s1+$0x6580]  }
0x19b: {  	v2 =	vadd.f32 v3, v2  }
0x19c: {  	v3 =	vld [tilespmem:s1+$0x6600]  }
0x19d: {  	v2 =	vadd.f32 v60, v2  }
0x19e: {  	v62 =	vld [tilespmem:s1+$0x6680]  }
0x19f: {  	v2 =	vadd.f32 v61, v2  }
0x1a0: {  	v63 =	vld [tilespmem:s1+$0x6700]  }
0x1a1: {  	v2 =	vadd.f32 v3, v2;
	_ =	sdelay $0x1  }
0x1a2: {  	v2 =	vadd.f32 v62, v2;
	_ =	sdelay $0x1  }
0x1a3: {  	v2 =	vadd.f32 v63, v2  }
0x1a4: {  	s0 =	sadd.s32 $0x10, s31  }
0x1a5: {  	s3 =	rddreg [dreg:$0x19];
	s2 =	simm.s32 $0x7780;
	s1 =	simm.s32 $0x0;
	[tilespmem:s0+$0x0] =	vst v2  }
0x1a6: {  	[hbm4b:s3+s1] =	stream.linear.scatter [tilespmem:s2], [sflag:$0x1], $0x280, $0x38;
	[tilespmem:$0xA200] =	vst v63  }
0x1a7: {  	_ =	swait.ge [sflag:s28], $0x280  }
0x1a8: {  	s30 =	sadd.s32 $0x1, s30;
	s31 =	rddreg [dreg:$0x16]  }
0x1a9: {  	p0 =	sne.s32 s30, s31  }
.Ltmp3:
0x1aa: {  	_ = 	snop;
	(pc) =	sbr.rel @p0 .LBB2_1-.Ltmp3, $3  }
0x1ab: {  	_ =	sdelay $0x1  }
0x1ac: {  	[sflag:s28] =	ssyncset.done $0x0  }
0x1ad: {  	[sflag:s28] =	ssyncadd.s32 $0xFFFFFD80  }
0x1ae: {  	_ =	sfence.sel $0x180000  }
0x1af: {  	[bflag:$0x0] =	sbarrier.arrive $0xFFFF  }
0x1b0: {  	_ =	strace $0x90000047  }
0x1b1: {  	s0 =	stileid.u32;
	[bflag:$0x2] =	sbarrier.arrive $0xFFFF  }
0x1b2: {  	p0 =	sne.s32 s0, $0x0;
	s0 =	rddreg [dreg:$0x4]  }
0x1b3: {  	s0 =	sadd.s32 @!p0 $0x100000, s0  }
0x1b4: {  	[sflag:s0] =	ssyncadd.tile.s32 @!p0 $0x1;
	_ =	shalt  }
.Lfunc_end2:
_tile_overlayer_lowered:
.L_overlay_start_2:
0x1b5: {  	(tag) =	ssettag $0x2  }
0x1b6: {  	s0 =	rddreg [dreg:$0x0];
	s2 =	stileid.u32  }
0x1b7: {  	s1 =	rddreg [dreg:$0x1];
	p0 =	sne.s32 s2, $0x0  }
0x1b8: {  	s3 =	rddreg [dreg:$0x2];
	[bflag:$0x3] =	sbarrier.arrive $0xFFFF;
	s2 =	simm.s32 @!p0 $0x1C01  }
0x1b9: {  	[timem:s3], [sflag:s2] =	dma.local @!p0 [hbm:s0], s1  }
0x1ba: {  	s0 =	simm.s32 @!p0 $0x1  }
0x1bb: {  	_ =	swait.ge @!p0 [sflag:s0], s1  }
0x1bc: {  	s1 =	ssub.s32 @!p0 $0x0, s1;
	[sflag:s0] =	ssyncset.done @!p0 $0x0  }
0x1bd: {  	[sflag:s0] =	ssyncadd.s32 @!p0 s1  }
0x1be: {  	[bflag:$0x3] =	sbarrier.arrive $0xFFFF  }
0x1bf: {  	_ =	shalt  }

</sc_bundles>
